<compile_context>
chip_gen: v7x
topology: tpu7x:2x2x1
jax: 0.10.2.dev20260603
libtpu: 0.0.44.dev20260713+nightly
codegen_flags: <defaults>
</compile_context>

<pallas_src>
import functools

import jax
import jax.numpy as jnp
from jax import lax
from jax.experimental import pallas as pl
from jax.experimental.pallas import tpu as pltpu
from jax.experimental.pallas import tpu_sc as plsc

D = 64
LANES = 16
NC, NS = 2, 16
NW = NC * NS
B = 16384
BW = B // NW
CHUNK = 128
NCH = BW // CHUNK

_mesh = plsc.VectorSubcoreMesh(core_axis_name="c", subcore_axis_name="s")

_cp = pltpu.CompilerParams(
    needs_layout_passes=False,
    use_tc_tiling_on_sc=False,
)


@functools.partial(
    pl.kernel,
    compiler_params=_cp,
    out_type=(
        jax.ShapeDtypeStruct((B,), jnp.float32),
        jax.ShapeDtypeStruct((B,), jnp.float32),
    ),
    mesh=_mesh,
    scratch_types=[
        pltpu.VMEM((NCH, CHUNK), jnp.int32),
        pltpu.VMEM((NCH, CHUNK), jnp.int32),
        pltpu.VMEM((NCH, CHUNK), jnp.int32),
        pltpu.VMEM((BW, D), jnp.float32),
        pltpu.VMEM((BW, D), jnp.float32),
        pltpu.VMEM((BW, D), jnp.float32),
        pltpu.VMEM((BW,), jnp.float32),
        pltpu.VMEM((BW,), jnp.float32),
        pltpu.SemaphoreType.DMA,
    ],
)
def _bpr_sc(user_table_hbm, item_table_hbm, user_hbm, item_i_hbm, item_j_hbm,
            out_i_hbm, out_j_hbm,
            idx_u, idx_i, idx_j, u_rows, i_rows, j_rows, oi, oj, sem):
    wid = lax.axis_index("s") * NC + lax.axis_index("c")
    base = wid * BW

    pltpu.sync_copy(user_hbm.at[wid], idx_u)
    pltpu.sync_copy(item_i_hbm.at[wid], idx_i)
    pltpu.sync_copy(item_j_hbm.at[wid], idx_j)

    copies = []
    for c in range(NCH):
        rows = pl.ds(c * CHUNK, CHUNK)
        copies.append(pltpu.async_copy(
            user_table_hbm.at[idx_u.at[c]], u_rows.at[rows], sem))
        copies.append(pltpu.async_copy(
            item_table_hbm.at[idx_i.at[c]], i_rows.at[rows], sem))
        copies.append(pltpu.async_copy(
            item_table_hbm.at[idx_j.at[c]], j_rows.at[rows], sem))
    for cp in copies:
        cp.wait()

    lane = lax.iota(jnp.int32, LANES)

    @pl.loop(0, BW, step=LANES)
    def _(r0):
        res_i = jnp.zeros((LANES,), jnp.float32)
        res_j = jnp.zeros((LANES,), jnp.float32)
        for rr in range(LANES):
            r = r0 + rr
            acc_i = jnp.zeros((LANES,), jnp.float32)
            acc_j = jnp.zeros((LANES,), jnp.float32)
            for c in range(D // LANES):
                cols = pl.ds(c * LANES, LANES)
                u = u_rows[r, cols]
                acc_i = acc_i + u * i_rows[r, cols]
                acc_j = acc_j + u * j_rows[r, cols]
            res_i = jnp.where(lane == rr, jnp.sum(acc_i), res_i)
            res_j = jnp.where(lane == rr, jnp.sum(acc_j), res_j)
        oi[pl.ds(r0, LANES)] = res_i
        oj[pl.ds(r0, LANES)] = res_j

    pltpu.sync_copy(oi, out_i_hbm.at[pl.ds(base, BW)])
    pltpu.sync_copy(oj, out_j_hbm.at[pl.ds(base, BW)])


def kernel(user_table, item_table, user, item_i, item_j):
    u = user.astype(jnp.int32).reshape(NW, NCH, CHUNK)
    ii = item_i.astype(jnp.int32).reshape(NW, NCH, CHUNK)
    ij = item_j.astype(jnp.int32).reshape(NW, NCH, CHUNK)
    return _bpr_sc(user_table, item_table, u, ii, ij)

# --- scband reference (transcript-rebuilt; emitter-appended) ---
"""Pipeline reference for scband-bpr-67199058313736 (READ-ONLY COPY).

The authoritative reference and input builder live on the scoring server;
editing this copy changes nothing except your own understanding.
"""

import jax, jax.numpy as jnp
import numpy as np

USER_NUM = 1000000
ITEM_NUM = 1000000
FACTOR_NUM = 64
BATCH = 16384

def setup_inputs(seed: int = 0) -> dict:
    key = jax.random.key(seed)
    k1, k2, k3, k4, k5 = jax.random.split(key, 5)
    user = jax.random.randint(k1, (BATCH,), 0, USER_NUM, dtype=jnp.int64 if jax.config.jax_enable_x64 else jnp.int32)
    item_i = jax.random.randint(k2, (BATCH,), 0, ITEM_NUM, dtype=jnp.int64 if jax.config.jax_enable_x64 else jnp.int32)
    item_j = jax.random.randint(k3, (BATCH,), 0, ITEM_NUM, dtype=jnp.int64 if jax.config.jax_enable_x64 else jnp.int32)
    user_table = jax.random.normal(k4, (USER_NUM, FACTOR_NUM), dtype=jnp.float32) * 0.01
    item_table = jax.random.normal(k5, (ITEM_NUM, FACTOR_NUM), dtype=jnp.float32) * 0.01
    return {"user_table": user_table, "item_table": item_table, "user": user, "item_i": item_i, "item_j": item_j}

def reference(user_table, item_table, user, item_i, item_j):
    user_embed_vec = jnp.take(user_table, user, axis=0)
    item_i_embed_vec = jnp.take(item_table, item_i, axis=0)
    item_j_embed_vec = jnp.take(item_table, item_j, axis=0)
    prediction_i = (user_embed_vec * item_i_embed_vec).sum(axis=-1)
    prediction_j = (user_embed_vec * item_j_embed_vec).sum(axis=-1)
    return (prediction_i, prediction_j)

if __name__ == "__main__":
    import jax
    _d = setup_inputs()
    print(jax.jit(kernel)(*tuple(_d.values())))

</pallas_src>

<mosaic_0001>
#map = affine_map<(d0, d1) -> (0, 0)>
#map1 = affine_map<(d0, d1) -> (0, 0, 0)>
#map2 = affine_map<(d0, d1) -> (0)>
module attributes {stable_mosaic.version = 14 : i64} {
  func.func @_bpr_sc(%arg0: i32, %arg1: i32, %arg2: memref<1000000x64xf32, #tpu.memory_space<hbm>>, %arg3: memref<1000000x64xf32, #tpu.memory_space<hbm>>, %arg4: memref<32x4x128xi32, #tpu.memory_space<hbm>>, %arg5: memref<32x4x128xi32, #tpu.memory_space<hbm>>, %arg6: memref<32x4x128xi32, #tpu.memory_space<hbm>>, %arg7: memref<16384xf32, #tpu.memory_space<hbm>>, %arg8: memref<16384xf32, #tpu.memory_space<hbm>>, %arg9: memref<4x128xi32, #tpu.memory_space<vmem>>, %arg10: memref<4x128xi32, #tpu.memory_space<vmem>>, %arg11: memref<4x128xi32, #tpu.memory_space<vmem>>, %arg12: memref<512x64xf32, #tpu.memory_space<vmem>>, %arg13: memref<512x64xf32, #tpu.memory_space<vmem>>, %arg14: memref<512x64xf32, #tpu.memory_space<vmem>>, %arg15: memref<512xf32, #tpu.memory_space<vmem>>, %arg16: memref<512xf32, #tpu.memory_space<vmem>>, %arg17: memref<!tpu.dma_semaphore, #tpu.memory_space<semaphore_mem>>) attributes {dimension_semantics = [#tpu.dimension_semantics<core_parallel>, #tpu.dimension_semantics<subcore_parallel>], iteration_bounds = array<i64: 2, 16>, scalar_prefetch = 0 : i64, scratch_operands = 9 : i64, tpu.core_type = #tpu.core_type<sc_vector_subcore>, window_params = [{transform_indices = #map}, {transform_indices = #map}, {transform_indices = #map1}, {transform_indices = #map1}, {transform_indices = #map1}, {transform_indices = #map2}, {transform_indices = #map2}]} {
    %mul3A = arith.constant 2 : i32
    %mul3A_0 = arith.muli %arg1, %mul3A : i32
    %add3A = arith.addi %mul3A_0, %arg0 : i32
    %mul3A_1 = arith.constant 512 : i32
    %mul3A_2 = arith.muli %add3A, %mul3A_1 : i32
    "tpu.region"() ({
      %run_scoped3A = tpu.sem_alloc : memref<!tpu.dma_semaphore, #tpu.memory_space<semaphore_mem>>
      %dma_start3A_245 = arith.constant 0 : i32
      %dma_start3A_246 = arith.constant 0 : i32
      %dma_start3A_247 = tpu.memref_slice %arg4[%add3A, %dma_start3A_245, %dma_start3A_246] : memref<32x4x128xi32, #tpu.memory_space<hbm>> -> memref<1x4x128xi32, #tpu.memory_space<hbm>>
      %dma_start3A_248 = tpu.memref_squeeze %dma_start3A_247 : memref<1x4x128xi32, #tpu.memory_space<hbm>> -> memref<4x128xi32, #tpu.memory_space<hbm>>
      %dma_start3A_249 = arith.constant 0 : i32
      %dma_start3A_250 = arith.constant 0 : i32
      %dma_start3A_251 = tpu.memref_slice %arg4[%add3A, %dma_start3A_249, %dma_start3A_250] : memref<32x4x128xi32, #tpu.memory_space<hbm>> -> memref<1x4x128xi32, #tpu.memory_space<hbm>>
      %dma_start3A_252 = tpu.memref_squeeze %dma_start3A_251 : memref<1x4x128xi32, #tpu.memory_space<hbm>> -> memref<4x128xi32, #tpu.memory_space<hbm>>
      tpu.enqueue_dma source(%dma_start3A_252 : memref<4x128xi32, #tpu.memory_space<hbm>>) target(%arg9 : memref<4x128xi32, #tpu.memory_space<vmem>>) target_semaphore(%run_scoped3A : memref<!tpu.dma_semaphore, #tpu.memory_space<semaphore_mem>>)
      %dma_wait3A_253 = arith.constant 0 : i32
      %dma_wait3A_254 = arith.constant 0 : i32
      %dma_wait3A_255 = tpu.memref_slice %arg4[%add3A, %dma_wait3A_253, %dma_wait3A_254] : memref<32x4x128xi32, #tpu.memory_space<hbm>> -> memref<1x4x128xi32, #tpu.memory_space<hbm>>
      %dma_wait3A_256 = tpu.memref_squeeze %dma_wait3A_255 : memref<1x4x128xi32, #tpu.memory_space<hbm>> -> memref<4x128xi32, #tpu.memory_space<hbm>>
      %dma_wait3A_257 = arith.constant 0 : i32
      %dma_wait3A_258 = arith.constant 0 : i32
      %dma_wait3A_259 = tpu.memref_slice %arg4[%add3A, %dma_wait3A_257, %dma_wait3A_258] : memref<32x4x128xi32, #tpu.memory_space<hbm>> -> memref<1x4x128xi32, #tpu.memory_space<hbm>>
      %dma_wait3A_260 = tpu.memref_squeeze %dma_wait3A_259 : memref<1x4x128xi32, #tpu.memory_space<hbm>> -> memref<4x128xi32, #tpu.memory_space<hbm>>
      tpu.wait_dma2 semaphore(%run_scoped3A : memref<!tpu.dma_semaphore, #tpu.memory_space<semaphore_mem>>) src(%dma_wait3A_260 : memref<4x128xi32, #tpu.memory_space<hbm>>) dst(%arg9 : memref<4x128xi32, #tpu.memory_space<vmem>>)
      tpu.yield
    }) : () -> ()
    "tpu.region"() ({
      %run_scoped3A = tpu.sem_alloc : memref<!tpu.dma_semaphore, #tpu.memory_space<semaphore_mem>>
      %dma_start3A_245 = arith.constant 0 : i32
      %dma_start3A_246 = arith.constant 0 : i32
      %dma_start3A_247 = tpu.memref_slice %arg5[%add3A, %dma_start3A_245, %dma_start3A_246] : memref<32x4x128xi32, #tpu.memory_space<hbm>> -> memref<1x4x128xi32, #tpu.memory_space<hbm>>
      %dma_start3A_248 = tpu.memref_squeeze %dma_start3A_247 : memref<1x4x128xi32, #tpu.memory_space<hbm>> -> memref<4x128xi32, #tpu.memory_space<hbm>>
      %dma_start3A_249 = arith.constant 0 : i32
      %dma_start3A_250 = arith.constant 0 : i32
      %dma_start3A_251 = tpu.memref_slice %arg5[%add3A, %dma_start3A_249, %dma_start3A_250] : memref<32x4x128xi32, #tpu.memory_space<hbm>> -> memref<1x4x128xi32, #tpu.memory_space<hbm>>
      %dma_start3A_252 = tpu.memref_squeeze %dma_start3A_251 : memref<1x4x128xi32, #tpu.memory_space<hbm>> -> memref<4x128xi32, #tpu.memory_space<hbm>>
      tpu.enqueue_dma source(%dma_start3A_252 : memref<4x128xi32, #tpu.memory_space<hbm>>) target(%arg10 : memref<4x128xi32, #tpu.memory_space<vmem>>) target_semaphore(%run_scoped3A : memref<!tpu.dma_semaphore, #tpu.memory_space<semaphore_mem>>)
      %dma_wait3A_253 = arith.constant 0 : i32
      %dma_wait3A_254 = arith.constant 0 : i32
      %dma_wait3A_255 = tpu.memref_slice %arg5[%add3A, %dma_wait3A_253, %dma_wait3A_254] : memref<32x4x128xi32, #tpu.memory_space<hbm>> -> memref<1x4x128xi32, #tpu.memory_space<hbm>>
      %dma_wait3A_256 = tpu.memref_squeeze %dma_wait3A_255 : memref<1x4x128xi32, #tpu.memory_space<hbm>> -> memref<4x128xi32, #tpu.memory_space<hbm>>
      %dma_wait3A_257 = arith.constant 0 : i32
      %dma_wait3A_258 = arith.constant 0 : i32
      %dma_wait3A_259 = tpu.memref_slice %arg5[%add3A, %dma_wait3A_257, %dma_wait3A_258] : memref<32x4x128xi32, #tpu.memory_space<hbm>> -> memref<1x4x128xi32, #tpu.memory_space<hbm>>
      %dma_wait3A_260 = tpu.memref_squeeze %dma_wait3A_259 : memref<1x4x128xi32, #tpu.memory_space<hbm>> -> memref<4x128xi32, #tpu.memory_space<hbm>>
      tpu.wait_dma2 semaphore(%run_scoped3A : memref<!tpu.dma_semaphore, #tpu.memory_space<semaphore_mem>>) src(%dma_wait3A_260 : memref<4x128xi32, #tpu.memory_space<hbm>>) dst(%arg10 : memref<4x128xi32, #tpu.memory_space<vmem>>)
      tpu.yield
    }) : () -> ()
    "tpu.region"() ({
      %run_scoped3A = tpu.sem_alloc : memref<!tpu.dma_semaphore, #tpu.memory_space<semaphore_mem>>
      %dma_start3A_245 = arith.constant 0 : i32
      %dma_start3A_246 = arith.constant 0 : i32
      %dma_start3A_247 = tpu.memref_slice %arg6[%add3A, %dma_start3A_245, %dma_start3A_246] : memref<32x4x128xi32, #tpu.memory_space<hbm>> -> memref<1x4x128xi32, #tpu.memory_space<hbm>>
      %dma_start3A_248 = tpu.memref_squeeze %dma_start3A_247 : memref<1x4x128xi32, #tpu.memory_space<hbm>> -> memref<4x128xi32, #tpu.memory_space<hbm>>
      %dma_start3A_249 = arith.constant 0 : i32
      %dma_start3A_250 = arith.constant 0 : i32
      %dma_start3A_251 = tpu.memref_slice %arg6[%add3A, %dma_start3A_249, %dma_start3A_250] : memref<32x4x128xi32, #tpu.memory_space<hbm>> -> memref<1x4x128xi32, #tpu.memory_space<hbm>>
      %dma_start3A_252 = tpu.memref_squeeze %dma_start3A_251 : memref<1x4x128xi32, #tpu.memory_space<hbm>> -> memref<4x128xi32, #tpu.memory_space<hbm>>
      tpu.enqueue_dma source(%dma_start3A_252 : memref<4x128xi32, #tpu.memory_space<hbm>>) target(%arg11 : memref<4x128xi32, #tpu.memory_space<vmem>>) target_semaphore(%run_scoped3A : memref<!tpu.dma_semaphore, #tpu.memory_space<semaphore_mem>>)
      %dma_wait3A_253 = arith.constant 0 : i32
      %dma_wait3A_254 = arith.constant 0 : i32
      %dma_wait3A_255 = tpu.memref_slice %arg6[%add3A, %dma_wait3A_253, %dma_wait3A_254] : memref<32x4x128xi32, #tpu.memory_space<hbm>> -> memref<1x4x128xi32, #tpu.memory_space<hbm>>
      %dma_wait3A_256 = tpu.memref_squeeze %dma_wait3A_255 : memref<1x4x128xi32, #tpu.memory_space<hbm>> -> memref<4x128xi32, #tpu.memory_space<hbm>>
      %dma_wait3A_257 = arith.constant 0 : i32
      %dma_wait3A_258 = arith.constant 0 : i32
      %dma_wait3A_259 = tpu.memref_slice %arg6[%add3A, %dma_wait3A_257, %dma_wait3A_258] : memref<32x4x128xi32, #tpu.memory_space<hbm>> -> memref<1x4x128xi32, #tpu.memory_space<hbm>>
      %dma_wait3A_260 = tpu.memref_squeeze %dma_wait3A_259 : memref<1x4x128xi32, #tpu.memory_space<hbm>> -> memref<4x128xi32, #tpu.memory_space<hbm>>
      tpu.wait_dma2 semaphore(%run_scoped3A : memref<!tpu.dma_semaphore, #tpu.memory_space<semaphore_mem>>) src(%dma_wait3A_260 : memref<4x128xi32, #tpu.memory_space<hbm>>) dst(%arg11 : memref<4x128xi32, #tpu.memory_space<vmem>>)
      tpu.yield
    }) : () -> ()
    %dma_start3A = arith.constant 0 : i32
    %dma_start3A_3 = arith.constant 0 : i32
    %dma_start3A_4 = arith.constant 0 : i32
    %dma_start3A_5 = tpu.memref_slice %arg12[%dma_start3A_3, %dma_start3A_4] : memref<512x64xf32, #tpu.memory_space<vmem>> -> memref<128x64xf32, #tpu.memory_space<vmem>>
    %dma_start3A_6 = arith.constant 0 : i32
    %dma_start3A_7 = tpu.memref_slice %arg9[%dma_start3A, %dma_start3A_6] : memref<4x128xi32, #tpu.memory_space<vmem>> -> memref<1x128xi32, #tpu.memory_space<vmem>>
    %dma_start3A_8 = tpu.memref_squeeze %dma_start3A_7 : memref<1x128xi32, #tpu.memory_space<vmem>> -> memref<128xi32, #tpu.memory_space<vmem>>
    %dma_start3A_9 = arith.constant 0 : i32
    %dma_start3A_10 = arith.constant 0 : i32
    %dma_start3A_11 = tpu.memref_slice %arg2[%dma_start3A_9, %dma_start3A_10] : memref<1000000x64xf32, #tpu.memory_space<hbm>> -> memref<1000000x64xf32, #tpu.memory_space<hbm>>
    tpu.enqueue_indirect_dma source(%dma_start3A_11 : memref<1000000x64xf32, #tpu.memory_space<hbm>>) target(%dma_start3A_5 : memref<128x64xf32, #tpu.memory_space<vmem>>) offsets(%dma_start3A_8 : memref<128xi32, #tpu.memory_space<vmem>>) semaphore(%arg17 : memref<!tpu.dma_semaphore, #tpu.memory_space<semaphore_mem>>)
    %dma_start3A_12 = arith.constant 0 : i32
    %dma_start3A_13 = arith.constant 0 : i32
    %dma_start3A_14 = arith.constant 0 : i32
    %dma_start3A_15 = tpu.memref_slice %arg13[%dma_start3A_13, %dma_start3A_14] : memref<512x64xf32, #tpu.memory_space<vmem>> -> memref<128x64xf32, #tpu.memory_space<vmem>>
    %dma_start3A_16 = arith.constant 0 : i32
    %dma_start3A_17 = tpu.memref_slice %arg10[%dma_start3A_12, %dma_start3A_16] : memref<4x128xi32, #tpu.memory_space<vmem>> -> memref<1x128xi32, #tpu.memory_space<vmem>>
    %dma_start3A_18 = tpu.memref_squeeze %dma_start3A_17 : memref<1x128xi32, #tpu.memory_space<vmem>> -> memref<128xi32, #tpu.memory_space<vmem>>
    %dma_start3A_19 = arith.constant 0 : i32
    %dma_start3A_20 = arith.constant 0 : i32
    %dma_start3A_21 = tpu.memref_slice %arg3[%dma_start3A_19, %dma_start3A_20] : memref<1000000x64xf32, #tpu.memory_space<hbm>> -> memref<1000000x64xf32, #tpu.memory_space<hbm>>
    tpu.enqueue_indirect_dma source(%dma_start3A_21 : memref<1000000x64xf32, #tpu.memory_space<hbm>>) target(%dma_start3A_15 : memref<128x64xf32, #tpu.memory_space<vmem>>) offsets(%dma_start3A_18 : memref<128xi32, #tpu.memory_space<vmem>>) semaphore(%arg17 : memref<!tpu.dma_semaphore, #tpu.memory_space<semaphore_mem>>)
    %dma_start3A_22 = arith.constant 0 : i32
    %dma_start3A_23 = arith.constant 0 : i32
    %dma_start3A_24 = arith.constant 0 : i32
    %dma_start3A_25 = tpu.memref_slice %arg14[%dma_start3A_23, %dma_start3A_24] : memref<512x64xf32, #tpu.memory_space<vmem>> -> memref<128x64xf32, #tpu.memory_space<vmem>>
    %dma_start3A_26 = arith.constant 0 : i32
    %dma_start3A_27 = tpu.memref_slice %arg11[%dma_start3A_22, %dma_start3A_26] : memref<4x128xi32, #tpu.memory_space<vmem>> -> memref<1x128xi32, #tpu.memory_space<vmem>>
    %dma_start3A_28 = tpu.memref_squeeze %dma_start3A_27 : memref<1x128xi32, #tpu.memory_space<vmem>> -> memref<128xi32, #tpu.memory_space<vmem>>
    %dma_start3A_29 = arith.constant 0 : i32
    %dma_start3A_30 = arith.constant 0 : i32
    %dma_start3A_31 = tpu.memref_slice %arg3[%dma_start3A_29, %dma_start3A_30] : memref<1000000x64xf32, #tpu.memory_space<hbm>> -> memref<1000000x64xf32, #tpu.memory_space<hbm>>
    tpu.enqueue_indirect_dma source(%dma_start3A_31 : memref<1000000x64xf32, #tpu.memory_space<hbm>>) target(%dma_start3A_25 : memref<128x64xf32, #tpu.memory_space<vmem>>) offsets(%dma_start3A_28 : memref<128xi32, #tpu.memory_space<vmem>>) semaphore(%arg17 : memref<!tpu.dma_semaphore, #tpu.memory_space<semaphore_mem>>)
    %dma_start3A_32 = arith.constant 1 : i32
    %dma_start3A_33 = arith.constant 128 : i32
    %dma_start3A_34 = arith.constant 0 : i32
    %dma_start3A_35 = tpu.memref_slice %arg12[%dma_start3A_33, %dma_start3A_34] : memref<512x64xf32, #tpu.memory_space<vmem>> -> memref<128x64xf32, #tpu.memory_space<vmem>>
    %dma_start3A_36 = arith.constant 0 : i32
    %dma_start3A_37 = tpu.memref_slice %arg9[%dma_start3A_32, %dma_start3A_36] : memref<4x128xi32, #tpu.memory_space<vmem>> -> memref<1x128xi32, #tpu.memory_space<vmem>>
    %dma_start3A_38 = tpu.memref_squeeze %dma_start3A_37 : memref<1x128xi32, #tpu.memory_space<vmem>> -> memref<128xi32, #tpu.memory_space<vmem>>
    %dma_start3A_39 = arith.constant 0 : i32
    %dma_start3A_40 = arith.constant 0 : i32
    %dma_start3A_41 = tpu.memref_slice %arg2[%dma_start3A_39, %dma_start3A_40] : memref<1000000x64xf32, #tpu.memory_space<hbm>> -> memref<1000000x64xf32, #tpu.memory_space<hbm>>
    tpu.enqueue_indirect_dma source(%dma_start3A_41 : memref<1000000x64xf32, #tpu.memory_space<hbm>>) target(%dma_start3A_35 : memref<128x64xf32, #tpu.memory_space<vmem>>) offsets(%dma_start3A_38 : memref<128xi32, #tpu.memory_space<vmem>>) semaphore(%arg17 : memref<!tpu.dma_semaphore, #tpu.memory_space<semaphore_mem>>)
    %dma_start3A_42 = arith.constant 1 : i32
    %dma_start3A_43 = arith.constant 128 : i32
    %dma_start3A_44 = arith.constant 0 : i32
    %dma_start3A_45 = tpu.memref_slice %arg13[%dma_start3A_43, %dma_start3A_44] : memref<512x64xf32, #tpu.memory_space<vmem>> -> memref<128x64xf32, #tpu.memory_space<vmem>>
    %dma_start3A_46 = arith.constant 0 : i32
    %dma_start3A_47 = tpu.memref_slice %arg10[%dma_start3A_42, %dma_start3A_46] : memref<4x128xi32, #tpu.memory_space<vmem>> -> memref<1x128xi32, #tpu.memory_space<vmem>>
    %dma_start3A_48 = tpu.memref_squeeze %dma_start3A_47 : memref<1x128xi32, #tpu.memory_space<vmem>> -> memref<128xi32, #tpu.memory_space<vmem>>
    %dma_start3A_49 = arith.constant 0 : i32
    %dma_start3A_50 = arith.constant 0 : i32
    %dma_start3A_51 = tpu.memref_slice %arg3[%dma_start3A_49, %dma_start3A_50] : memref<1000000x64xf32, #tpu.memory_space<hbm>> -> memref<1000000x64xf32, #tpu.memory_space<hbm>>
    tpu.enqueue_indirect_dma source(%dma_start3A_51 : memref<1000000x64xf32, #tpu.memory_space<hbm>>) target(%dma_start3A_45 : memref<128x64xf32, #tpu.memory_space<vmem>>) offsets(%dma_start3A_48 : memref<128xi32, #tpu.memory_space<vmem>>) semaphore(%arg17 : memref<!tpu.dma_semaphore, #tpu.memory_space<semaphore_mem>>)
    %dma_start3A_52 = arith.constant 1 : i32
    %dma_start3A_53 = arith.constant 128 : i32
    %dma_start3A_54 = arith.constant 0 : i32
    %dma_start3A_55 = tpu.memref_slice %arg14[%dma_start3A_53, %dma_start3A_54] : memref<512x64xf32, #tpu.memory_space<vmem>> -> memref<128x64xf32, #tpu.memory_space<vmem>>
    %dma_start3A_56 = arith.constant 0 : i32
    %dma_start3A_57 = tpu.memref_slice %arg11[%dma_start3A_52, %dma_start3A_56] : memref<4x128xi32, #tpu.memory_space<vmem>> -> memref<1x128xi32, #tpu.memory_space<vmem>>
    %dma_start3A_58 = tpu.memref_squeeze %dma_start3A_57 : memref<1x128xi32, #tpu.memory_space<vmem>> -> memref<128xi32, #tpu.memory_space<vmem>>
    %dma_start3A_59 = arith.constant 0 : i32
    %dma_start3A_60 = arith.constant 0 : i32
    %dma_start3A_61 = tpu.memref_slice %arg3[%dma_start3A_59, %dma_start3A_60] : memref<1000000x64xf32, #tpu.memory_space<hbm>> -> memref<1000000x64xf32, #tpu.memory_space<hbm>>
    tpu.enqueue_indirect_dma source(%dma_start3A_61 : memref<1000000x64xf32, #tpu.memory_space<hbm>>) target(%dma_start3A_55 : memref<128x64xf32, #tpu.memory_space<vmem>>) offsets(%dma_start3A_58 : memref<128xi32, #tpu.memory_space<vmem>>) semaphore(%arg17 : memref<!tpu.dma_semaphore, #tpu.memory_space<semaphore_mem>>)
    %dma_start3A_62 = arith.constant 2 : i32
    %dma_start3A_63 = arith.constant 256 : i32
    %dma_start3A_64 = arith.constant 0 : i32
    %dma_start3A_65 = tpu.memref_slice %arg12[%dma_start3A_63, %dma_start3A_64] : memref<512x64xf32, #tpu.memory_space<vmem>> -> memref<128x64xf32, #tpu.memory_space<vmem>>
    %dma_start3A_66 = arith.constant 0 : i32
    %dma_start3A_67 = tpu.memref_slice %arg9[%dma_start3A_62, %dma_start3A_66] : memref<4x128xi32, #tpu.memory_space<vmem>> -> memref<1x128xi32, #tpu.memory_space<vmem>>
    %dma_start3A_68 = tpu.memref_squeeze %dma_start3A_67 : memref<1x128xi32, #tpu.memory_space<vmem>> -> memref<128xi32, #tpu.memory_space<vmem>>
    %dma_start3A_69 = arith.constant 0 : i32
    %dma_start3A_70 = arith.constant 0 : i32
    %dma_start3A_71 = tpu.memref_slice %arg2[%dma_start3A_69, %dma_start3A_70] : memref<1000000x64xf32, #tpu.memory_space<hbm>> -> memref<1000000x64xf32, #tpu.memory_space<hbm>>
    tpu.enqueue_indirect_dma source(%dma_start3A_71 : memref<1000000x64xf32, #tpu.memory_space<hbm>>) target(%dma_start3A_65 : memref<128x64xf32, #tpu.memory_space<vmem>>) offsets(%dma_start3A_68 : memref<128xi32, #tpu.memory_space<vmem>>) semaphore(%arg17 : memref<!tpu.dma_semaphore, #tpu.memory_space<semaphore_mem>>)
    %dma_start3A_72 = arith.constant 2 : i32
    %dma_start3A_73 = arith.constant 256 : i32
    %dma_start3A_74 = arith.constant 0 : i32
    %dma_start3A_75 = tpu.memref_slice %arg13[%dma_start3A_73, %dma_start3A_74] : memref<512x64xf32, #tpu.memory_space<vmem>> -> memref<128x64xf32, #tpu.memory_space<vmem>>
    %dma_start3A_76 = arith.constant 0 : i32
    %dma_start3A_77 = tpu.memref_slice %arg10[%dma_start3A_72, %dma_start3A_76] : memref<4x128xi32, #tpu.memory_space<vmem>> -> memref<1x128xi32, #tpu.memory_space<vmem>>
    %dma_start3A_78 = tpu.memref_squeeze %dma_start3A_77 : memref<1x128xi32, #tpu.memory_space<vmem>> -> memref<128xi32, #tpu.memory_space<vmem>>
    %dma_start3A_79 = arith.constant 0 : i32
    %dma_start3A_80 = arith.constant 0 : i32
    %dma_start3A_81 = tpu.memref_slice %arg3[%dma_start3A_79, %dma_start3A_80] : memref<1000000x64xf32, #tpu.memory_space<hbm>> -> memref<1000000x64xf32, #tpu.memory_space<hbm>>
    tpu.enqueue_indirect_dma source(%dma_start3A_81 : memref<1000000x64xf32, #tpu.memory_space<hbm>>) target(%dma_start3A_75 : memref<128x64xf32, #tpu.memory_space<vmem>>) offsets(%dma_start3A_78 : memref<128xi32, #tpu.memory_space<vmem>>) semaphore(%arg17 : memref<!tpu.dma_semaphore, #tpu.memory_space<semaphore_mem>>)
    %dma_start3A_82 = arith.constant 2 : i32
    %dma_start3A_83 = arith.constant 256 : i32
    %dma_start3A_84 = arith.constant 0 : i32
    %dma_start3A_85 = tpu.memref_slice %arg14[%dma_start3A_83, %dma_start3A_84] : memref<512x64xf32, #tpu.memory_space<vmem>> -> memref<128x64xf32, #tpu.memory_space<vmem>>
    %dma_start3A_86 = arith.constant 0 : i32
    %dma_start3A_87 = tpu.memref_slice %arg11[%dma_start3A_82, %dma_start3A_86] : memref<4x128xi32, #tpu.memory_space<vmem>> -> memref<1x128xi32, #tpu.memory_space<vmem>>
    %dma_start3A_88 = tpu.memref_squeeze %dma_start3A_87 : memref<1x128xi32, #tpu.memory_space<vmem>> -> memref<128xi32, #tpu.memory_space<vmem>>
    %dma_start3A_89 = arith.constant 0 : i32
    %dma_start3A_90 = arith.constant 0 : i32
    %dma_start3A_91 = tpu.memref_slice %arg3[%dma_start3A_89, %dma_start3A_90] : memref<1000000x64xf32, #tpu.memory_space<hbm>> -> memref<1000000x64xf32, #tpu.memory_space<hbm>>
    tpu.enqueue_indirect_dma source(%dma_start3A_91 : memref<1000000x64xf32, #tpu.memory_space<hbm>>) target(%dma_start3A_85 : memref<128x64xf32, #tpu.memory_space<vmem>>) offsets(%dma_start3A_88 : memref<128xi32, #tpu.memory_space<vmem>>) semaphore(%arg17 : memref<!tpu.dma_semaphore, #tpu.memory_space<semaphore_mem>>)
    %dma_start3A_92 = arith.constant 3 : i32
    %dma_start3A_93 = arith.constant 384 : i32
    %dma_start3A_94 = arith.constant 0 : i32
    %dma_start3A_95 = tpu.memref_slice %arg12[%dma_start3A_93, %dma_start3A_94] : memref<512x64xf32, #tpu.memory_space<vmem>> -> memref<128x64xf32, #tpu.memory_space<vmem>>
    %dma_start3A_96 = arith.constant 0 : i32
    %dma_start3A_97 = tpu.memref_slice %arg9[%dma_start3A_92, %dma_start3A_96] : memref<4x128xi32, #tpu.memory_space<vmem>> -> memref<1x128xi32, #tpu.memory_space<vmem>>
    %dma_start3A_98 = tpu.memref_squeeze %dma_start3A_97 : memref<1x128xi32, #tpu.memory_space<vmem>> -> memref<128xi32, #tpu.memory_space<vmem>>
    %dma_start3A_99 = arith.constant 0 : i32
    %dma_start3A_100 = arith.constant 0 : i32
    %dma_start3A_101 = tpu.memref_slice %arg2[%dma_start3A_99, %dma_start3A_100] : memref<1000000x64xf32, #tpu.memory_space<hbm>> -> memref<1000000x64xf32, #tpu.memory_space<hbm>>
    tpu.enqueue_indirect_dma source(%dma_start3A_101 : memref<1000000x64xf32, #tpu.memory_space<hbm>>) target(%dma_start3A_95 : memref<128x64xf32, #tpu.memory_space<vmem>>) offsets(%dma_start3A_98 : memref<128xi32, #tpu.memory_space<vmem>>) semaphore(%arg17 : memref<!tpu.dma_semaphore, #tpu.memory_space<semaphore_mem>>)
    %dma_start3A_102 = arith.constant 3 : i32
    %dma_start3A_103 = arith.constant 384 : i32
    %dma_start3A_104 = arith.constant 0 : i32
    %dma_start3A_105 = tpu.memref_slice %arg13[%dma_start3A_103, %dma_start3A_104] : memref<512x64xf32, #tpu.memory_space<vmem>> -> memref<128x64xf32, #tpu.memory_space<vmem>>
    %dma_start3A_106 = arith.constant 0 : i32
    %dma_start3A_107 = tpu.memref_slice %arg10[%dma_start3A_102, %dma_start3A_106] : memref<4x128xi32, #tpu.memory_space<vmem>> -> memref<1x128xi32, #tpu.memory_space<vmem>>
    %dma_start3A_108 = tpu.memref_squeeze %dma_start3A_107 : memref<1x128xi32, #tpu.memory_space<vmem>> -> memref<128xi32, #tpu.memory_space<vmem>>
    %dma_start3A_109 = arith.constant 0 : i32
    %dma_start3A_110 = arith.constant 0 : i32
    %dma_start3A_111 = tpu.memref_slice %arg3[%dma_start3A_109, %dma_start3A_110] : memref<1000000x64xf32, #tpu.memory_space<hbm>> -> memref<1000000x64xf32, #tpu.memory_space<hbm>>
    tpu.enqueue_indirect_dma source(%dma_start3A_111 : memref<1000000x64xf32, #tpu.memory_space<hbm>>) target(%dma_start3A_105 : memref<128x64xf32, #tpu.memory_space<vmem>>) offsets(%dma_start3A_108 : memref<128xi32, #tpu.memory_space<vmem>>) semaphore(%arg17 : memref<!tpu.dma_semaphore, #tpu.memory_space<semaphore_mem>>)
    %dma_start3A_112 = arith.constant 3 : i32
    %dma_start3A_113 = arith.constant 384 : i32
    %dma_start3A_114 = arith.constant 0 : i32
    %dma_start3A_115 = tpu.memref_slice %arg14[%dma_start3A_113, %dma_start3A_114] : memref<512x64xf32, #tpu.memory_space<vmem>> -> memref<128x64xf32, #tpu.memory_space<vmem>>
    %dma_start3A_116 = arith.constant 0 : i32
    %dma_start3A_117 = tpu.memref_slice %arg11[%dma_start3A_112, %dma_start3A_116] : memref<4x128xi32, #tpu.memory_space<vmem>> -> memref<1x128xi32, #tpu.memory_space<vmem>>
    %dma_start3A_118 = tpu.memref_squeeze %dma_start3A_117 : memref<1x128xi32, #tpu.memory_space<vmem>> -> memref<128xi32, #tpu.memory_space<vmem>>
    %dma_start3A_119 = arith.constant 0 : i32
    %dma_start3A_120 = arith.constant 0 : i32
    %dma_start3A_121 = tpu.memref_slice %arg3[%dma_start3A_119, %dma_start3A_120] : memref<1000000x64xf32, #tpu.memory_space<hbm>> -> memref<1000000x64xf32, #tpu.memory_space<hbm>>
    tpu.enqueue_indirect_dma source(%dma_start3A_121 : memref<1000000x64xf32, #tpu.memory_space<hbm>>) target(%dma_start3A_115 : memref<128x64xf32, #tpu.memory_space<vmem>>) offsets(%dma_start3A_118 : memref<128xi32, #tpu.memory_space<vmem>>) semaphore(%arg17 : memref<!tpu.dma_semaphore, #tpu.memory_space<semaphore_mem>>)
    %dma_wait3A = arith.constant 0 : i32
    %dma_wait3A_122 = arith.constant 0 : i32
    %dma_wait3A_123 = arith.constant 0 : i32
    %dma_wait3A_124 = tpu.memref_slice %arg12[%dma_wait3A_122, %dma_wait3A_123] : memref<512x64xf32, #tpu.memory_space<vmem>> -> memref<128x64xf32, #tpu.memory_space<vmem>>
    %dma_wait3A_125 = arith.constant 0 : i32
    %dma_wait3A_126 = tpu.memref_slice %arg9[%dma_wait3A, %dma_wait3A_125] : memref<4x128xi32, #tpu.memory_space<vmem>> -> memref<1x128xi32, #tpu.memory_space<vmem>>
    %dma_wait3A_127 = tpu.memref_squeeze %dma_wait3A_126 : memref<1x128xi32, #tpu.memory_space<vmem>> -> memref<128xi32, #tpu.memory_space<vmem>>
    %dma_wait3A_128 = arith.constant 0 : i32
    %dma_wait3A_129 = arith.constant 0 : i32
    %dma_wait3A_130 = tpu.memref_slice %arg2[%dma_wait3A_128, %dma_wait3A_129] : memref<1000000x64xf32, #tpu.memory_space<hbm>> -> memref<1000000x64xf32, #tpu.memory_space<hbm>>
    tpu.wait_indirect_dma semaphore(%arg17 : memref<!tpu.dma_semaphore, #tpu.memory_space<semaphore_mem>>) src(%dma_wait3A_130 : memref<1000000x64xf32, #tpu.memory_space<hbm>>) dst(%dma_wait3A_124 : memref<128x64xf32, #tpu.memory_space<vmem>>)
    %dma_wait3A_131 = arith.constant 0 : i32
    %dma_wait3A_132 = arith.constant 0 : i32
    %dma_wait3A_133 = arith.constant 0 : i32
    %dma_wait3A_134 = tpu.memref_slice %arg13[%dma_wait3A_132, %dma_wait3A_133] : memref<512x64xf32, #tpu.memory_space<vmem>> -> memref<128x64xf32, #tpu.memory_space<vmem>>
    %dma_wait3A_135 = arith.constant 0 : i32
    %dma_wait3A_136 = tpu.memref_slice %arg10[%dma_wait3A_131, %dma_wait3A_135] : memref<4x128xi32, #tpu.memory_space<vmem>> -> memref<1x128xi32, #tpu.memory_space<vmem>>
    %dma_wait3A_137 = tpu.memref_squeeze %dma_wait3A_136 : memref<1x128xi32, #tpu.memory_space<vmem>> -> memref<128xi32, #tpu.memory_space<vmem>>
    %dma_wait3A_138 = arith.constant 0 : i32
    %dma_wait3A_139 = arith.constant 0 : i32
    %dma_wait3A_140 = tpu.memref_slice %arg3[%dma_wait3A_138, %dma_wait3A_139] : memref<1000000x64xf32, #tpu.memory_space<hbm>> -> memref<1000000x64xf32, #tpu.memory_space<hbm>>
    tpu.wait_indirect_dma semaphore(%arg17 : memref<!tpu.dma_semaphore, #tpu.memory_space<semaphore_mem>>) src(%dma_wait3A_140 : memref<1000000x64xf32, #tpu.memory_space<hbm>>) dst(%dma_wait3A_134 : memref<128x64xf32, #tpu.memory_space<vmem>>)
    %dma_wait3A_141 = arith.constant 0 : i32
    %dma_wait3A_142 = arith.constant 0 : i32
    %dma_wait3A_143 = arith.constant 0 : i32
    %dma_wait3A_144 = tpu.memref_slice %arg14[%dma_wait3A_142, %dma_wait3A_143] : memref<512x64xf32, #tpu.memory_space<vmem>> -> memref<128x64xf32, #tpu.memory_space<vmem>>
    %dma_wait3A_145 = arith.constant 0 : i32
    %dma_wait3A_146 = tpu.memref_slice %arg11[%dma_wait3A_141, %dma_wait3A_145] : memref<4x128xi32, #tpu.memory_space<vmem>> -> memref<1x128xi32, #tpu.memory_space<vmem>>
    %dma_wait3A_147 = tpu.memref_squeeze %dma_wait3A_146 : memref<1x128xi32, #tpu.memory_space<vmem>> -> memref<128xi32, #tpu.memory_space<vmem>>
    %dma_wait3A_148 = arith.constant 0 : i32
    %dma_wait3A_149 = arith.constant 0 : i32
    %dma_wait3A_150 = tpu.memref_slice %arg3[%dma_wait3A_148, %dma_wait3A_149] : memref<1000000x64xf32, #tpu.memory_space<hbm>> -> memref<1000000x64xf32, #tpu.memory_space<hbm>>
    tpu.wait_indirect_dma semaphore(%arg17 : memref<!tpu.dma_semaphore, #tpu.memory_space<semaphore_mem>>) src(%dma_wait3A_150 : memref<1000000x64xf32, #tpu.memory_space<hbm>>) dst(%dma_wait3A_144 : memref<128x64xf32, #tpu.memory_space<vmem>>)
    %dma_wait3A_151 = arith.constant 1 : i32
    %dma_wait3A_152 = arith.constant 128 : i32
    %dma_wait3A_153 = arith.constant 0 : i32
    %dma_wait3A_154 = tpu.memref_slice %arg12[%dma_wait3A_152, %dma_wait3A_153] : memref<512x64xf32, #tpu.memory_space<vmem>> -> memref<128x64xf32, #tpu.memory_space<vmem>>
    %dma_wait3A_155 = arith.constant 0 : i32
    %dma_wait3A_156 = tpu.memref_slice %arg9[%dma_wait3A_151, %dma_wait3A_155] : memref<4x128xi32, #tpu.memory_space<vmem>> -> memref<1x128xi32, #tpu.memory_space<vmem>>
    %dma_wait3A_157 = tpu.memref_squeeze %dma_wait3A_156 : memref<1x128xi32, #tpu.memory_space<vmem>> -> memref<128xi32, #tpu.memory_space<vmem>>
    %dma_wait3A_158 = arith.constant 0 : i32
    %dma_wait3A_159 = arith.constant 0 : i32
    %dma_wait3A_160 = tpu.memref_slice %arg2[%dma_wait3A_158, %dma_wait3A_159] : memref<1000000x64xf32, #tpu.memory_space<hbm>> -> memref<1000000x64xf32, #tpu.memory_space<hbm>>
    tpu.wait_indirect_dma semaphore(%arg17 : memref<!tpu.dma_semaphore, #tpu.memory_space<semaphore_mem>>) src(%dma_wait3A_160 : memref<1000000x64xf32, #tpu.memory_space<hbm>>) dst(%dma_wait3A_154 : memref<128x64xf32, #tpu.memory_space<vmem>>)
    %dma_wait3A_161 = arith.constant 1 : i32
    %dma_wait3A_162 = arith.constant 128 : i32
    %dma_wait3A_163 = arith.constant 0 : i32
    %dma_wait3A_164 = tpu.memref_slice %arg13[%dma_wait3A_162, %dma_wait3A_163] : memref<512x64xf32, #tpu.memory_space<vmem>> -> memref<128x64xf32, #tpu.memory_space<vmem>>
    %dma_wait3A_165 = arith.constant 0 : i32
    %dma_wait3A_166 = tpu.memref_slice %arg10[%dma_wait3A_161, %dma_wait3A_165] : memref<4x128xi32, #tpu.memory_space<vmem>> -> memref<1x128xi32, #tpu.memory_space<vmem>>
    %dma_wait3A_167 = tpu.memref_squeeze %dma_wait3A_166 : memref<1x128xi32, #tpu.memory_space<vmem>> -> memref<128xi32, #tpu.memory_space<vmem>>
    %dma_wait3A_168 = arith.constant 0 : i32
    %dma_wait3A_169 = arith.constant 0 : i32
    %dma_wait3A_170 = tpu.memref_slice %arg3[%dma_wait3A_168, %dma_wait3A_169] : memref<1000000x64xf32, #tpu.memory_space<hbm>> -> memref<1000000x64xf32, #tpu.memory_space<hbm>>
    tpu.wait_indirect_dma semaphore(%arg17 : memref<!tpu.dma_semaphore, #tpu.memory_space<semaphore_mem>>) src(%dma_wait3A_170 : memref<1000000x64xf32, #tpu.memory_space<hbm>>) dst(%dma_wait3A_164 : memref<128x64xf32, #tpu.memory_space<vmem>>)
    %dma_wait3A_171 = arith.constant 1 : i32
    %dma_wait3A_172 = arith.constant 128 : i32
    %dma_wait3A_173 = arith.constant 0 : i32
    %dma_wait3A_174 = tpu.memref_slice %arg14[%dma_wait3A_172, %dma_wait3A_173] : memref<512x64xf32, #tpu.memory_space<vmem>> -> memref<128x64xf32, #tpu.memory_space<vmem>>
    %dma_wait3A_175 = arith.constant 0 : i32
    %dma_wait3A_176 = tpu.memref_slice %arg11[%dma_wait3A_171, %dma_wait3A_175] : memref<4x128xi32, #tpu.memory_space<vmem>> -> memref<1x128xi32, #tpu.memory_space<vmem>>
    %dma_wait3A_177 = tpu.memref_squeeze %dma_wait3A_176 : memref<1x128xi32, #tpu.memory_space<vmem>> -> memref<128xi32, #tpu.memory_space<vmem>>
    %dma_wait3A_178 = arith.constant 0 : i32
    %dma_wait3A_179 = arith.constant 0 : i32
    %dma_wait3A_180 = tpu.memref_slice %arg3[%dma_wait3A_178, %dma_wait3A_179] : memref<1000000x64xf32, #tpu.memory_space<hbm>> -> memref<1000000x64xf32, #tpu.memory_space<hbm>>
    tpu.wait_indirect_dma semaphore(%arg17 : memref<!tpu.dma_semaphore, #tpu.memory_space<semaphore_mem>>) src(%dma_wait3A_180 : memref<1000000x64xf32, #tpu.memory_space<hbm>>) dst(%dma_wait3A_174 : memref<128x64xf32, #tpu.memory_space<vmem>>)
    %dma_wait3A_181 = arith.constant 2 : i32
    %dma_wait3A_182 = arith.constant 256 : i32
    %dma_wait3A_183 = arith.constant 0 : i32
    %dma_wait3A_184 = tpu.memref_slice %arg12[%dma_wait3A_182, %dma_wait3A_183] : memref<512x64xf32, #tpu.memory_space<vmem>> -> memref<128x64xf32, #tpu.memory_space<vmem>>
    %dma_wait3A_185 = arith.constant 0 : i32
    %dma_wait3A_186 = tpu.memref_slice %arg9[%dma_wait3A_181, %dma_wait3A_185] : memref<4x128xi32, #tpu.memory_space<vmem>> -> memref<1x128xi32, #tpu.memory_space<vmem>>
    %dma_wait3A_187 = tpu.memref_squeeze %dma_wait3A_186 : memref<1x128xi32, #tpu.memory_space<vmem>> -> memref<128xi32, #tpu.memory_space<vmem>>
    %dma_wait3A_188 = arith.constant 0 : i32
    %dma_wait3A_189 = arith.constant 0 : i32
    %dma_wait3A_190 = tpu.memref_slice %arg2[%dma_wait3A_188, %dma_wait3A_189] : memref<1000000x64xf32, #tpu.memory_space<hbm>> -> memref<1000000x64xf32, #tpu.memory_space<hbm>>
    tpu.wait_indirect_dma semaphore(%arg17 : memref<!tpu.dma_semaphore, #tpu.memory_space<semaphore_mem>>) src(%dma_wait3A_190 : memref<1000000x64xf32, #tpu.memory_space<hbm>>) dst(%dma_wait3A_184 : memref<128x64xf32, #tpu.memory_space<vmem>>)
    %dma_wait3A_191 = arith.constant 2 : i32
    %dma_wait3A_192 = arith.constant 256 : i32
    %dma_wait3A_193 = arith.constant 0 : i32
    %dma_wait3A_194 = tpu.memref_slice %arg13[%dma_wait3A_192, %dma_wait3A_193] : memref<512x64xf32, #tpu.memory_space<vmem>> -> memref<128x64xf32, #tpu.memory_space<vmem>>
    %dma_wait3A_195 = arith.constant 0 : i32
    %dma_wait3A_196 = tpu.memref_slice %arg10[%dma_wait3A_191, %dma_wait3A_195] : memref<4x128xi32, #tpu.memory_space<vmem>> -> memref<1x128xi32, #tpu.memory_space<vmem>>
    %dma_wait3A_197 = tpu.memref_squeeze %dma_wait3A_196 : memref<1x128xi32, #tpu.memory_space<vmem>> -> memref<128xi32, #tpu.memory_space<vmem>>
    %dma_wait3A_198 = arith.constant 0 : i32
    %dma_wait3A_199 = arith.constant 0 : i32
    %dma_wait3A_200 = tpu.memref_slice %arg3[%dma_wait3A_198, %dma_wait3A_199] : memref<1000000x64xf32, #tpu.memory_space<hbm>> -> memref<1000000x64xf32, #tpu.memory_space<hbm>>
    tpu.wait_indirect_dma semaphore(%arg17 : memref<!tpu.dma_semaphore, #tpu.memory_space<semaphore_mem>>) src(%dma_wait3A_200 : memref<1000000x64xf32, #tpu.memory_space<hbm>>) dst(%dma_wait3A_194 : memref<128x64xf32, #tpu.memory_space<vmem>>)
    %dma_wait3A_201 = arith.constant 2 : i32
    %dma_wait3A_202 = arith.constant 256 : i32
    %dma_wait3A_203 = arith.constant 0 : i32
    %dma_wait3A_204 = tpu.memref_slice %arg14[%dma_wait3A_202, %dma_wait3A_203] : memref<512x64xf32, #tpu.memory_space<vmem>> -> memref<128x64xf32, #tpu.memory_space<vmem>>
    %dma_wait3A_205 = arith.constant 0 : i32
    %dma_wait3A_206 = tpu.memref_slice %arg11[%dma_wait3A_201, %dma_wait3A_205] : memref<4x128xi32, #tpu.memory_space<vmem>> -> memref<1x128xi32, #tpu.memory_space<vmem>>
    %dma_wait3A_207 = tpu.memref_squeeze %dma_wait3A_206 : memref<1x128xi32, #tpu.memory_space<vmem>> -> memref<128xi32, #tpu.memory_space<vmem>>
    %dma_wait3A_208 = arith.constant 0 : i32
    %dma_wait3A_209 = arith.constant 0 : i32
    %dma_wait3A_210 = tpu.memref_slice %arg3[%dma_wait3A_208, %dma_wait3A_209] : memref<1000000x64xf32, #tpu.memory_space<hbm>> -> memref<1000000x64xf32, #tpu.memory_space<hbm>>
    tpu.wait_indirect_dma semaphore(%arg17 : memref<!tpu.dma_semaphore, #tpu.memory_space<semaphore_mem>>) src(%dma_wait3A_210 : memref<1000000x64xf32, #tpu.memory_space<hbm>>) dst(%dma_wait3A_204 : memref<128x64xf32, #tpu.memory_space<vmem>>)
    %dma_wait3A_211 = arith.constant 3 : i32
    %dma_wait3A_212 = arith.constant 384 : i32
    %dma_wait3A_213 = arith.constant 0 : i32
    %dma_wait3A_214 = tpu.memref_slice %arg12[%dma_wait3A_212, %dma_wait3A_213] : memref<512x64xf32, #tpu.memory_space<vmem>> -> memref<128x64xf32, #tpu.memory_space<vmem>>
    %dma_wait3A_215 = arith.constant 0 : i32
    %dma_wait3A_216 = tpu.memref_slice %arg9[%dma_wait3A_211, %dma_wait3A_215] : memref<4x128xi32, #tpu.memory_space<vmem>> -> memref<1x128xi32, #tpu.memory_space<vmem>>
    %dma_wait3A_217 = tpu.memref_squeeze %dma_wait3A_216 : memref<1x128xi32, #tpu.memory_space<vmem>> -> memref<128xi32, #tpu.memory_space<vmem>>
    %dma_wait3A_218 = arith.constant 0 : i32
    %dma_wait3A_219 = arith.constant 0 : i32
    %dma_wait3A_220 = tpu.memref_slice %arg2[%dma_wait3A_218, %dma_wait3A_219] : memref<1000000x64xf32, #tpu.memory_space<hbm>> -> memref<1000000x64xf32, #tpu.memory_space<hbm>>
    tpu.wait_indirect_dma semaphore(%arg17 : memref<!tpu.dma_semaphore, #tpu.memory_space<semaphore_mem>>) src(%dma_wait3A_220 : memref<1000000x64xf32, #tpu.memory_space<hbm>>) dst(%dma_wait3A_214 : memref<128x64xf32, #tpu.memory_space<vmem>>)
    %dma_wait3A_221 = arith.constant 3 : i32
    %dma_wait3A_222 = arith.constant 384 : i32
    %dma_wait3A_223 = arith.constant 0 : i32
    %dma_wait3A_224 = tpu.memref_slice %arg13[%dma_wait3A_222, %dma_wait3A_223] : memref<512x64xf32, #tpu.memory_space<vmem>> -> memref<128x64xf32, #tpu.memory_space<vmem>>
    %dma_wait3A_225 = arith.constant 0 : i32
    %dma_wait3A_226 = tpu.memref_slice %arg10[%dma_wait3A_221, %dma_wait3A_225] : memref<4x128xi32, #tpu.memory_space<vmem>> -> memref<1x128xi32, #tpu.memory_space<vmem>>
    %dma_wait3A_227 = tpu.memref_squeeze %dma_wait3A_226 : memref<1x128xi32, #tpu.memory_space<vmem>> -> memref<128xi32, #tpu.memory_space<vmem>>
    %dma_wait3A_228 = arith.constant 0 : i32
    %dma_wait3A_229 = arith.constant 0 : i32
    %dma_wait3A_230 = tpu.memref_slice %arg3[%dma_wait3A_228, %dma_wait3A_229] : memref<1000000x64xf32, #tpu.memory_space<hbm>> -> memref<1000000x64xf32, #tpu.memory_space<hbm>>
    tpu.wait_indirect_dma semaphore(%arg17 : memref<!tpu.dma_semaphore, #tpu.memory_space<semaphore_mem>>) src(%dma_wait3A_230 : memref<1000000x64xf32, #tpu.memory_space<hbm>>) dst(%dma_wait3A_224 : memref<128x64xf32, #tpu.memory_space<vmem>>)
    %dma_wait3A_231 = arith.constant 3 : i32
    %dma_wait3A_232 = arith.constant 384 : i32
    %dma_wait3A_233 = arith.constant 0 : i32
    %dma_wait3A_234 = tpu.memref_slice %arg14[%dma_wait3A_232, %dma_wait3A_233] : memref<512x64xf32, #tpu.memory_space<vmem>> -> memref<128x64xf32, #tpu.memory_space<vmem>>
    %dma_wait3A_235 = arith.constant 0 : i32
    %dma_wait3A_236 = tpu.memref_slice %arg11[%dma_wait3A_231, %dma_wait3A_235] : memref<4x128xi32, #tpu.memory_space<vmem>> -> memref<1x128xi32, #tpu.memory_space<vmem>>
    %dma_wait3A_237 = tpu.memref_squeeze %dma_wait3A_236 : memref<1x128xi32, #tpu.memory_space<vmem>> -> memref<128xi32, #tpu.memory_space<vmem>>
    %dma_wait3A_238 = arith.constant 0 : i32
    %dma_wait3A_239 = arith.constant 0 : i32
    %dma_wait3A_240 = tpu.memref_slice %arg3[%dma_wait3A_238, %dma_wait3A_239] : memref<1000000x64xf32, #tpu.memory_space<hbm>> -> memref<1000000x64xf32, #tpu.memory_space<hbm>>
    tpu.wait_indirect_dma semaphore(%arg17 : memref<!tpu.dma_semaphore, #tpu.memory_space<semaphore_mem>>) src(%dma_wait3A_240 : memref<1000000x64xf32, #tpu.memory_space<hbm>>) dst(%dma_wait3A_234 : memref<128x64xf32, #tpu.memory_space<vmem>>)
    %iota3A = tpu.iota {dimensions = array<i32: 0>} : vector<16xi32>
    %scan3A = arith.constant 0 : i32
    %scan3A_241 = arith.constant 32 : i32
    %scan3A_242 = arith.addi %scan3A, %scan3A_241 : i32
    %scan3A_243 = arith.constant 1 : i32
    scf.for %scan3A_245 = %scan3A to %scan3A_242 step %scan3A_243  : i32 {
      %mul3A_246 = arith.constant 16 : i32
      %mul3A_247 = arith.muli %scan3A_245, %mul3A_246 : i32
      %add3A_248 = arith.constant 0 : i32
      %add3A_249 = arith.addi %add3A_248, %mul3A_247 : i32
      %broadcast_in_dim3A = arith.constant 0.000000e+00 : f32
      %broadcast_in_dim3A_250 = vector.broadcast %broadcast_in_dim3A : f32 to vector<16xf32>
      %broadcast_in_dim3A_251 = arith.constant 0.000000e+00 : f32
      %broadcast_in_dim3A_252 = vector.broadcast %broadcast_in_dim3A_251 : f32 to vector<16xf32>
      %add3A_253 = arith.constant 0 : i32
      %add3A_254 = arith.addi %add3A_249, %add3A_253 : i32
      %broadcast_in_dim3A_255 = arith.constant 0.000000e+00 : f32
      %broadcast_in_dim3A_256 = vector.broadcast %broadcast_in_dim3A_255 : f32 to vector<16xf32>
      %broadcast_in_dim3A_257 = arith.constant 0.000000e+00 : f32
      %broadcast_in_dim3A_258 = vector.broadcast %broadcast_in_dim3A_257 : f32 to vector<16xf32>
      %get3A = arith.index_cast %add3A_254 : i32 to index
      %get3A_259 = arith.constant 0 : index
      %get3A_260 = tpu.vector_load %arg12[%get3A, %get3A_259] {strides = array<i32>} : memref<512x64xf32, #tpu.memory_space<vmem>>, vector<16xf32>,
      %get3A_261 = arith.index_cast %add3A_254 : i32 to index
      %get3A_262 = arith.constant 0 : index
      %get3A_263 = tpu.vector_load %arg13[%get3A_261, %get3A_262] {strides = array<i32>} : memref<512x64xf32, #tpu.memory_space<vmem>>, vector<16xf32>,
      %mul3A_264 = arith.mulf %get3A_260, %get3A_263 : vector<16xf32>
      %add3A_265 = arith.addf %broadcast_in_dim3A_256, %mul3A_264 : vector<16xf32>
      %get3A_266 = arith.index_cast %add3A_254 : i32 to index
      %get3A_267 = arith.constant 0 : index
      %get3A_268 = tpu.vector_load %arg14[%get3A_266, %get3A_267] {strides = array<i32>} : memref<512x64xf32, #tpu.memory_space<vmem>>, vector<16xf32>,
      %mul3A_269 = arith.mulf %get3A_260, %get3A_268 : vector<16xf32>
      %add3A_270 = arith.addf %broadcast_in_dim3A_258, %mul3A_269 : vector<16xf32>
      %get3A_271 = arith.index_cast %add3A_254 : i32 to index
      %get3A_272 = arith.constant 16 : index
      %get3A_273 = tpu.vector_load %arg12[%get3A_271, %get3A_272] {strides = array<i32>} : memref<512x64xf32, #tpu.memory_space<vmem>>, vector<16xf32>,
      %get3A_274 = arith.index_cast %add3A_254 : i32 to index
      %get3A_275 = arith.constant 16 : index
      %get3A_276 = tpu.vector_load %arg13[%get3A_274, %get3A_275] {strides = array<i32>} : memref<512x64xf32, #tpu.memory_space<vmem>>, vector<16xf32>,
      %mul3A_277 = arith.mulf %get3A_273, %get3A_276 : vector<16xf32>
      %add3A_278 = arith.addf %add3A_265, %mul3A_277 : vector<16xf32>
      %get3A_279 = arith.index_cast %add3A_254 : i32 to index
      %get3A_280 = arith.constant 16 : index
      %get3A_281 = tpu.vector_load %arg14[%get3A_279, %get3A_280] {strides = array<i32>} : memref<512x64xf32, #tpu.memory_space<vmem>>, vector<16xf32>,
      %mul3A_282 = arith.mulf %get3A_273, %get3A_281 : vector<16xf32>
      %add3A_283 = arith.addf %add3A_270, %mul3A_282 : vector<16xf32>
      %get3A_284 = arith.index_cast %add3A_254 : i32 to index
      %get3A_285 = arith.constant 32 : index
      %get3A_286 = tpu.vector_load %arg12[%get3A_284, %get3A_285] {strides = array<i32>} : memref<512x64xf32, #tpu.memory_space<vmem>>, vector<16xf32>,
      %get3A_287 = arith.index_cast %add3A_254 : i32 to index
      %get3A_288 = arith.constant 32 : index
      %get3A_289 = tpu.vector_load %arg13[%get3A_287, %get3A_288] {strides = array<i32>} : memref<512x64xf32, #tpu.memory_space<vmem>>, vector<16xf32>,
      %mul3A_290 = arith.mulf %get3A_286, %get3A_289 : vector<16xf32>
      %add3A_291 = arith.addf %add3A_278, %mul3A_290 : vector<16xf32>
      %get3A_292 = arith.index_cast %add3A_254 : i32 to index
      %get3A_293 = arith.constant 32 : index
      %get3A_294 = tpu.vector_load %arg14[%get3A_292, %get3A_293] {strides = array<i32>} : memref<512x64xf32, #tpu.memory_space<vmem>>, vector<16xf32>,
      %mul3A_295 = arith.mulf %get3A_286, %get3A_294 : vector<16xf32>
      %add3A_296 = arith.addf %add3A_283, %mul3A_295 : vector<16xf32>
      %get3A_297 = arith.index_cast %add3A_254 : i32 to index
      %get3A_298 = arith.constant 48 : index
      %get3A_299 = tpu.vector_load %arg12[%get3A_297, %get3A_298] {strides = array<i32>} : memref<512x64xf32, #tpu.memory_space<vmem>>, vector<16xf32>,
      %get3A_300 = arith.index_cast %add3A_254 : i32 to index
      %get3A_301 = arith.constant 48 : index
      %get3A_302 = tpu.vector_load %arg13[%get3A_300, %get3A_301] {strides = array<i32>} : memref<512x64xf32, #tpu.memory_space<vmem>>, vector<16xf32>,
      %mul3A_303 = arith.mulf %get3A_299, %get3A_302 : vector<16xf32>
      %add3A_304 = arith.addf %add3A_291, %mul3A_303 : vector<16xf32>
      %get3A_305 = arith.index_cast %add3A_254 : i32 to index
      %get3A_306 = arith.constant 48 : index
      %get3A_307 = tpu.vector_load %arg14[%get3A_305, %get3A_306] {strides = array<i32>} : memref<512x64xf32, #tpu.memory_space<vmem>>, vector<16xf32>,
      %mul3A_308 = arith.mulf %get3A_299, %get3A_307 : vector<16xf32>
      %add3A_309 = arith.addf %add3A_296, %mul3A_308 : vector<16xf32>
      %eq3A = arith.constant 0 : i32
      %eq3A_310 = vector.broadcast %eq3A : i32 to vector<16xi32>
      %eq3A_311 = arith.cmpi eq, %iota3A, %eq3A_310 : vector<16xi32>
      %reduce_sum3A = arith.constant true
      %reduce_sum3A_312 = vector.broadcast %reduce_sum3A : i1 to vector<16xi1>
      %reduce_sum3A_313 = tpu.scan <sum>, %add3A_304 masked %reduce_sum3A_312 : vector<16xf32>, vector<16xi1> -> vector<16xf32>
      %reduce_sum3A_314 = vector.extract %reduce_sum3A_313[15] : f32 from vector<16xf32>
      %broadcast_in_dim3A_315 = vector.broadcast %reduce_sum3A_314 : f32 to vector<16xf32>
      %select_n3A = arith.select %eq3A_311, %broadcast_in_dim3A_315, %broadcast_in_dim3A_250 : vector<16xi1>, vector<16xf32>
      %eq3A_316 = arith.constant 0 : i32
      %eq3A_317 = vector.broadcast %eq3A_316 : i32 to vector<16xi32>
      %eq3A_318 = arith.cmpi eq, %iota3A, %eq3A_317 : vector<16xi32>
      %reduce_sum3A_319 = arith.constant true
      %reduce_sum3A_320 = vector.broadcast %reduce_sum3A_319 : i1 to vector<16xi1>
      %reduce_sum3A_321 = tpu.scan <sum>, %add3A_309 masked %reduce_sum3A_320 : vector<16xf32>, vector<16xi1> -> vector<16xf32>
      %reduce_sum3A_322 = vector.extract %reduce_sum3A_321[15] : f32 from vector<16xf32>
      %broadcast_in_dim3A_323 = vector.broadcast %reduce_sum3A_322 : f32 to vector<16xf32>
      %select_n3A_324 = arith.select %eq3A_318, %broadcast_in_dim3A_323, %broadcast_in_dim3A_252 : vector<16xi1>, vector<16xf32>
      %add3A_325 = arith.constant 1 : i32
      %add3A_326 = arith.addi %add3A_249, %add3A_325 : i32
      %broadcast_in_dim3A_327 = arith.constant 0.000000e+00 : f32
      %broadcast_in_dim3A_328 = vector.broadcast %broadcast_in_dim3A_327 : f32 to vector<16xf32>
      %broadcast_in_dim3A_329 = arith.constant 0.000000e+00 : f32
      %broadcast_in_dim3A_330 = vector.broadcast %broadcast_in_dim3A_329 : f32 to vector<16xf32>
      %get3A_331 = arith.index_cast %add3A_326 : i32 to index
      %get3A_332 = arith.constant 0 : index
      %get3A_333 = tpu.vector_load %arg12[%get3A_331, %get3A_332] {strides = array<i32>} : memref<512x64xf32, #tpu.memory_space<vmem>>, vector<16xf32>,
      %get3A_334 = arith.index_cast %add3A_326 : i32 to index
      %get3A_335 = arith.constant 0 : index
      %get3A_336 = tpu.vector_load %arg13[%get3A_334, %get3A_335] {strides = array<i32>} : memref<512x64xf32, #tpu.memory_space<vmem>>, vector<16xf32>,
      %mul3A_337 = arith.mulf %get3A_333, %get3A_336 : vector<16xf32>
      %add3A_338 = arith.addf %broadcast_in_dim3A_328, %mul3A_337 : vector<16xf32>
      %get3A_339 = arith.index_cast %add3A_326 : i32 to index
      %get3A_340 = arith.constant 0 : index
      %get3A_341 = tpu.vector_load %arg14[%get3A_339, %get3A_340] {strides = array<i32>} : memref<512x64xf32, #tpu.memory_space<vmem>>, vector<16xf32>,
      %mul3A_342 = arith.mulf %get3A_333, %get3A_341 : vector<16xf32>
      %add3A_343 = arith.addf %broadcast_in_dim3A_330, %mul3A_342 : vector<16xf32>
      %get3A_344 = arith.index_cast %add3A_326 : i32 to index
      %get3A_345 = arith.constant 16 : index
      %get3A_346 = tpu.vector_load %arg12[%get3A_344, %get3A_345] {strides = array<i32>} : memref<512x64xf32, #tpu.memory_space<vmem>>, vector<16xf32>,
      %get3A_347 = arith.index_cast %add3A_326 : i32 to index
      %get3A_348 = arith.constant 16 : index
      %get3A_349 = tpu.vector_load %arg13[%get3A_347, %get3A_348] {strides = array<i32>} : memref<512x64xf32, #tpu.memory_space<vmem>>, vector<16xf32>,
      %mul3A_350 = arith.mulf %get3A_346, %get3A_349 : vector<16xf32>
      %add3A_351 = arith.addf %add3A_338, %mul3A_350 : vector<16xf32>
      %get3A_352 = arith.index_cast %add3A_326 : i32 to index
      %get3A_353 = arith.constant 16 : index
      %get3A_354 = tpu.vector_load %arg14[%get3A_352, %get3A_353] {strides = array<i32>} : memref<512x64xf32, #tpu.memory_space<vmem>>, vector<16xf32>,
      %mul3A_355 = arith.mulf %get3A_346, %get3A_354 : vector<16xf32>
      %add3A_356 = arith.addf %add3A_343, %mul3A_355 : vector<16xf32>
      %get3A_357 = arith.index_cast %add3A_326 : i32 to index
      %get3A_358 = arith.constant 32 : index
      %get3A_359 = tpu.vector_load %arg12[%get3A_357, %get3A_358] {strides = array<i32>} : memref<512x64xf32, #tpu.memory_space<vmem>>, vector<16xf32>,
      %get3A_360 = arith.index_cast %add3A_326 : i32 to index
      %get3A_361 = arith.constant 32 : index
      %get3A_362 = tpu.vector_load %arg13[%get3A_360, %get3A_361] {strides = array<i32>} : memref<512x64xf32, #tpu.memory_space<vmem>>, vector<16xf32>,
      %mul3A_363 = arith.mulf %get3A_359, %get3A_362 : vector<16xf32>
      %add3A_364 = arith.addf %add3A_351, %mul3A_363 : vector<16xf32>
      %get3A_365 = arith.index_cast %add3A_326 : i32 to index
      %get3A_366 = arith.constant 32 : index
      %get3A_367 = tpu.vector_load %arg14[%get3A_365, %get3A_366] {strides = array<i32>} : memref<512x64xf32, #tpu.memory_space<vmem>>, vector<16xf32>,
      %mul3A_368 = arith.mulf %get3A_359, %get3A_367 : vector<16xf32>
      %add3A_369 = arith.addf %add3A_356, %mul3A_368 : vector<16xf32>
      %get3A_370 = arith.index_cast %add3A_326 : i32 to index
      %get3A_371 = arith.constant 48 : index
      %get3A_372 = tpu.vector_load %arg12[%get3A_370, %get3A_371] {strides = array<i32>} : memref<512x64xf32, #tpu.memory_space<vmem>>, vector<16xf32>,
      %get3A_373 = arith.index_cast %add3A_326 : i32 to index
      %get3A_374 = arith.constant 48 : index
      %get3A_375 = tpu.vector_load %arg13[%get3A_373, %get3A_374] {strides = array<i32>} : memref<512x64xf32, #tpu.memory_space<vmem>>, vector<16xf32>,
      %mul3A_376 = arith.mulf %get3A_372, %get3A_375 : vector<16xf32>
      %add3A_377 = arith.addf %add3A_364, %mul3A_376 : vector<16xf32>
      %get3A_378 = arith.index_cast %add3A_326 : i32 to index
      %get3A_379 = arith.constant 48 : index
      %get3A_380 = tpu.vector_load %arg14[%get3A_378, %get3A_379] {strides = array<i32>} : memref<512x64xf32, #tpu.memory_space<vmem>>, vector<16xf32>,
      %mul3A_381 = arith.mulf %get3A_372, %get3A_380 : vector<16xf32>
      %add3A_382 = arith.addf %add3A_369, %mul3A_381 : vector<16xf32>
      %eq3A_383 = arith.constant 1 : i32
      %eq3A_384 = vector.broadcast %eq3A_383 : i32 to vector<16xi32>
      %eq3A_385 = arith.cmpi eq, %iota3A, %eq3A_384 : vector<16xi32>
      %reduce_sum3A_386 = arith.constant true
      %reduce_sum3A_387 = vector.broadcast %reduce_sum3A_386 : i1 to vector<16xi1>
      %reduce_sum3A_388 = tpu.scan <sum>, %add3A_377 masked %reduce_sum3A_387 : vector<16xf32>, vector<16xi1> -> vector<16xf32>
      %reduce_sum3A_389 = vector.extract %reduce_sum3A_388[15] : f32 from vector<16xf32>
      %broadcast_in_dim3A_390 = vector.broadcast %reduce_sum3A_389 : f32 to vector<16xf32>
      %select_n3A_391 = arith.select %eq3A_385, %broadcast_in_dim3A_390, %select_n3A : vector<16xi1>, vector<16xf32>
      %eq3A_392 = arith.constant 1 : i32
      %eq3A_393 = vector.broadcast %eq3A_392 : i32 to vector<16xi32>
      %eq3A_394 = arith.cmpi eq, %iota3A, %eq3A_393 : vector<16xi32>
      %reduce_sum3A_395 = arith.constant true
      %reduce_sum3A_396 = vector.broadcast %reduce_sum3A_395 : i1 to vector<16xi1>
      %reduce_sum3A_397 = tpu.scan <sum>, %add3A_382 masked %reduce_sum3A_396 : vector<16xf32>, vector<16xi1> -> vector<16xf32>
      %reduce_sum3A_398 = vector.extract %reduce_sum3A_397[15] : f32 from vector<16xf32>
      %broadcast_in_dim3A_399 = vector.broadcast %reduce_sum3A_398 : f32 to vector<16xf32>
      %select_n3A_400 = arith.select %eq3A_394, %broadcast_in_dim3A_399, %select_n3A_324 : vector<16xi1>, vector<16xf32>
      %add3A_401 = arith.constant 2 : i32
      %add3A_402 = arith.addi %add3A_249, %add3A_401 : i32
      %broadcast_in_dim3A_403 = arith.constant 0.000000e+00 : f32
      %broadcast_in_dim3A_404 = vector.broadcast %broadcast_in_dim3A_403 : f32 to vector<16xf32>
      %broadcast_in_dim3A_405 = arith.constant 0.000000e+00 : f32
      %broadcast_in_dim3A_406 = vector.broadcast %broadcast_in_dim3A_405 : f32 to vector<16xf32>
      %get3A_407 = arith.index_cast %add3A_402 : i32 to index
      %get3A_408 = arith.constant 0 : index
      %get3A_409 = tpu.vector_load %arg12[%get3A_407, %get3A_408] {strides = array<i32>} : memref<512x64xf32, #tpu.memory_space<vmem>>, vector<16xf32>,
      %get3A_410 = arith.index_cast %add3A_402 : i32 to index
      %get3A_411 = arith.constant 0 : index
      %get3A_412 = tpu.vector_load %arg13[%get3A_410, %get3A_411] {strides = array<i32>} : memref<512x64xf32, #tpu.memory_space<vmem>>, vector<16xf32>,
      %mul3A_413 = arith.mulf %get3A_409, %get3A_412 : vector<16xf32>
      %add3A_414 = arith.addf %broadcast_in_dim3A_404, %mul3A_413 : vector<16xf32>
      %get3A_415 = arith.index_cast %add3A_402 : i32 to index
      %get3A_416 = arith.constant 0 : index
      %get3A_417 = tpu.vector_load %arg14[%get3A_415, %get3A_416] {strides = array<i32>} : memref<512x64xf32, #tpu.memory_space<vmem>>, vector<16xf32>,
      %mul3A_418 = arith.mulf %get3A_409, %get3A_417 : vector<16xf32>
      %add3A_419 = arith.addf %broadcast_in_dim3A_406, %mul3A_418 : vector<16xf32>
      %get3A_420 = arith.index_cast %add3A_402 : i32 to index
      %get3A_421 = arith.constant 16 : index
      %get3A_422 = tpu.vector_load %arg12[%get3A_420, %get3A_421] {strides = array<i32>} : memref<512x64xf32, #tpu.memory_space<vmem>>, vector<16xf32>,
      %get3A_423 = arith.index_cast %add3A_402 : i32 to index
      %get3A_424 = arith.constant 16 : index
      %get3A_425 = tpu.vector_load %arg13[%get3A_423, %get3A_424] {strides = array<i32>} : memref<512x64xf32, #tpu.memory_space<vmem>>, vector<16xf32>,
      %mul3A_426 = arith.mulf %get3A_422, %get3A_425 : vector<16xf32>
      %add3A_427 = arith.addf %add3A_414, %mul3A_426 : vector<16xf32>
      %get3A_428 = arith.index_cast %add3A_402 : i32 to index
      %get3A_429 = arith.constant 16 : index
      %get3A_430 = tpu.vector_load %arg14[%get3A_428, %get3A_429] {strides = array<i32>} : memref<512x64xf32, #tpu.memory_space<vmem>>, vector<16xf32>,
      %mul3A_431 = arith.mulf %get3A_422, %get3A_430 : vector<16xf32>
      %add3A_432 = arith.addf %add3A_419, %mul3A_431 : vector<16xf32>
      %get3A_433 = arith.index_cast %add3A_402 : i32 to index
      %get3A_434 = arith.constant 32 : index
      %get3A_435 = tpu.vector_load %arg12[%get3A_433, %get3A_434] {strides = array<i32>} : memref<512x64xf32, #tpu.memory_space<vmem>>, vector<16xf32>,
      %get3A_436 = arith.index_cast %add3A_402 : i32 to index
      %get3A_437 = arith.constant 32 : index
      %get3A_438 = tpu.vector_load %arg13[%get3A_436, %get3A_437] {strides = array<i32>} : memref<512x64xf32, #tpu.memory_space<vmem>>, vector<16xf32>,
      %mul3A_439 = arith.mulf %get3A_435, %get3A_438 : vector<16xf32>
      %add3A_440 = arith.addf %add3A_427, %mul3A_439 : vector<16xf32>
      %get3A_441 = arith.index_cast %add3A_402 : i32 to index
      %get3A_442 = arith.constant 32 : index
      %get3A_443 = tpu.vector_load %arg14[%get3A_441, %get3A_442] {strides = array<i32>} : memref<512x64xf32, #tpu.memory_space<vmem>>, vector<16xf32>,
      %mul3A_444 = arith.mulf %get3A_435, %get3A_443 : vector<16xf32>
      %add3A_445 = arith.addf %add3A_432, %mul3A_444 : vector<16xf32>
      %get3A_446 = arith.index_cast %add3A_402 : i32 to index
      %get3A_447 = arith.constant 48 : index
      %get3A_448 = tpu.vector_load %arg12[%get3A_446, %get3A_447] {strides = array<i32>} : memref<512x64xf32, #tpu.memory_space<vmem>>, vector<16xf32>,
      %get3A_449 = arith.index_cast %add3A_402 : i32 to index
      %get3A_450 = arith.constant 48 : index
      %get3A_451 = tpu.vector_load %arg13[%get3A_449, %get3A_450] {strides = array<i32>} : memref<512x64xf32, #tpu.memory_space<vmem>>, vector<16xf32>,
      %mul3A_452 = arith.mulf %get3A_448, %get3A_451 : vector<16xf32>
      %add3A_453 = arith.addf %add3A_440, %mul3A_452 : vector<16xf32>
      %get3A_454 = arith.index_cast %add3A_402 : i32 to index
      %get3A_455 = arith.constant 48 : index
      %get3A_456 = tpu.vector_load %arg14[%get3A_454, %get3A_455] {strides = array<i32>} : memref<512x64xf32, #tpu.memory_space<vmem>>, vector<16xf32>,
      %mul3A_457 = arith.mulf %get3A_448, %get3A_456 : vector<16xf32>
      %add3A_458 = arith.addf %add3A_445, %mul3A_457 : vector<16xf32>
      %eq3A_459 = arith.constant 2 : i32
      %eq3A_460 = vector.broadcast %eq3A_459 : i32 to vector<16xi32>
      %eq3A_461 = arith.cmpi eq, %iota3A, %eq3A_460 : vector<16xi32>
      %reduce_sum3A_462 = arith.constant true
      %reduce_sum3A_463 = vector.broadcast %reduce_sum3A_462 : i1 to vector<16xi1>
      %reduce_sum3A_464 = tpu.scan <sum>, %add3A_453 masked %reduce_sum3A_463 : vector<16xf32>, vector<16xi1> -> vector<16xf32>
      %reduce_sum3A_465 = vector.extract %reduce_sum3A_464[15] : f32 from vector<16xf32>
      %broadcast_in_dim3A_466 = vector.broadcast %reduce_sum3A_465 : f32 to vector<16xf32>
      %select_n3A_467 = arith.select %eq3A_461, %broadcast_in_dim3A_466, %select_n3A_391 : vector<16xi1>, vector<16xf32>
      %eq3A_468 = arith.constant 2 : i32
      %eq3A_469 = vector.broadcast %eq3A_468 : i32 to vector<16xi32>
      %eq3A_470 = arith.cmpi eq, %iota3A, %eq3A_469 : vector<16xi32>
      %reduce_sum3A_471 = arith.constant true
      %reduce_sum3A_472 = vector.broadcast %reduce_sum3A_471 : i1 to vector<16xi1>
      %reduce_sum3A_473 = tpu.scan <sum>, %add3A_458 masked %reduce_sum3A_472 : vector<16xf32>, vector<16xi1> -> vector<16xf32>
      %reduce_sum3A_474 = vector.extract %reduce_sum3A_473[15] : f32 from vector<16xf32>
      %broadcast_in_dim3A_475 = vector.broadcast %reduce_sum3A_474 : f32 to vector<16xf32>
      %select_n3A_476 = arith.select %eq3A_470, %broadcast_in_dim3A_475, %select_n3A_400 : vector<16xi1>, vector<16xf32>
      %add3A_477 = arith.constant 3 : i32
      %add3A_478 = arith.addi %add3A_249, %add3A_477 : i32
      %broadcast_in_dim3A_479 = arith.constant 0.000000e+00 : f32
      %broadcast_in_dim3A_480 = vector.broadcast %broadcast_in_dim3A_479 : f32 to vector<16xf32>
      %broadcast_in_dim3A_481 = arith.constant 0.000000e+00 : f32
      %broadcast_in_dim3A_482 = vector.broadcast %broadcast_in_dim3A_481 : f32 to vector<16xf32>
      %get3A_483 = arith.index_cast %add3A_478 : i32 to index
      %get3A_484 = arith.constant 0 : index
      %get3A_485 = tpu.vector_load %arg12[%get3A_483, %get3A_484] {strides = array<i32>} : memref<512x64xf32, #tpu.memory_space<vmem>>, vector<16xf32>,
      %get3A_486 = arith.index_cast %add3A_478 : i32 to index
      %get3A_487 = arith.constant 0 : index
      %get3A_488 = tpu.vector_load %arg13[%get3A_486, %get3A_487] {strides = array<i32>} : memref<512x64xf32, #tpu.memory_space<vmem>>, vector<16xf32>,
      %mul3A_489 = arith.mulf %get3A_485, %get3A_488 : vector<16xf32>
      %add3A_490 = arith.addf %broadcast_in_dim3A_480, %mul3A_489 : vector<16xf32>
      %get3A_491 = arith.index_cast %add3A_478 : i32 to index
      %get3A_492 = arith.constant 0 : index
      %get3A_493 = tpu.vector_load %arg14[%get3A_491, %get3A_492] {strides = array<i32>} : memref<512x64xf32, #tpu.memory_space<vmem>>, vector<16xf32>,
      %mul3A_494 = arith.mulf %get3A_485, %get3A_493 : vector<16xf32>
      %add3A_495 = arith.addf %broadcast_in_dim3A_482, %mul3A_494 : vector<16xf32>
      %get3A_496 = arith.index_cast %add3A_478 : i32 to index
      %get3A_497 = arith.constant 16 : index
      %get3A_498 = tpu.vector_load %arg12[%get3A_496, %get3A_497] {strides = array<i32>} : memref<512x64xf32, #tpu.memory_space<vmem>>, vector<16xf32>,
      %get3A_499 = arith.index_cast %add3A_478 : i32 to index
      %get3A_500 = arith.constant 16 : index
      %get3A_501 = tpu.vector_load %arg13[%get3A_499, %get3A_500] {strides = array<i32>} : memref<512x64xf32, #tpu.memory_space<vmem>>, vector<16xf32>,
      %mul3A_502 = arith.mulf %get3A_498, %get3A_501 : vector<16xf32>
      %add3A_503 = arith.addf %add3A_490, %mul3A_502 : vector<16xf32>
      %get3A_504 = arith.index_cast %add3A_478 : i32 to index
      %get3A_505 = arith.constant 16 : index
      %get3A_506 = tpu.vector_load %arg14[%get3A_504, %get3A_505] {strides = array<i32>} : memref<512x64xf32, #tpu.memory_space<vmem>>, vector<16xf32>,
      %mul3A_507 = arith.mulf %get3A_498, %get3A_506 : vector<16xf32>
      %add3A_508 = arith.addf %add3A_495, %mul3A_507 : vector<16xf32>
      %get3A_509 = arith.index_cast %add3A_478 : i32 to index
      %get3A_510 = arith.constant 32 : index
      %get3A_511 = tpu.vector_load %arg12[%get3A_509, %get3A_510] {strides = array<i32>} : memref<512x64xf32, #tpu.memory_space<vmem>>, vector<16xf32>,
      %get3A_512 = arith.index_cast %add3A_478 : i32 to index
      %get3A_513 = arith.constant 32 : index
      %get3A_514 = tpu.vector_load %arg13[%get3A_512, %get3A_513] {strides = array<i32>} : memref<512x64xf32, #tpu.memory_space<vmem>>, vector<16xf32>,
      %mul3A_515 = arith.mulf %get3A_511, %get3A_514 : vector<16xf32>
      %add3A_516 = arith.addf %add3A_503, %mul3A_515 : vector<16xf32>
      %get3A_517 = arith.index_cast %add3A_478 : i32 to index
      %get3A_518 = arith.constant 32 : index
      %get3A_519 = tpu.vector_load %arg14[%get3A_517, %get3A_518] {strides = array<i32>} : memref<512x64xf32, #tpu.memory_space<vmem>>, vector<16xf32>,
      %mul3A_520 = arith.mulf %get3A_511, %get3A_519 : vector<16xf32>
      %add3A_521 = arith.addf %add3A_508, %mul3A_520 : vector<16xf32>
      %get3A_522 = arith.index_cast %add3A_478 : i32 to index
      %get3A_523 = arith.constant 48 : index
      %get3A_524 = tpu.vector_load %arg12[%get3A_522, %get3A_523] {strides = array<i32>} : memref<512x64xf32, #tpu.memory_space<vmem>>, vector<16xf32>,
      %get3A_525 = arith.index_cast %add3A_478 : i32 to index
      %get3A_526 = arith.constant 48 : index
      %get3A_527 = tpu.vector_load %arg13[%get3A_525, %get3A_526] {strides = array<i32>} : memref<512x64xf32, #tpu.memory_space<vmem>>, vector<16xf32>,
      %mul3A_528 = arith.mulf %get3A_524, %get3A_527 : vector<16xf32>
      %add3A_529 = arith.addf %add3A_516, %mul3A_528 : vector<16xf32>
      %get3A_530 = arith.index_cast %add3A_478 : i32 to index
      %get3A_531 = arith.constant 48 : index
      %get3A_532 = tpu.vector_load %arg14[%get3A_530, %get3A_531] {strides = array<i32>} : memref<512x64xf32, #tpu.memory_space<vmem>>, vector<16xf32>,
      %mul3A_533 = arith.mulf %get3A_524, %get3A_532 : vector<16xf32>
      %add3A_534 = arith.addf %add3A_521, %mul3A_533 : vector<16xf32>
      %eq3A_535 = arith.constant 3 : i32
      %eq3A_536 = vector.broadcast %eq3A_535 : i32 to vector<16xi32>
      %eq3A_537 = arith.cmpi eq, %iota3A, %eq3A_536 : vector<16xi32>
      %reduce_sum3A_538 = arith.constant true
      %reduce_sum3A_539 = vector.broadcast %reduce_sum3A_538 : i1 to vector<16xi1>
      %reduce_sum3A_540 = tpu.scan <sum>, %add3A_529 masked %reduce_sum3A_539 : vector<16xf32>, vector<16xi1> -> vector<16xf32>
      %reduce_sum3A_541 = vector.extract %reduce_sum3A_540[15] : f32 from vector<16xf32>
      %broadcast_in_dim3A_542 = vector.broadcast %reduce_sum3A_541 : f32 to vector<16xf32>
      %select_n3A_543 = arith.select %eq3A_537, %broadcast_in_dim3A_542, %select_n3A_467 : vector<16xi1>, vector<16xf32>
      %eq3A_544 = arith.constant 3 : i32
      %eq3A_545 = vector.broadcast %eq3A_544 : i32 to vector<16xi32>
      %eq3A_546 = arith.cmpi eq, %iota3A, %eq3A_545 : vector<16xi32>
      %reduce_sum3A_547 = arith.constant true
      %reduce_sum3A_548 = vector.broadcast %reduce_sum3A_547 : i1 to vector<16xi1>
      %reduce_sum3A_549 = tpu.scan <sum>, %add3A_534 masked %reduce_sum3A_548 : vector<16xf32>, vector<16xi1> -> vector<16xf32>
      %reduce_sum3A_550 = vector.extract %reduce_sum3A_549[15] : f32 from vector<16xf32>
      %broadcast_in_dim3A_551 = vector.broadcast %reduce_sum3A_550 : f32 to vector<16xf32>
      %select_n3A_552 = arith.select %eq3A_546, %broadcast_in_dim3A_551, %select_n3A_476 : vector<16xi1>, vector<16xf32>
      %add3A_553 = arith.constant 4 : i32
      %add3A_554 = arith.addi %add3A_249, %add3A_553 : i32
      %broadcast_in_dim3A_555 = arith.constant 0.000000e+00 : f32
      %broadcast_in_dim3A_556 = vector.broadcast %broadcast_in_dim3A_555 : f32 to vector<16xf32>
      %broadcast_in_dim3A_557 = arith.constant 0.000000e+00 : f32
      %broadcast_in_dim3A_558 = vector.broadcast %broadcast_in_dim3A_557 : f32 to vector<16xf32>
      %get3A_559 = arith.index_cast %add3A_554 : i32 to index
      %get3A_560 = arith.constant 0 : index
      %get3A_561 = tpu.vector_load %arg12[%get3A_559, %get3A_560] {strides = array<i32>} : memref<512x64xf32, #tpu.memory_space<vmem>>, vector<16xf32>,
      %get3A_562 = arith.index_cast %add3A_554 : i32 to index
      %get3A_563 = arith.constant 0 : index
      %get3A_564 = tpu.vector_load %arg13[%get3A_562, %get3A_563] {strides = array<i32>} : memref<512x64xf32, #tpu.memory_space<vmem>>, vector<16xf32>,
      %mul3A_565 = arith.mulf %get3A_561, %get3A_564 : vector<16xf32>
      %add3A_566 = arith.addf %broadcast_in_dim3A_556, %mul3A_565 : vector<16xf32>
      %get3A_567 = arith.index_cast %add3A_554 : i32 to index
      %get3A_568 = arith.constant 0 : index
      %get3A_569 = tpu.vector_load %arg14[%get3A_567, %get3A_568] {strides = array<i32>} : memref<512x64xf32, #tpu.memory_space<vmem>>, vector<16xf32>,
      %mul3A_570 = arith.mulf %get3A_561, %get3A_569 : vector<16xf32>
      %add3A_571 = arith.addf %broadcast_in_dim3A_558, %mul3A_570 : vector<16xf32>
      %get3A_572 = arith.index_cast %add3A_554 : i32 to index
      %get3A_573 = arith.constant 16 : index
      %get3A_574 = tpu.vector_load %arg12[%get3A_572, %get3A_573] {strides = array<i32>} : memref<512x64xf32, #tpu.memory_space<vmem>>, vector<16xf32>,
      %get3A_575 = arith.index_cast %add3A_554 : i32 to index
      %get3A_576 = arith.constant 16 : index
      %get3A_577 = tpu.vector_load %arg13[%get3A_575, %get3A_576] {strides = array<i32>} : memref<512x64xf32, #tpu.memory_space<vmem>>, vector<16xf32>,
      %mul3A_578 = arith.mulf %get3A_574, %get3A_577 : vector<16xf32>
      %add3A_579 = arith.addf %add3A_566, %mul3A_578 : vector<16xf32>
      %get3A_580 = arith.index_cast %add3A_554 : i32 to index
      %get3A_581 = arith.constant 16 : index
      %get3A_582 = tpu.vector_load %arg14[%get3A_580, %get3A_581] {strides = array<i32>} : memref<512x64xf32, #tpu.memory_space<vmem>>, vector<16xf32>,
      %mul3A_583 = arith.mulf %get3A_574, %get3A_582 : vector<16xf32>
      %add3A_584 = arith.addf %add3A_571, %mul3A_583 : vector<16xf32>
      %get3A_585 = arith.index_cast %add3A_554 : i32 to index
      %get3A_586 = arith.constant 32 : index
      %get3A_587 = tpu.vector_load %arg12[%get3A_585, %get3A_586] {strides = array<i32>} : memref<512x64xf32, #tpu.memory_space<vmem>>, vector<16xf32>,
      %get3A_588 = arith.index_cast %add3A_554 : i32 to index
      %get3A_589 = arith.constant 32 : index
      %get3A_590 = tpu.vector_load %arg13[%get3A_588, %get3A_589] {strides = array<i32>} : memref<512x64xf32, #tpu.memory_space<vmem>>, vector<16xf32>,
      %mul3A_591 = arith.mulf %get3A_587, %get3A_590 : vector<16xf32>
      %add3A_592 = arith.addf %add3A_579, %mul3A_591 : vector<16xf32>
      %get3A_593 = arith.index_cast %add3A_554 : i32 to index
      %get3A_594 = arith.constant 32 : index
      %get3A_595 = tpu.vector_load %arg14[%get3A_593, %get3A_594] {strides = array<i32>} : memref<512x64xf32, #tpu.memory_space<vmem>>, vector<16xf32>,
      %mul3A_596 = arith.mulf %get3A_587, %get3A_595 : vector<16xf32>
      %add3A_597 = arith.addf %add3A_584, %mul3A_596 : vector<16xf32>
      %get3A_598 = arith.index_cast %add3A_554 : i32 to index
      %get3A_599 = arith.constant 48 : index
      %get3A_600 = tpu.vector_load %arg12[%get3A_598, %get3A_599] {strides = array<i32>} : memref<512x64xf32, #tpu.memory_space<vmem>>, vector<16xf32>,
      %get3A_601 = arith.index_cast %add3A_554 : i32 to index
      %get3A_602 = arith.constant 48 : index
      %get3A_603 = tpu.vector_load %arg13[%get3A_601, %get3A_602] {strides = array<i32>} : memref<512x64xf32, #tpu.memory_space<vmem>>, vector<16xf32>,
      %mul3A_604 = arith.mulf %get3A_600, %get3A_603 : vector<16xf32>
      %add3A_605 = arith.addf %add3A_592, %mul3A_604 : vector<16xf32>
      %get3A_606 = arith.index_cast %add3A_554 : i32 to index
      %get3A_607 = arith.constant 48 : index
      %get3A_608 = tpu.vector_load %arg14[%get3A_606, %get3A_607] {strides = array<i32>} : memref<512x64xf32, #tpu.memory_space<vmem>>, vector<16xf32>,
      %mul3A_609 = arith.mulf %get3A_600, %get3A_608 : vector<16xf32>
      %add3A_610 = arith.addf %add3A_597, %mul3A_609 : vector<16xf32>
      %eq3A_611 = arith.constant 4 : i32
      %eq3A_612 = vector.broadcast %eq3A_611 : i32 to vector<16xi32>
      %eq3A_613 = arith.cmpi eq, %iota3A, %eq3A_612 : vector<16xi32>
      %reduce_sum3A_614 = arith.constant true
      %reduce_sum3A_615 = vector.broadcast %reduce_sum3A_614 : i1 to vector<16xi1>
      %reduce_sum3A_616 = tpu.scan <sum>, %add3A_605 masked %reduce_sum3A_615 : vector<16xf32>, vector<16xi1> -> vector<16xf32>
      %reduce_sum3A_617 = vector.extract %reduce_sum3A_616[15] : f32 from vector<16xf32>
      %broadcast_in_dim3A_618 = vector.broadcast %reduce_sum3A_617 : f32 to vector<16xf32>
      %select_n3A_619 = arith.select %eq3A_613, %broadcast_in_dim3A_618, %select_n3A_543 : vector<16xi1>, vector<16xf32>
      %eq3A_620 = arith.constant 4 : i32
      %eq3A_621 = vector.broadcast %eq3A_620 : i32 to vector<16xi32>
      %eq3A_622 = arith.cmpi eq, %iota3A, %eq3A_621 : vector<16xi32>
      %reduce_sum3A_623 = arith.constant true
      %reduce_sum3A_624 = vector.broadcast %reduce_sum3A_623 : i1 to vector<16xi1>
      %reduce_sum3A_625 = tpu.scan <sum>, %add3A_610 masked %reduce_sum3A_624 : vector<16xf32>, vector<16xi1> -> vector<16xf32>
      %reduce_sum3A_626 = vector.extract %reduce_sum3A_625[15] : f32 from vector<16xf32>
      %broadcast_in_dim3A_627 = vector.broadcast %reduce_sum3A_626 : f32 to vector<16xf32>
      %select_n3A_628 = arith.select %eq3A_622, %broadcast_in_dim3A_627, %select_n3A_552 : vector<16xi1>, vector<16xf32>
      %add3A_629 = arith.constant 5 : i32
      %add3A_630 = arith.addi %add3A_249, %add3A_629 : i32
      %broadcast_in_dim3A_631 = arith.constant 0.000000e+00 : f32
      %broadcast_in_dim3A_632 = vector.broadcast %broadcast_in_dim3A_631 : f32 to vector<16xf32>
      %broadcast_in_dim3A_633 = arith.constant 0.000000e+00 : f32
      %broadcast_in_dim3A_634 = vector.broadcast %broadcast_in_dim3A_633 : f32 to vector<16xf32>
      %get3A_635 = arith.index_cast %add3A_630 : i32 to index
      %get3A_636 = arith.constant 0 : index
      %get3A_637 = tpu.vector_load %arg12[%get3A_635, %get3A_636] {strides = array<i32>} : memref<512x64xf32, #tpu.memory_space<vmem>>, vector<16xf32>,
      %get3A_638 = arith.index_cast %add3A_630 : i32 to index
      %get3A_639 = arith.constant 0 : index
      %get3A_640 = tpu.vector_load %arg13[%get3A_638, %get3A_639] {strides = array<i32>} : memref<512x64xf32, #tpu.memory_space<vmem>>, vector<16xf32>,
      %mul3A_641 = arith.mulf %get3A_637, %get3A_640 : vector<16xf32>
      %add3A_642 = arith.addf %broadcast_in_dim3A_632, %mul3A_641 : vector<16xf32>
      %get3A_643 = arith.index_cast %add3A_630 : i32 to index
      %get3A_644 = arith.constant 0 : index
      %get3A_645 = tpu.vector_load %arg14[%get3A_643, %get3A_644] {strides = array<i32>} : memref<512x64xf32, #tpu.memory_space<vmem>>, vector<16xf32>,
      %mul3A_646 = arith.mulf %get3A_637, %get3A_645 : vector<16xf32>
      %add3A_647 = arith.addf %broadcast_in_dim3A_634, %mul3A_646 : vector<16xf32>
      %get3A_648 = arith.index_cast %add3A_630 : i32 to index
      %get3A_649 = arith.constant 16 : index
      %get3A_650 = tpu.vector_load %arg12[%get3A_648, %get3A_649] {strides = array<i32>} : memref<512x64xf32, #tpu.memory_space<vmem>>, vector<16xf32>,
      %get3A_651 = arith.index_cast %add3A_630 : i32 to index
      %get3A_652 = arith.constant 16 : index
      %get3A_653 = tpu.vector_load %arg13[%get3A_651, %get3A_652] {strides = array<i32>} : memref<512x64xf32, #tpu.memory_space<vmem>>, vector<16xf32>,
      %mul3A_654 = arith.mulf %get3A_650, %get3A_653 : vector<16xf32>
      %add3A_655 = arith.addf %add3A_642, %mul3A_654 : vector<16xf32>
      %get3A_656 = arith.index_cast %add3A_630 : i32 to index
      %get3A_657 = arith.constant 16 : index
      %get3A_658 = tpu.vector_load %arg14[%get3A_656, %get3A_657] {strides = array<i32>} : memref<512x64xf32, #tpu.memory_space<vmem>>, vector<16xf32>,
      %mul3A_659 = arith.mulf %get3A_650, %get3A_658 : vector<16xf32>
      %add3A_660 = arith.addf %add3A_647, %mul3A_659 : vector<16xf32>
      %get3A_661 = arith.index_cast %add3A_630 : i32 to index
      %get3A_662 = arith.constant 32 : index
      %get3A_663 = tpu.vector_load %arg12[%get3A_661, %get3A_662] {strides = array<i32>} : memref<512x64xf32, #tpu.memory_space<vmem>>, vector<16xf32>,
      %get3A_664 = arith.index_cast %add3A_630 : i32 to index
      %get3A_665 = arith.constant 32 : index
      %get3A_666 = tpu.vector_load %arg13[%get3A_664, %get3A_665] {strides = array<i32>} : memref<512x64xf32, #tpu.memory_space<vmem>>, vector<16xf32>,
      %mul3A_667 = arith.mulf %get3A_663, %get3A_666 : vector<16xf32>
      %add3A_668 = arith.addf %add3A_655, %mul3A_667 : vector<16xf32>
      %get3A_669 = arith.index_cast %add3A_630 : i32 to index
      %get3A_670 = arith.constant 32 : index
      %get3A_671 = tpu.vector_load %arg14[%get3A_669, %get3A_670] {strides = array<i32>} : memref<512x64xf32, #tpu.memory_space<vmem>>, vector<16xf32>,
      %mul3A_672 = arith.mulf %get3A_663, %get3A_671 : vector<16xf32>
      %add3A_673 = arith.addf %add3A_660, %mul3A_672 : vector<16xf32>
      %get3A_674 = arith.index_cast %add3A_630 : i32 to index
      %get3A_675 = arith.constant 48 : index
      %get3A_676 = tpu.vector_load %arg12[%get3A_674, %get3A_675] {strides = array<i32>} : memref<512x64xf32, #tpu.memory_space<vmem>>, vector<16xf32>,
      %get3A_677 = arith.index_cast %add3A_630 : i32 to index
      %get3A_678 = arith.constant 48 : index
      %get3A_679 = tpu.vector_load %arg13[%get3A_677, %get3A_678] {strides = array<i32>} : memref<512x64xf32, #tpu.memory_space<vmem>>, vector<16xf32>,
      %mul3A_680 = arith.mulf %get3A_676, %get3A_679 : vector<16xf32>
      %add3A_681 = arith.addf %add3A_668, %mul3A_680 : vector<16xf32>
      %get3A_682 = arith.index_cast %add3A_630 : i32 to index
      %get3A_683 = arith.constant 48 : index
      %get3A_684 = tpu.vector_load %arg14[%get3A_682, %get3A_683] {strides = array<i32>} : memref<512x64xf32, #tpu.memory_space<vmem>>, vector<16xf32>,
      %mul3A_685 = arith.mulf %get3A_676, %get3A_684 : vector<16xf32>
      %add3A_686 = arith.addf %add3A_673, %mul3A_685 : vector<16xf32>
      %eq3A_687 = arith.constant 5 : i32
      %eq3A_688 = vector.broadcast %eq3A_687 : i32 to vector<16xi32>
      %eq3A_689 = arith.cmpi eq, %iota3A, %eq3A_688 : vector<16xi32>
      %reduce_sum3A_690 = arith.constant true
      %reduce_sum3A_691 = vector.broadcast %reduce_sum3A_690 : i1 to vector<16xi1>
      %reduce_sum3A_692 = tpu.scan <sum>, %add3A_681 masked %reduce_sum3A_691 : vector<16xf32>, vector<16xi1> -> vector<16xf32>
      %reduce_sum3A_693 = vector.extract %reduce_sum3A_692[15] : f32 from vector<16xf32>
      %broadcast_in_dim3A_694 = vector.broadcast %reduce_sum3A_693 : f32 to vector<16xf32>
      %select_n3A_695 = arith.select %eq3A_689, %broadcast_in_dim3A_694, %select_n3A_619 : vector<16xi1>, vector<16xf32>
      %eq3A_696 = arith.constant 5 : i32
      %eq3A_697 = vector.broadcast %eq3A_696 : i32 to vector<16xi32>
      %eq3A_698 = arith.cmpi eq, %iota3A, %eq3A_697 : vector<16xi32>
      %reduce_sum3A_699 = arith.constant true
      %reduce_sum3A_700 = vector.broadcast %reduce_sum3A_699 : i1 to vector<16xi1>
      %reduce_sum3A_701 = tpu.scan <sum>, %add3A_686 masked %reduce_sum3A_700 : vector<16xf32>, vector<16xi1> -> vector<16xf32>
      %reduce_sum3A_702 = vector.extract %reduce_sum3A_701[15] : f32 from vector<16xf32>
      %broadcast_in_dim3A_703 = vector.broadcast %reduce_sum3A_702 : f32 to vector<16xf32>
      %select_n3A_704 = arith.select %eq3A_698, %broadcast_in_dim3A_703, %select_n3A_628 : vector<16xi1>, vector<16xf32>
      %add3A_705 = arith.constant 6 : i32
      %add3A_706 = arith.addi %add3A_249, %add3A_705 : i32
      %broadcast_in_dim3A_707 = arith.constant 0.000000e+00 : f32
      %broadcast_in_dim3A_708 = vector.broadcast %broadcast_in_dim3A_707 : f32 to vector<16xf32>
      %broadcast_in_dim3A_709 = arith.constant 0.000000e+00 : f32
      %broadcast_in_dim3A_710 = vector.broadcast %broadcast_in_dim3A_709 : f32 to vector<16xf32>
      %get3A_711 = arith.index_cast %add3A_706 : i32 to index
      %get3A_712 = arith.constant 0 : index
      %get3A_713 = tpu.vector_load %arg12[%get3A_711, %get3A_712] {strides = array<i32>} : memref<512x64xf32, #tpu.memory_space<vmem>>, vector<16xf32>,
      %get3A_714 = arith.index_cast %add3A_706 : i32 to index
      %get3A_715 = arith.constant 0 : index
      %get3A_716 = tpu.vector_load %arg13[%get3A_714, %get3A_715] {strides = array<i32>} : memref<512x64xf32, #tpu.memory_space<vmem>>, vector<16xf32>,
      %mul3A_717 = arith.mulf %get3A_713, %get3A_716 : vector<16xf32>
      %add3A_718 = arith.addf %broadcast_in_dim3A_708, %mul3A_717 : vector<16xf32>
      %get3A_719 = arith.index_cast %add3A_706 : i32 to index
      %get3A_720 = arith.constant 0 : index
      %get3A_721 = tpu.vector_load %arg14[%get3A_719, %get3A_720] {strides = array<i32>} : memref<512x64xf32, #tpu.memory_space<vmem>>, vector<16xf32>,
      %mul3A_722 = arith.mulf %get3A_713, %get3A_721 : vector<16xf32>
      %add3A_723 = arith.addf %broadcast_in_dim3A_710, %mul3A_722 : vector<16xf32>
      %get3A_724 = arith.index_cast %add3A_706 : i32 to index
      %get3A_725 = arith.constant 16 : index
      %get3A_726 = tpu.vector_load %arg12[%get3A_724, %get3A_725] {strides = array<i32>} : memref<512x64xf32, #tpu.memory_space<vmem>>, vector<16xf32>,
      %get3A_727 = arith.index_cast %add3A_706 : i32 to index
      %get3A_728 = arith.constant 16 : index
      %get3A_729 = tpu.vector_load %arg13[%get3A_727, %get3A_728] {strides = array<i32>} : memref<512x64xf32, #tpu.memory_space<vmem>>, vector<16xf32>,
      %mul3A_730 = arith.mulf %get3A_726, %get3A_729 : vector<16xf32>
      %add3A_731 = arith.addf %add3A_718, %mul3A_730 : vector<16xf32>
      %get3A_732 = arith.index_cast %add3A_706 : i32 to index
      %get3A_733 = arith.constant 16 : index
      %get3A_734 = tpu.vector_load %arg14[%get3A_732, %get3A_733] {strides = array<i32>} : memref<512x64xf32, #tpu.memory_space<vmem>>, vector<16xf32>,
      %mul3A_735 = arith.mulf %get3A_726, %get3A_734 : vector<16xf32>
      %add3A_736 = arith.addf %add3A_723, %mul3A_735 : vector<16xf32>
      %get3A_737 = arith.index_cast %add3A_706 : i32 to index
      %get3A_738 = arith.constant 32 : index
      %get3A_739 = tpu.vector_load %arg12[%get3A_737, %get3A_738] {strides = array<i32>} : memref<512x64xf32, #tpu.memory_space<vmem>>, vector<16xf32>,
      %get3A_740 = arith.index_cast %add3A_706 : i32 to index
      %get3A_741 = arith.constant 32 : index
      %get3A_742 = tpu.vector_load %arg13[%get3A_740, %get3A_741] {strides = array<i32>} : memref<512x64xf32, #tpu.memory_space<vmem>>, vector<16xf32>,
      %mul3A_743 = arith.mulf %get3A_739, %get3A_742 : vector<16xf32>
      %add3A_744 = arith.addf %add3A_731, %mul3A_743 : vector<16xf32>
      %get3A_745 = arith.index_cast %add3A_706 : i32 to index
      %get3A_746 = arith.constant 32 : index
      %get3A_747 = tpu.vector_load %arg14[%get3A_745, %get3A_746] {strides = array<i32>} : memref<512x64xf32, #tpu.memory_space<vmem>>, vector<16xf32>,
      %mul3A_748 = arith.mulf %get3A_739, %get3A_747 : vector<16xf32>
      %add3A_749 = arith.addf %add3A_736, %mul3A_748 : vector<16xf32>
      %get3A_750 = arith.index_cast %add3A_706 : i32 to index
      %get3A_751 = arith.constant 48 : index
      %get3A_752 = tpu.vector_load %arg12[%get3A_750, %get3A_751] {strides = array<i32>} : memref<512x64xf32, #tpu.memory_space<vmem>>, vector<16xf32>,
      %get3A_753 = arith.index_cast %add3A_706 : i32 to index
      %get3A_754 = arith.constant 48 : index
      %get3A_755 = tpu.vector_load %arg13[%get3A_753, %get3A_754] {strides = array<i32>} : memref<512x64xf32, #tpu.memory_space<vmem>>, vector<16xf32>,
      %mul3A_756 = arith.mulf %get3A_752, %get3A_755 : vector<16xf32>
      %add3A_757 = arith.addf %add3A_744, %mul3A_756 : vector<16xf32>
      %get3A_758 = arith.index_cast %add3A_706 : i32 to index
      %get3A_759 = arith.constant 48 : index
      %get3A_760 = tpu.vector_load %arg14[%get3A_758, %get3A_759] {strides = array<i32>} : memref<512x64xf32, #tpu.memory_space<vmem>>, vector<16xf32>,
      %mul3A_761 = arith.mulf %get3A_752, %get3A_760 : vector<16xf32>
      %add3A_762 = arith.addf %add3A_749, %mul3A_761 : vector<16xf32>
      %eq3A_763 = arith.constant 6 : i32
      %eq3A_764 = vector.broadcast %eq3A_763 : i32 to vector<16xi32>
      %eq3A_765 = arith.cmpi eq, %iota3A, %eq3A_764 : vector<16xi32>
      %reduce_sum3A_766 = arith.constant true
      %reduce_sum3A_767 = vector.broadcast %reduce_sum3A_766 : i1 to vector<16xi1>
      %reduce_sum3A_768 = tpu.scan <sum>, %add3A_757 masked %reduce_sum3A_767 : vector<16xf32>, vector<16xi1> -> vector<16xf32>
      %reduce_sum3A_769 = vector.extract %reduce_sum3A_768[15] : f32 from vector<16xf32>
      %broadcast_in_dim3A_770 = vector.broadcast %reduce_sum3A_769 : f32 to vector<16xf32>
      %select_n3A_771 = arith.select %eq3A_765, %broadcast_in_dim3A_770, %select_n3A_695 : vector<16xi1>, vector<16xf32>
      %eq3A_772 = arith.constant 6 : i32
      %eq3A_773 = vector.broadcast %eq3A_772 : i32 to vector<16xi32>
      %eq3A_774 = arith.cmpi eq, %iota3A, %eq3A_773 : vector<16xi32>
      %reduce_sum3A_775 = arith.constant true
      %reduce_sum3A_776 = vector.broadcast %reduce_sum3A_775 : i1 to vector<16xi1>
      %reduce_sum3A_777 = tpu.scan <sum>, %add3A_762 masked %reduce_sum3A_776 : vector<16xf32>, vector<16xi1> -> vector<16xf32>
      %reduce_sum3A_778 = vector.extract %reduce_sum3A_777[15] : f32 from vector<16xf32>
      %broadcast_in_dim3A_779 = vector.broadcast %reduce_sum3A_778 : f32 to vector<16xf32>
      %select_n3A_780 = arith.select %eq3A_774, %broadcast_in_dim3A_779, %select_n3A_704 : vector<16xi1>, vector<16xf32>
      %add3A_781 = arith.constant 7 : i32
      %add3A_782 = arith.addi %add3A_249, %add3A_781 : i32
      %broadcast_in_dim3A_783 = arith.constant 0.000000e+00 : f32
      %broadcast_in_dim3A_784 = vector.broadcast %broadcast_in_dim3A_783 : f32 to vector<16xf32>
      %broadcast_in_dim3A_785 = arith.constant 0.000000e+00 : f32
      %broadcast_in_dim3A_786 = vector.broadcast %broadcast_in_dim3A_785 : f32 to vector<16xf32>
      %get3A_787 = arith.index_cast %add3A_782 : i32 to index
      %get3A_788 = arith.constant 0 : index
      %get3A_789 = tpu.vector_load %arg12[%get3A_787, %get3A_788] {strides = array<i32>} : memref<512x64xf32, #tpu.memory_space<vmem>>, vector<16xf32>,
      %get3A_790 = arith.index_cast %add3A_782 : i32 to index
      %get3A_791 = arith.constant 0 : index
      %get3A_792 = tpu.vector_load %arg13[%get3A_790, %get3A_791] {strides = array<i32>} : memref<512x64xf32, #tpu.memory_space<vmem>>, vector<16xf32>,
      %mul3A_793 = arith.mulf %get3A_789, %get3A_792 : vector<16xf32>
      %add3A_794 = arith.addf %broadcast_in_dim3A_784, %mul3A_793 : vector<16xf32>
      %get3A_795 = arith.index_cast %add3A_782 : i32 to index
      %get3A_796 = arith.constant 0 : index
      %get3A_797 = tpu.vector_load %arg14[%get3A_795, %get3A_796] {strides = array<i32>} : memref<512x64xf32, #tpu.memory_space<vmem>>, vector<16xf32>,
      %mul3A_798 = arith.mulf %get3A_789, %get3A_797 : vector<16xf32>
      %add3A_799 = arith.addf %broadcast_in_dim3A_786, %mul3A_798 : vector<16xf32>
      %get3A_800 = arith.index_cast %add3A_782 : i32 to index
      %get3A_801 = arith.constant 16 : index
      %get3A_802 = tpu.vector_load %arg12[%get3A_800, %get3A_801] {strides = array<i32>} : memref<512x64xf32, #tpu.memory_space<vmem>>, vector<16xf32>,
      %get3A_803 = arith.index_cast %add3A_782 : i32 to index
      %get3A_804 = arith.constant 16 : index
      %get3A_805 = tpu.vector_load %arg13[%get3A_803, %get3A_804] {strides = array<i32>} : memref<512x64xf32, #tpu.memory_space<vmem>>, vector<16xf32>,
      %mul3A_806 = arith.mulf %get3A_802, %get3A_805 : vector<16xf32>
      %add3A_807 = arith.addf %add3A_794, %mul3A_806 : vector<16xf32>
      %get3A_808 = arith.index_cast %add3A_782 : i32 to index
      %get3A_809 = arith.constant 16 : index
      %get3A_810 = tpu.vector_load %arg14[%get3A_808, %get3A_809] {strides = array<i32>} : memref<512x64xf32, #tpu.memory_space<vmem>>, vector<16xf32>,
      %mul3A_811 = arith.mulf %get3A_802, %get3A_810 : vector<16xf32>
      %add3A_812 = arith.addf %add3A_799, %mul3A_811 : vector<16xf32>
      %get3A_813 = arith.index_cast %add3A_782 : i32 to index
      %get3A_814 = arith.constant 32 : index
      %get3A_815 = tpu.vector_load %arg12[%get3A_813, %get3A_814] {strides = array<i32>} : memref<512x64xf32, #tpu.memory_space<vmem>>, vector<16xf32>,
      %get3A_816 = arith.index_cast %add3A_782 : i32 to index
      %get3A_817 = arith.constant 32 : index
      %get3A_818 = tpu.vector_load %arg13[%get3A_816, %get3A_817] {strides = array<i32>} : memref<512x64xf32, #tpu.memory_space<vmem>>, vector<16xf32>,
      %mul3A_819 = arith.mulf %get3A_815, %get3A_818 : vector<16xf32>
      %add3A_820 = arith.addf %add3A_807, %mul3A_819 : vector<16xf32>
      %get3A_821 = arith.index_cast %add3A_782 : i32 to index
      %get3A_822 = arith.constant 32 : index
      %get3A_823 = tpu.vector_load %arg14[%get3A_821, %get3A_822] {strides = array<i32>} : memref<512x64xf32, #tpu.memory_space<vmem>>, vector<16xf32>,
      %mul3A_824 = arith.mulf %get3A_815, %get3A_823 : vector<16xf32>
      %add3A_825 = arith.addf %add3A_812, %mul3A_824 : vector<16xf32>
      %get3A_826 = arith.index_cast %add3A_782 : i32 to index
      %get3A_827 = arith.constant 48 : index
      %get3A_828 = tpu.vector_load %arg12[%get3A_826, %get3A_827] {strides = array<i32>} : memref<512x64xf32, #tpu.memory_space<vmem>>, vector<16xf32>,
      %get3A_829 = arith.index_cast %add3A_782 : i32 to index
      %get3A_830 = arith.constant 48 : index
      %get3A_831 = tpu.vector_load %arg13[%get3A_829, %get3A_830] {strides = array<i32>} : memref<512x64xf32, #tpu.memory_space<vmem>>, vector<16xf32>,
      %mul3A_832 = arith.mulf %get3A_828, %get3A_831 : vector<16xf32>
      %add3A_833 = arith.addf %add3A_820, %mul3A_832 : vector<16xf32>
      %get3A_834 = arith.index_cast %add3A_782 : i32 to index
      %get3A_835 = arith.constant 48 : index
      %get3A_836 = tpu.vector_load %arg14[%get3A_834, %get3A_835] {strides = array<i32>} : memref<512x64xf32, #tpu.memory_space<vmem>>, vector<16xf32>,
      %mul3A_837 = arith.mulf %get3A_828, %get3A_836 : vector<16xf32>
      %add3A_838 = arith.addf %add3A_825, %mul3A_837 : vector<16xf32>
      %eq3A_839 = arith.constant 7 : i32
      %eq3A_840 = vector.broadcast %eq3A_839 : i32 to vector<16xi32>
      %eq3A_841 = arith.cmpi eq, %iota3A, %eq3A_840 : vector<16xi32>
      %reduce_sum3A_842 = arith.constant true
      %reduce_sum3A_843 = vector.broadcast %reduce_sum3A_842 : i1 to vector<16xi1>
      %reduce_sum3A_844 = tpu.scan <sum>, %add3A_833 masked %reduce_sum3A_843 : vector<16xf32>, vector<16xi1> -> vector<16xf32>
      %reduce_sum3A_845 = vector.extract %reduce_sum3A_844[15] : f32 from vector<16xf32>
      %broadcast_in_dim3A_846 = vector.broadcast %reduce_sum3A_845 : f32 to vector<16xf32>
      %select_n3A_847 = arith.select %eq3A_841, %broadcast_in_dim3A_846, %select_n3A_771 : vector<16xi1>, vector<16xf32>
      %eq3A_848 = arith.constant 7 : i32
      %eq3A_849 = vector.broadcast %eq3A_848 : i32 to vector<16xi32>
      %eq3A_850 = arith.cmpi eq, %iota3A, %eq3A_849 : vector<16xi32>
      %reduce_sum3A_851 = arith.constant true
      %reduce_sum3A_852 = vector.broadcast %reduce_sum3A_851 : i1 to vector<16xi1>
      %reduce_sum3A_853 = tpu.scan <sum>, %add3A_838 masked %reduce_sum3A_852 : vector<16xf32>, vector<16xi1> -> vector<16xf32>
      %reduce_sum3A_854 = vector.extract %reduce_sum3A_853[15] : f32 from vector<16xf32>
      %broadcast_in_dim3A_855 = vector.broadcast %reduce_sum3A_854 : f32 to vector<16xf32>
      %select_n3A_856 = arith.select %eq3A_850, %broadcast_in_dim3A_855, %select_n3A_780 : vector<16xi1>, vector<16xf32>
      %add3A_857 = arith.constant 8 : i32
      %add3A_858 = arith.addi %add3A_249, %add3A_857 : i32
      %broadcast_in_dim3A_859 = arith.constant 0.000000e+00 : f32
      %broadcast_in_dim3A_860 = vector.broadcast %broadcast_in_dim3A_859 : f32 to vector<16xf32>
      %broadcast_in_dim3A_861 = arith.constant 0.000000e+00 : f32
      %broadcast_in_dim3A_862 = vector.broadcast %broadcast_in_dim3A_861 : f32 to vector<16xf32>
      %get3A_863 = arith.index_cast %add3A_858 : i32 to index
      %get3A_864 = arith.constant 0 : index
      %get3A_865 = tpu.vector_load %arg12[%get3A_863, %get3A_864] {strides = array<i32>} : memref<512x64xf32, #tpu.memory_space<vmem>>, vector<16xf32>,
      %get3A_866 = arith.index_cast %add3A_858 : i32 to index
      %get3A_867 = arith.constant 0 : index
      %get3A_868 = tpu.vector_load %arg13[%get3A_866, %get3A_867] {strides = array<i32>} : memref<512x64xf32, #tpu.memory_space<vmem>>, vector<16xf32>,
      %mul3A_869 = arith.mulf %get3A_865, %get3A_868 : vector<16xf32>
      %add3A_870 = arith.addf %broadcast_in_dim3A_860, %mul3A_869 : vector<16xf32>
      %get3A_871 = arith.index_cast %add3A_858 : i32 to index
      %get3A_872 = arith.constant 0 : index
      %get3A_873 = tpu.vector_load %arg14[%get3A_871, %get3A_872] {strides = array<i32>} : memref<512x64xf32, #tpu.memory_space<vmem>>, vector<16xf32>,
      %mul3A_874 = arith.mulf %get3A_865, %get3A_873 : vector<16xf32>
      %add3A_875 = arith.addf %broadcast_in_dim3A_862, %mul3A_874 : vector<16xf32>
      %get3A_876 = arith.index_cast %add3A_858 : i32 to index
      %get3A_877 = arith.constant 16 : index
      %get3A_878 = tpu.vector_load %arg12[%get3A_876, %get3A_877] {strides = array<i32>} : memref<512x64xf32, #tpu.memory_space<vmem>>, vector<16xf32>,
      %get3A_879 = arith.index_cast %add3A_858 : i32 to index
      %get3A_880 = arith.constant 16 : index
      %get3A_881 = tpu.vector_load %arg13[%get3A_879, %get3A_880] {strides = array<i32>} : memref<512x64xf32, #tpu.memory_space<vmem>>, vector<16xf32>,
      %mul3A_882 = arith.mulf %get3A_878, %get3A_881 : vector<16xf32>
      %add3A_883 = arith.addf %add3A_870, %mul3A_882 : vector<16xf32>
      %get3A_884 = arith.index_cast %add3A_858 : i32 to index
      %get3A_885 = arith.constant 16 : index
      %get3A_886 = tpu.vector_load %arg14[%get3A_884, %get3A_885] {strides = array<i32>} : memref<512x64xf32, #tpu.memory_space<vmem>>, vector<16xf32>,
      %mul3A_887 = arith.mulf %get3A_878, %get3A_886 : vector<16xf32>
      %add3A_888 = arith.addf %add3A_875, %mul3A_887 : vector<16xf32>
      %get3A_889 = arith.index_cast %add3A_858 : i32 to index
      %get3A_890 = arith.constant 32 : index
      %get3A_891 = tpu.vector_load %arg12[%get3A_889, %get3A_890] {strides = array<i32>} : memref<512x64xf32, #tpu.memory_space<vmem>>, vector<16xf32>,
      %get3A_892 = arith.index_cast %add3A_858 : i32 to index
      %get3A_893 = arith.constant 32 : index
      %get3A_894 = tpu.vector_load %arg13[%get3A_892, %get3A_893] {strides = array<i32>} : memref<512x64xf32, #tpu.memory_space<vmem>>, vector<16xf32>,
      %mul3A_895 = arith.mulf %get3A_891, %get3A_894 : vector<16xf32>
      %add3A_896 = arith.addf %add3A_883, %mul3A_895 : vector<16xf32>
      %get3A_897 = arith.index_cast %add3A_858 : i32 to index
      %get3A_898 = arith.constant 32 : index
      %get3A_899 = tpu.vector_load %arg14[%get3A_897, %get3A_898] {strides = array<i32>} : memref<512x64xf32, #tpu.memory_space<vmem>>, vector<16xf32>,
      %mul3A_900 = arith.mulf %get3A_891, %get3A_899 : vector<16xf32>
      %add3A_901 = arith.addf %add3A_888, %mul3A_900 : vector<16xf32>
      %get3A_902 = arith.index_cast %add3A_858 : i32 to index
      %get3A_903 = arith.constant 48 : index
      %get3A_904 = tpu.vector_load %arg12[%get3A_902, %get3A_903] {strides = array<i32>} : memref<512x64xf32, #tpu.memory_space<vmem>>, vector<16xf32>,
      %get3A_905 = arith.index_cast %add3A_858 : i32 to index
      %get3A_906 = arith.constant 48 : index
      %get3A_907 = tpu.vector_load %arg13[%get3A_905, %get3A_906] {strides = array<i32>} : memref<512x64xf32, #tpu.memory_space<vmem>>, vector<16xf32>,
      %mul3A_908 = arith.mulf %get3A_904, %get3A_907 : vector<16xf32>
      %add3A_909 = arith.addf %add3A_896, %mul3A_908 : vector<16xf32>
      %get3A_910 = arith.index_cast %add3A_858 : i32 to index
      %get3A_911 = arith.constant 48 : index
      %get3A_912 = tpu.vector_load %arg14[%get3A_910, %get3A_911] {strides = array<i32>} : memref<512x64xf32, #tpu.memory_space<vmem>>, vector<16xf32>,
      %mul3A_913 = arith.mulf %get3A_904, %get3A_912 : vector<16xf32>
      %add3A_914 = arith.addf %add3A_901, %mul3A_913 : vector<16xf32>
      %eq3A_915 = arith.constant 8 : i32
      %eq3A_916 = vector.broadcast %eq3A_915 : i32 to vector<16xi32>
      %eq3A_917 = arith.cmpi eq, %iota3A, %eq3A_916 : vector<16xi32>
      %reduce_sum3A_918 = arith.constant true
      %reduce_sum3A_919 = vector.broadcast %reduce_sum3A_918 : i1 to vector<16xi1>
      %reduce_sum3A_920 = tpu.scan <sum>, %add3A_909 masked %reduce_sum3A_919 : vector<16xf32>, vector<16xi1> -> vector<16xf32>
      %reduce_sum3A_921 = vector.extract %reduce_sum3A_920[15] : f32 from vector<16xf32>
      %broadcast_in_dim3A_922 = vector.broadcast %reduce_sum3A_921 : f32 to vector<16xf32>
      %select_n3A_923 = arith.select %eq3A_917, %broadcast_in_dim3A_922, %select_n3A_847 : vector<16xi1>, vector<16xf32>
      %eq3A_924 = arith.constant 8 : i32
      %eq3A_925 = vector.broadcast %eq3A_924 : i32 to vector<16xi32>
      %eq3A_926 = arith.cmpi eq, %iota3A, %eq3A_925 : vector<16xi32>
      %reduce_sum3A_927 = arith.constant true
      %reduce_sum3A_928 = vector.broadcast %reduce_sum3A_927 : i1 to vector<16xi1>
      %reduce_sum3A_929 = tpu.scan <sum>, %add3A_914 masked %reduce_sum3A_928 : vector<16xf32>, vector<16xi1> -> vector<16xf32>
      %reduce_sum3A_930 = vector.extract %reduce_sum3A_929[15] : f32 from vector<16xf32>
      %broadcast_in_dim3A_931 = vector.broadcast %reduce_sum3A_930 : f32 to vector<16xf32>
      %select_n3A_932 = arith.select %eq3A_926, %broadcast_in_dim3A_931, %select_n3A_856 : vector<16xi1>, vector<16xf32>
      %add3A_933 = arith.constant 9 : i32
      %add3A_934 = arith.addi %add3A_249, %add3A_933 : i32
      %broadcast_in_dim3A_935 = arith.constant 0.000000e+00 : f32
      %broadcast_in_dim3A_936 = vector.broadcast %broadcast_in_dim3A_935 : f32 to vector<16xf32>
      %broadcast_in_dim3A_937 = arith.constant 0.000000e+00 : f32
      %broadcast_in_dim3A_938 = vector.broadcast %broadcast_in_dim3A_937 : f32 to vector<16xf32>
      %get3A_939 = arith.index_cast %add3A_934 : i32 to index
      %get3A_940 = arith.constant 0 : index
      %get3A_941 = tpu.vector_load %arg12[%get3A_939, %get3A_940] {strides = array<i32>} : memref<512x64xf32, #tpu.memory_space<vmem>>, vector<16xf32>,
      %get3A_942 = arith.index_cast %add3A_934 : i32 to index
      %get3A_943 = arith.constant 0 : index
      %get3A_944 = tpu.vector_load %arg13[%get3A_942, %get3A_943] {strides = array<i32>} : memref<512x64xf32, #tpu.memory_space<vmem>>, vector<16xf32>,
      %mul3A_945 = arith.mulf %get3A_941, %get3A_944 : vector<16xf32>
      %add3A_946 = arith.addf %broadcast_in_dim3A_936, %mul3A_945 : vector<16xf32>
      %get3A_947 = arith.index_cast %add3A_934 : i32 to index
      %get3A_948 = arith.constant 0 : index
      %get3A_949 = tpu.vector_load %arg14[%get3A_947, %get3A_948] {strides = array<i32>} : memref<512x64xf32, #tpu.memory_space<vmem>>, vector<16xf32>,
      %mul3A_950 = arith.mulf %get3A_941, %get3A_949 : vector<16xf32>
      %add3A_951 = arith.addf %broadcast_in_dim3A_938, %mul3A_950 : vector<16xf32>
      %get3A_952 = arith.index_cast %add3A_934 : i32 to index
      %get3A_953 = arith.constant 16 : index
      %get3A_954 = tpu.vector_load %arg12[%get3A_952, %get3A_953] {strides = array<i32>} : memref<512x64xf32, #tpu.memory_space<vmem>>, vector<16xf32>,
      %get3A_955 = arith.index_cast %add3A_934 : i32 to index
      %get3A_956 = arith.constant 16 : index
      %get3A_957 = tpu.vector_load %arg13[%get3A_955, %get3A_956] {strides = array<i32>} : memref<512x64xf32, #tpu.memory_space<vmem>>, vector<16xf32>,
      %mul3A_958 = arith.mulf %get3A_954, %get3A_957 : vector<16xf32>
      %add3A_959 = arith.addf %add3A_946, %mul3A_958 : vector<16xf32>
      %get3A_960 = arith.index_cast %add3A_934 : i32 to index
      %get3A_961 = arith.constant 16 : index
      %get3A_962 = tpu.vector_load %arg14[%get3A_960, %get3A_961] {strides = array<i32>} : memref<512x64xf32, #tpu.memory_space<vmem>>, vector<16xf32>,
      %mul3A_963 = arith.mulf %get3A_954, %get3A_962 : vector<16xf32>
      %add3A_964 = arith.addf %add3A_951, %mul3A_963 : vector<16xf32>
      %get3A_965 = arith.index_cast %add3A_934 : i32 to index
      %get3A_966 = arith.constant 32 : index
      %get3A_967 = tpu.vector_load %arg12[%get3A_965, %get3A_966] {strides = array<i32>} : memref<512x64xf32, #tpu.memory_space<vmem>>, vector<16xf32>,
      %get3A_968 = arith.index_cast %add3A_934 : i32 to index
      %get3A_969 = arith.constant 32 : index
      %get3A_970 = tpu.vector_load %arg13[%get3A_968, %get3A_969] {strides = array<i32>} : memref<512x64xf32, #tpu.memory_space<vmem>>, vector<16xf32>,
      %mul3A_971 = arith.mulf %get3A_967, %get3A_970 : vector<16xf32>
      %add3A_972 = arith.addf %add3A_959, %mul3A_971 : vector<16xf32>
      %get3A_973 = arith.index_cast %add3A_934 : i32 to index
      %get3A_974 = arith.constant 32 : index
      %get3A_975 = tpu.vector_load %arg14[%get3A_973, %get3A_974] {strides = array<i32>} : memref<512x64xf32, #tpu.memory_space<vmem>>, vector<16xf32>,
      %mul3A_976 = arith.mulf %get3A_967, %get3A_975 : vector<16xf32>
      %add3A_977 = arith.addf %add3A_964, %mul3A_976 : vector<16xf32>
      %get3A_978 = arith.index_cast %add3A_934 : i32 to index
      %get3A_979 = arith.constant 48 : index
      %get3A_980 = tpu.vector_load %arg12[%get3A_978, %get3A_979] {strides = array<i32>} : memref<512x64xf32, #tpu.memory_space<vmem>>, vector<16xf32>,
      %get3A_981 = arith.index_cast %add3A_934 : i32 to index
      %get3A_982 = arith.constant 48 : index
      %get3A_983 = tpu.vector_load %arg13[%get3A_981, %get3A_982] {strides = array<i32>} : memref<512x64xf32, #tpu.memory_space<vmem>>, vector<16xf32>,
      %mul3A_984 = arith.mulf %get3A_980, %get3A_983 : vector<16xf32>
      %add3A_985 = arith.addf %add3A_972, %mul3A_984 : vector<16xf32>
      %get3A_986 = arith.index_cast %add3A_934 : i32 to index
      %get3A_987 = arith.constant 48 : index
      %get3A_988 = tpu.vector_load %arg14[%get3A_986, %get3A_987] {strides = array<i32>} : memref<512x64xf32, #tpu.memory_space<vmem>>, vector<16xf32>,
      %mul3A_989 = arith.mulf %get3A_980, %get3A_988 : vector<16xf32>
      %add3A_990 = arith.addf %add3A_977, %mul3A_989 : vector<16xf32>
      %eq3A_991 = arith.constant 9 : i32
      %eq3A_992 = vector.broadcast %eq3A_991 : i32 to vector<16xi32>
      %eq3A_993 = arith.cmpi eq, %iota3A, %eq3A_992 : vector<16xi32>
      %reduce_sum3A_994 = arith.constant true
      %reduce_sum3A_995 = vector.broadcast %reduce_sum3A_994 : i1 to vector<16xi1>
      %reduce_sum3A_996 = tpu.scan <sum>, %add3A_985 masked %reduce_sum3A_995 : vector<16xf32>, vector<16xi1> -> vector<16xf32>
      %reduce_sum3A_997 = vector.extract %reduce_sum3A_996[15] : f32 from vector<16xf32>
      %broadcast_in_dim3A_998 = vector.broadcast %reduce_sum3A_997 : f32 to vector<16xf32>
      %select_n3A_999 = arith.select %eq3A_993, %broadcast_in_dim3A_998, %select_n3A_923 : vector<16xi1>, vector<16xf32>
      %eq3A_1000 = arith.constant 9 : i32
      %eq3A_1001 = vector.broadcast %eq3A_1000 : i32 to vector<16xi32>
      %eq3A_1002 = arith.cmpi eq, %iota3A, %eq3A_1001 : vector<16xi32>
      %reduce_sum3A_1003 = arith.constant true
      %reduce_sum3A_1004 = vector.broadcast %reduce_sum3A_1003 : i1 to vector<16xi1>
      %reduce_sum3A_1005 = tpu.scan <sum>, %add3A_990 masked %reduce_sum3A_1004 : vector<16xf32>, vector<16xi1> -> vector<16xf32>
      %reduce_sum3A_1006 = vector.extract %reduce_sum3A_1005[15] : f32 from vector<16xf32>
      %broadcast_in_dim3A_1007 = vector.broadcast %reduce_sum3A_1006 : f32 to vector<16xf32>
      %select_n3A_1008 = arith.select %eq3A_1002, %broadcast_in_dim3A_1007, %select_n3A_932 : vector<16xi1>, vector<16xf32>
      %add3A_1009 = arith.constant 10 : i32
      %add3A_1010 = arith.addi %add3A_249, %add3A_1009 : i32
      %broadcast_in_dim3A_1011 = arith.constant 0.000000e+00 : f32
      %broadcast_in_dim3A_1012 = vector.broadcast %broadcast_in_dim3A_1011 : f32 to vector<16xf32>
      %broadcast_in_dim3A_1013 = arith.constant 0.000000e+00 : f32
      %broadcast_in_dim3A_1014 = vector.broadcast %broadcast_in_dim3A_1013 : f32 to vector<16xf32>
      %get3A_1015 = arith.index_cast %add3A_1010 : i32 to index
      %get3A_1016 = arith.constant 0 : index
      %get3A_1017 = tpu.vector_load %arg12[%get3A_1015, %get3A_1016] {strides = array<i32>} : memref<512x64xf32, #tpu.memory_space<vmem>>, vector<16xf32>,
      %get3A_1018 = arith.index_cast %add3A_1010 : i32 to index
      %get3A_1019 = arith.constant 0 : index
      %get3A_1020 = tpu.vector_load %arg13[%get3A_1018, %get3A_1019] {strides = array<i32>} : memref<512x64xf32, #tpu.memory_space<vmem>>, vector<16xf32>,
      %mul3A_1021 = arith.mulf %get3A_1017, %get3A_1020 : vector<16xf32>
      %add3A_1022 = arith.addf %broadcast_in_dim3A_1012, %mul3A_1021 : vector<16xf32>
      %get3A_1023 = arith.index_cast %add3A_1010 : i32 to index
      %get3A_1024 = arith.constant 0 : index
      %get3A_1025 = tpu.vector_load %arg14[%get3A_1023, %get3A_1024] {strides = array<i32>} : memref<512x64xf32, #tpu.memory_space<vmem>>, vector<16xf32>,
      %mul3A_1026 = arith.mulf %get3A_1017, %get3A_1025 : vector<16xf32>
      %add3A_1027 = arith.addf %broadcast_in_dim3A_1014, %mul3A_1026 : vector<16xf32>
      %get3A_1028 = arith.index_cast %add3A_1010 : i32 to index
      %get3A_1029 = arith.constant 16 : index
      %get3A_1030 = tpu.vector_load %arg12[%get3A_1028, %get3A_1029] {strides = array<i32>} : memref<512x64xf32, #tpu.memory_space<vmem>>, vector<16xf32>,
      %get3A_1031 = arith.index_cast %add3A_1010 : i32 to index
      %get3A_1032 = arith.constant 16 : index
      %get3A_1033 = tpu.vector_load %arg13[%get3A_1031, %get3A_1032] {strides = array<i32>} : memref<512x64xf32, #tpu.memory_space<vmem>>, vector<16xf32>,
      %mul3A_1034 = arith.mulf %get3A_1030, %get3A_1033 : vector<16xf32>
      %add3A_1035 = arith.addf %add3A_1022, %mul3A_1034 : vector<16xf32>
      %get3A_1036 = arith.index_cast %add3A_1010 : i32 to index
      %get3A_1037 = arith.constant 16 : index
      %get3A_1038 = tpu.vector_load %arg14[%get3A_1036, %get3A_1037] {strides = array<i32>} : memref<512x64xf32, #tpu.memory_space<vmem>>, vector<16xf32>,
      %mul3A_1039 = arith.mulf %get3A_1030, %get3A_1038 : vector<16xf32>
      %add3A_1040 = arith.addf %add3A_1027, %mul3A_1039 : vector<16xf32>
      %get3A_1041 = arith.index_cast %add3A_1010 : i32 to index
      %get3A_1042 = arith.constant 32 : index
      %get3A_1043 = tpu.vector_load %arg12[%get3A_1041, %get3A_1042] {strides = array<i32>} : memref<512x64xf32, #tpu.memory_space<vmem>>, vector<16xf32>,
      %get3A_1044 = arith.index_cast %add3A_1010 : i32 to index
      %get3A_1045 = arith.constant 32 : index
      %get3A_1046 = tpu.vector_load %arg13[%get3A_1044, %get3A_1045] {strides = array<i32>} : memref<512x64xf32, #tpu.memory_space<vmem>>, vector<16xf32>,
      %mul3A_1047 = arith.mulf %get3A_1043, %get3A_1046 : vector<16xf32>
      %add3A_1048 = arith.addf %add3A_1035, %mul3A_1047 : vector<16xf32>
      %get3A_1049 = arith.index_cast %add3A_1010 : i32 to index
      %get3A_1050 = arith.constant 32 : index
      %get3A_1051 = tpu.vector_load %arg14[%get3A_1049, %get3A_1050] {strides = array<i32>} : memref<512x64xf32, #tpu.memory_space<vmem>>, vector<16xf32>,
      %mul3A_1052 = arith.mulf %get3A_1043, %get3A_1051 : vector<16xf32>
      %add3A_1053 = arith.addf %add3A_1040, %mul3A_1052 : vector<16xf32>
      %get3A_1054 = arith.index_cast %add3A_1010 : i32 to index
      %get3A_1055 = arith.constant 48 : index
      %get3A_1056 = tpu.vector_load %arg12[%get3A_1054, %get3A_1055] {strides = array<i32>} : memref<512x64xf32, #tpu.memory_space<vmem>>, vector<16xf32>,
      %get3A_1057 = arith.index_cast %add3A_1010 : i32 to index
      %get3A_1058 = arith.constant 48 : index
      %get3A_1059 = tpu.vector_load %arg13[%get3A_1057, %get3A_1058] {strides = array<i32>} : memref<512x64xf32, #tpu.memory_space<vmem>>, vector<16xf32>,
      %mul3A_1060 = arith.mulf %get3A_1056, %get3A_1059 : vector<16xf32>
      %add3A_1061 = arith.addf %add3A_1048, %mul3A_1060 : vector<16xf32>
      %get3A_1062 = arith.index_cast %add3A_1010 : i32 to index
      %get3A_1063 = arith.constant 48 : index
      %get3A_1064 = tpu.vector_load %arg14[%get3A_1062, %get3A_1063] {strides = array<i32>} : memref<512x64xf32, #tpu.memory_space<vmem>>, vector<16xf32>,
      %mul3A_1065 = arith.mulf %get3A_1056, %get3A_1064 : vector<16xf32>
      %add3A_1066 = arith.addf %add3A_1053, %mul3A_1065 : vector<16xf32>
      %eq3A_1067 = arith.constant 10 : i32
      %eq3A_1068 = vector.broadcast %eq3A_1067 : i32 to vector<16xi32>
      %eq3A_1069 = arith.cmpi eq, %iota3A, %eq3A_1068 : vector<16xi32>
      %reduce_sum3A_1070 = arith.constant true
      %reduce_sum3A_1071 = vector.broadcast %reduce_sum3A_1070 : i1 to vector<16xi1>
      %reduce_sum3A_1072 = tpu.scan <sum>, %add3A_1061 masked %reduce_sum3A_1071 : vector<16xf32>, vector<16xi1> -> vector<16xf32>
      %reduce_sum3A_1073 = vector.extract %reduce_sum3A_1072[15] : f32 from vector<16xf32>
      %broadcast_in_dim3A_1074 = vector.broadcast %reduce_sum3A_1073 : f32 to vector<16xf32>
      %select_n3A_1075 = arith.select %eq3A_1069, %broadcast_in_dim3A_1074, %select_n3A_999 : vector<16xi1>, vector<16xf32>
      %eq3A_1076 = arith.constant 10 : i32
      %eq3A_1077 = vector.broadcast %eq3A_1076 : i32 to vector<16xi32>
      %eq3A_1078 = arith.cmpi eq, %iota3A, %eq3A_1077 : vector<16xi32>
      %reduce_sum3A_1079 = arith.constant true
      %reduce_sum3A_1080 = vector.broadcast %reduce_sum3A_1079 : i1 to vector<16xi1>
      %reduce_sum3A_1081 = tpu.scan <sum>, %add3A_1066 masked %reduce_sum3A_1080 : vector<16xf32>, vector<16xi1> -> vector<16xf32>
      %reduce_sum3A_1082 = vector.extract %reduce_sum3A_1081[15] : f32 from vector<16xf32>
      %broadcast_in_dim3A_1083 = vector.broadcast %reduce_sum3A_1082 : f32 to vector<16xf32>
      %select_n3A_1084 = arith.select %eq3A_1078, %broadcast_in_dim3A_1083, %select_n3A_1008 : vector<16xi1>, vector<16xf32>
      %add3A_1085 = arith.constant 11 : i32
      %add3A_1086 = arith.addi %add3A_249, %add3A_1085 : i32
      %broadcast_in_dim3A_1087 = arith.constant 0.000000e+00 : f32
      %broadcast_in_dim3A_1088 = vector.broadcast %broadcast_in_dim3A_1087 : f32 to vector<16xf32>
      %broadcast_in_dim3A_1089 = arith.constant 0.000000e+00 : f32
      %broadcast_in_dim3A_1090 = vector.broadcast %broadcast_in_dim3A_1089 : f32 to vector<16xf32>
      %get3A_1091 = arith.index_cast %add3A_1086 : i32 to index
      %get3A_1092 = arith.constant 0 : index
      %get3A_1093 = tpu.vector_load %arg12[%get3A_1091, %get3A_1092] {strides = array<i32>} : memref<512x64xf32, #tpu.memory_space<vmem>>, vector<16xf32>,
      %get3A_1094 = arith.index_cast %add3A_1086 : i32 to index
      %get3A_1095 = arith.constant 0 : index
      %get3A_1096 = tpu.vector_load %arg13[%get3A_1094, %get3A_1095] {strides = array<i32>} : memref<512x64xf32, #tpu.memory_space<vmem>>, vector<16xf32>,
      %mul3A_1097 = arith.mulf %get3A_1093, %get3A_1096 : vector<16xf32>
      %add3A_1098 = arith.addf %broadcast_in_dim3A_1088, %mul3A_1097 : vector<16xf32>
      %get3A_1099 = arith.index_cast %add3A_1086 : i32 to index
      %get3A_1100 = arith.constant 0 : index
      %get3A_1101 = tpu.vector_load %arg14[%get3A_1099, %get3A_1100] {strides = array<i32>} : memref<512x64xf32, #tpu.memory_space<vmem>>, vector<16xf32>,
      %mul3A_1102 = arith.mulf %get3A_1093, %get3A_1101 : vector<16xf32>
      %add3A_1103 = arith.addf %broadcast_in_dim3A_1090, %mul3A_1102 : vector<16xf32>
      %get3A_1104 = arith.index_cast %add3A_1086 : i32 to index
      %get3A_1105 = arith.constant 16 : index
      %get3A_1106 = tpu.vector_load %arg12[%get3A_1104, %get3A_1105] {strides = array<i32>} : memref<512x64xf32, #tpu.memory_space<vmem>>, vector<16xf32>,
      %get3A_1107 = arith.index_cast %add3A_1086 : i32 to index
      %get3A_1108 = arith.constant 16 : index
      %get3A_1109 = tpu.vector_load %arg13[%get3A_1107, %get3A_1108] {strides = array<i32>} : memref<512x64xf32, #tpu.memory_space<vmem>>, vector<16xf32>,
      %mul3A_1110 = arith.mulf %get3A_1106, %get3A_1109 : vector<16xf32>
      %add3A_1111 = arith.addf %add3A_1098, %mul3A_1110 : vector<16xf32>
      %get3A_1112 = arith.index_cast %add3A_1086 : i32 to index
      %get3A_1113 = arith.constant 16 : index
      %get3A_1114 = tpu.vector_load %arg14[%get3A_1112, %get3A_1113] {strides = array<i32>} : memref<512x64xf32, #tpu.memory_space<vmem>>, vector<16xf32>,
      %mul3A_1115 = arith.mulf %get3A_1106, %get3A_1114 : vector<16xf32>
      %add3A_1116 = arith.addf %add3A_1103, %mul3A_1115 : vector<16xf32>
      %get3A_1117 = arith.index_cast %add3A_1086 : i32 to index
      %get3A_1118 = arith.constant 32 : index
      %get3A_1119 = tpu.vector_load %arg12[%get3A_1117, %get3A_1118] {strides = array<i32>} : memref<512x64xf32, #tpu.memory_space<vmem>>, vector<16xf32>,
      %get3A_1120 = arith.index_cast %add3A_1086 : i32 to index
      %get3A_1121 = arith.constant 32 : index
      %get3A_1122 = tpu.vector_load %arg13[%get3A_1120, %get3A_1121] {strides = array<i32>} : memref<512x64xf32, #tpu.memory_space<vmem>>, vector<16xf32>,
      %mul3A_1123 = arith.mulf %get3A_1119, %get3A_1122 : vector<16xf32>
      %add3A_1124 = arith.addf %add3A_1111, %mul3A_1123 : vector<16xf32>
      %get3A_1125 = arith.index_cast %add3A_1086 : i32 to index
      %get3A_1126 = arith.constant 32 : index
      %get3A_1127 = tpu.vector_load %arg14[%get3A_1125, %get3A_1126] {strides = array<i32>} : memref<512x64xf32, #tpu.memory_space<vmem>>, vector<16xf32>,
      %mul3A_1128 = arith.mulf %get3A_1119, %get3A_1127 : vector<16xf32>
      %add3A_1129 = arith.addf %add3A_1116, %mul3A_1128 : vector<16xf32>
      %get3A_1130 = arith.index_cast %add3A_1086 : i32 to index
      %get3A_1131 = arith.constant 48 : index
      %get3A_1132 = tpu.vector_load %arg12[%get3A_1130, %get3A_1131] {strides = array<i32>} : memref<512x64xf32, #tpu.memory_space<vmem>>, vector<16xf32>,
      %get3A_1133 = arith.index_cast %add3A_1086 : i32 to index
      %get3A_1134 = arith.constant 48 : index
      %get3A_1135 = tpu.vector_load %arg13[%get3A_1133, %get3A_1134] {strides = array<i32>} : memref<512x64xf32, #tpu.memory_space<vmem>>, vector<16xf32>,
      %mul3A_1136 = arith.mulf %get3A_1132, %get3A_1135 : vector<16xf32>
      %add3A_1137 = arith.addf %add3A_1124, %mul3A_1136 : vector<16xf32>
      %get3A_1138 = arith.index_cast %add3A_1086 : i32 to index
      %get3A_1139 = arith.constant 48 : index
      %get3A_1140 = tpu.vector_load %arg14[%get3A_1138, %get3A_1139] {strides = array<i32>} : memref<512x64xf32, #tpu.memory_space<vmem>>, vector<16xf32>,
      %mul3A_1141 = arith.mulf %get3A_1132, %get3A_1140 : vector<16xf32>
      %add3A_1142 = arith.addf %add3A_1129, %mul3A_1141 : vector<16xf32>
      %eq3A_1143 = arith.constant 11 : i32
      %eq3A_1144 = vector.broadcast %eq3A_1143 : i32 to vector<16xi32>
      %eq3A_1145 = arith.cmpi eq, %iota3A, %eq3A_1144 : vector<16xi32>
      %reduce_sum3A_1146 = arith.constant true
      %reduce_sum3A_1147 = vector.broadcast %reduce_sum3A_1146 : i1 to vector<16xi1>
      %reduce_sum3A_1148 = tpu.scan <sum>, %add3A_1137 masked %reduce_sum3A_1147 : vector<16xf32>, vector<16xi1> -> vector<16xf32>
      %reduce_sum3A_1149 = vector.extract %reduce_sum3A_1148[15] : f32 from vector<16xf32>
      %broadcast_in_dim3A_1150 = vector.broadcast %reduce_sum3A_1149 : f32 to vector<16xf32>
      %select_n3A_1151 = arith.select %eq3A_1145, %broadcast_in_dim3A_1150, %select_n3A_1075 : vector<16xi1>, vector<16xf32>
      %eq3A_1152 = arith.constant 11 : i32
      %eq3A_1153 = vector.broadcast %eq3A_1152 : i32 to vector<16xi32>
      %eq3A_1154 = arith.cmpi eq, %iota3A, %eq3A_1153 : vector<16xi32>
      %reduce_sum3A_1155 = arith.constant true
      %reduce_sum3A_1156 = vector.broadcast %reduce_sum3A_1155 : i1 to vector<16xi1>
      %reduce_sum3A_1157 = tpu.scan <sum>, %add3A_1142 masked %reduce_sum3A_1156 : vector<16xf32>, vector<16xi1> -> vector<16xf32>
      %reduce_sum3A_1158 = vector.extract %reduce_sum3A_1157[15] : f32 from vector<16xf32>
      %broadcast_in_dim3A_1159 = vector.broadcast %reduce_sum3A_1158 : f32 to vector<16xf32>
      %select_n3A_1160 = arith.select %eq3A_1154, %broadcast_in_dim3A_1159, %select_n3A_1084 : vector<16xi1>, vector<16xf32>
      %add3A_1161 = arith.constant 12 : i32
      %add3A_1162 = arith.addi %add3A_249, %add3A_1161 : i32
      %broadcast_in_dim3A_1163 = arith.constant 0.000000e+00 : f32
      %broadcast_in_dim3A_1164 = vector.broadcast %broadcast_in_dim3A_1163 : f32 to vector<16xf32>
      %broadcast_in_dim3A_1165 = arith.constant 0.000000e+00 : f32
      %broadcast_in_dim3A_1166 = vector.broadcast %broadcast_in_dim3A_1165 : f32 to vector<16xf32>
      %get3A_1167 = arith.index_cast %add3A_1162 : i32 to index
      %get3A_1168 = arith.constant 0 : index
      %get3A_1169 = tpu.vector_load %arg12[%get3A_1167, %get3A_1168] {strides = array<i32>} : memref<512x64xf32, #tpu.memory_space<vmem>>, vector<16xf32>,
      %get3A_1170 = arith.index_cast %add3A_1162 : i32 to index
      %get3A_1171 = arith.constant 0 : index
      %get3A_1172 = tpu.vector_load %arg13[%get3A_1170, %get3A_1171] {strides = array<i32>} : memref<512x64xf32, #tpu.memory_space<vmem>>, vector<16xf32>,
      %mul3A_1173 = arith.mulf %get3A_1169, %get3A_1172 : vector<16xf32>
      %add3A_1174 = arith.addf %broadcast_in_dim3A_1164, %mul3A_1173 : vector<16xf32>
      %get3A_1175 = arith.index_cast %add3A_1162 : i32 to index
      %get3A_1176 = arith.constant 0 : index
      %get3A_1177 = tpu.vector_load %arg14[%get3A_1175, %get3A_1176] {strides = array<i32>} : memref<512x64xf32, #tpu.memory_space<vmem>>, vector<16xf32>,
      %mul3A_1178 = arith.mulf %get3A_1169, %get3A_1177 : vector<16xf32>
      %add3A_1179 = arith.addf %broadcast_in_dim3A_1166, %mul3A_1178 : vector<16xf32>
      %get3A_1180 = arith.index_cast %add3A_1162 : i32 to index
      %get3A_1181 = arith.constant 16 : index
      %get3A_1182 = tpu.vector_load %arg12[%get3A_1180, %get3A_1181] {strides = array<i32>} : memref<512x64xf32, #tpu.memory_space<vmem>>, vector<16xf32>,
      %get3A_1183 = arith.index_cast %add3A_1162 : i32 to index
      %get3A_1184 = arith.constant 16 : index
      %get3A_1185 = tpu.vector_load %arg13[%get3A_1183, %get3A_1184] {strides = array<i32>} : memref<512x64xf32, #tpu.memory_space<vmem>>, vector<16xf32>,
      %mul3A_1186 = arith.mulf %get3A_1182, %get3A_1185 : vector<16xf32>
      %add3A_1187 = arith.addf %add3A_1174, %mul3A_1186 : vector<16xf32>
      %get3A_1188 = arith.index_cast %add3A_1162 : i32 to index
      %get3A_1189 = arith.constant 16 : index
      %get3A_1190 = tpu.vector_load %arg14[%get3A_1188, %get3A_1189] {strides = array<i32>} : memref<512x64xf32, #tpu.memory_space<vmem>>, vector<16xf32>,
      %mul3A_1191 = arith.mulf %get3A_1182, %get3A_1190 : vector<16xf32>
      %add3A_1192 = arith.addf %add3A_1179, %mul3A_1191 : vector<16xf32>
      %get3A_1193 = arith.index_cast %add3A_1162 : i32 to index
      %get3A_1194 = arith.constant 32 : index
      %get3A_1195 = tpu.vector_load %arg12[%get3A_1193, %get3A_1194] {strides = array<i32>} : memref<512x64xf32, #tpu.memory_space<vmem>>, vector<16xf32>,
      %get3A_1196 = arith.index_cast %add3A_1162 : i32 to index
      %get3A_1197 = arith.constant 32 : index
      %get3A_1198 = tpu.vector_load %arg13[%get3A_1196, %get3A_1197] {strides = array<i32>} : memref<512x64xf32, #tpu.memory_space<vmem>>, vector<16xf32>,
      %mul3A_1199 = arith.mulf %get3A_1195, %get3A_1198 : vector<16xf32>
      %add3A_1200 = arith.addf %add3A_1187, %mul3A_1199 : vector<16xf32>
      %get3A_1201 = arith.index_cast %add3A_1162 : i32 to index
      %get3A_1202 = arith.constant 32 : index
      %get3A_1203 = tpu.vector_load %arg14[%get3A_1201, %get3A_1202] {strides = array<i32>} : memref<512x64xf32, #tpu.memory_space<vmem>>, vector<16xf32>,
      %mul3A_1204 = arith.mulf %get3A_1195, %get3A_1203 : vector<16xf32>
      %add3A_1205 = arith.addf %add3A_1192, %mul3A_1204 : vector<16xf32>
      %get3A_1206 = arith.index_cast %add3A_1162 : i32 to index
      %get3A_1207 = arith.constant 48 : index
      %get3A_1208 = tpu.vector_load %arg12[%get3A_1206, %get3A_1207] {strides = array<i32>} : memref<512x64xf32, #tpu.memory_space<vmem>>, vector<16xf32>,
      %get3A_1209 = arith.index_cast %add3A_1162 : i32 to index
      %get3A_1210 = arith.constant 48 : index
      %get3A_1211 = tpu.vector_load %arg13[%get3A_1209, %get3A_1210] {strides = array<i32>} : memref<512x64xf32, #tpu.memory_space<vmem>>, vector<16xf32>,
      %mul3A_1212 = arith.mulf %get3A_1208, %get3A_1211 : vector<16xf32>
      %add3A_1213 = arith.addf %add3A_1200, %mul3A_1212 : vector<16xf32>
      %get3A_1214 = arith.index_cast %add3A_1162 : i32 to index
      %get3A_1215 = arith.constant 48 : index
      %get3A_1216 = tpu.vector_load %arg14[%get3A_1214, %get3A_1215] {strides = array<i32>} : memref<512x64xf32, #tpu.memory_space<vmem>>, vector<16xf32>,
      %mul3A_1217 = arith.mulf %get3A_1208, %get3A_1216 : vector<16xf32>
      %add3A_1218 = arith.addf %add3A_1205, %mul3A_1217 : vector<16xf32>
      %eq3A_1219 = arith.constant 12 : i32
      %eq3A_1220 = vector.broadcast %eq3A_1219 : i32 to vector<16xi32>
      %eq3A_1221 = arith.cmpi eq, %iota3A, %eq3A_1220 : vector<16xi32>
      %reduce_sum3A_1222 = arith.constant true
      %reduce_sum3A_1223 = vector.broadcast %reduce_sum3A_1222 : i1 to vector<16xi1>
      %reduce_sum3A_1224 = tpu.scan <sum>, %add3A_1213 masked %reduce_sum3A_1223 : vector<16xf32>, vector<16xi1> -> vector<16xf32>
      %reduce_sum3A_1225 = vector.extract %reduce_sum3A_1224[15] : f32 from vector<16xf32>
      %broadcast_in_dim3A_1226 = vector.broadcast %reduce_sum3A_1225 : f32 to vector<16xf32>
      %select_n3A_1227 = arith.select %eq3A_1221, %broadcast_in_dim3A_1226, %select_n3A_1151 : vector<16xi1>, vector<16xf32>
      %eq3A_1228 = arith.constant 12 : i32
      %eq3A_1229 = vector.broadcast %eq3A_1228 : i32 to vector<16xi32>
      %eq3A_1230 = arith.cmpi eq, %iota3A, %eq3A_1229 : vector<16xi32>
      %reduce_sum3A_1231 = arith.constant true
      %reduce_sum3A_1232 = vector.broadcast %reduce_sum3A_1231 : i1 to vector<16xi1>
      %reduce_sum3A_1233 = tpu.scan <sum>, %add3A_1218 masked %reduce_sum3A_1232 : vector<16xf32>, vector<16xi1> -> vector<16xf32>
      %reduce_sum3A_1234 = vector.extract %reduce_sum3A_1233[15] : f32 from vector<16xf32>
      %broadcast_in_dim3A_1235 = vector.broadcast %reduce_sum3A_1234 : f32 to vector<16xf32>
      %select_n3A_1236 = arith.select %eq3A_1230, %broadcast_in_dim3A_1235, %select_n3A_1160 : vector<16xi1>, vector<16xf32>
      %add3A_1237 = arith.constant 13 : i32
      %add3A_1238 = arith.addi %add3A_249, %add3A_1237 : i32
      %broadcast_in_dim3A_1239 = arith.constant 0.000000e+00 : f32
      %broadcast_in_dim3A_1240 = vector.broadcast %broadcast_in_dim3A_1239 : f32 to vector<16xf32>
      %broadcast_in_dim3A_1241 = arith.constant 0.000000e+00 : f32
      %broadcast_in_dim3A_1242 = vector.broadcast %broadcast_in_dim3A_1241 : f32 to vector<16xf32>
      %get3A_1243 = arith.index_cast %add3A_1238 : i32 to index
      %get3A_1244 = arith.constant 0 : index
      %get3A_1245 = tpu.vector_load %arg12[%get3A_1243, %get3A_1244] {strides = array<i32>} : memref<512x64xf32, #tpu.memory_space<vmem>>, vector<16xf32>,
      %get3A_1246 = arith.index_cast %add3A_1238 : i32 to index
      %get3A_1247 = arith.constant 0 : index
      %get3A_1248 = tpu.vector_load %arg13[%get3A_1246, %get3A_1247] {strides = array<i32>} : memref<512x64xf32, #tpu.memory_space<vmem>>, vector<16xf32>,
      %mul3A_1249 = arith.mulf %get3A_1245, %get3A_1248 : vector<16xf32>
      %add3A_1250 = arith.addf %broadcast_in_dim3A_1240, %mul3A_1249 : vector<16xf32>
      %get3A_1251 = arith.index_cast %add3A_1238 : i32 to index
      %get3A_1252 = arith.constant 0 : index
      %get3A_1253 = tpu.vector_load %arg14[%get3A_1251, %get3A_1252] {strides = array<i32>} : memref<512x64xf32, #tpu.memory_space<vmem>>, vector<16xf32>,
      %mul3A_1254 = arith.mulf %get3A_1245, %get3A_1253 : vector<16xf32>
      %add3A_1255 = arith.addf %broadcast_in_dim3A_1242, %mul3A_1254 : vector<16xf32>
      %get3A_1256 = arith.index_cast %add3A_1238 : i32 to index
      %get3A_1257 = arith.constant 16 : index
      %get3A_1258 = tpu.vector_load %arg12[%get3A_1256, %get3A_1257] {strides = array<i32>} : memref<512x64xf32, #tpu.memory_space<vmem>>, vector<16xf32>,
      %get3A_1259 = arith.index_cast %add3A_1238 : i32 to index
      %get3A_1260 = arith.constant 16 : index
      %get3A_1261 = tpu.vector_load %arg13[%get3A_1259, %get3A_1260] {strides = array<i32>} : memref<512x64xf32, #tpu.memory_space<vmem>>, vector<16xf32>,
      %mul3A_1262 = arith.mulf %get3A_1258, %get3A_1261 : vector<16xf32>
      %add3A_1263 = arith.addf %add3A_1250, %mul3A_1262 : vector<16xf32>
      %get3A_1264 = arith.index_cast %add3A_1238 : i32 to index
      %get3A_1265 = arith.constant 16 : index
      %get3A_1266 = tpu.vector_load %arg14[%get3A_1264, %get3A_1265] {strides = array<i32>} : memref<512x64xf32, #tpu.memory_space<vmem>>, vector<16xf32>,
      %mul3A_1267 = arith.mulf %get3A_1258, %get3A_1266 : vector<16xf32>
      %add3A_1268 = arith.addf %add3A_1255, %mul3A_1267 : vector<16xf32>
      %get3A_1269 = arith.index_cast %add3A_1238 : i32 to index
      %get3A_1270 = arith.constant 32 : index
      %get3A_1271 = tpu.vector_load %arg12[%get3A_1269, %get3A_1270] {strides = array<i32>} : memref<512x64xf32, #tpu.memory_space<vmem>>, vector<16xf32>,
      %get3A_1272 = arith.index_cast %add3A_1238 : i32 to index
      %get3A_1273 = arith.constant 32 : index
      %get3A_1274 = tpu.vector_load %arg13[%get3A_1272, %get3A_1273] {strides = array<i32>} : memref<512x64xf32, #tpu.memory_space<vmem>>, vector<16xf32>,
      %mul3A_1275 = arith.mulf %get3A_1271, %get3A_1274 : vector<16xf32>
      %add3A_1276 = arith.addf %add3A_1263, %mul3A_1275 : vector<16xf32>
      %get3A_1277 = arith.index_cast %add3A_1238 : i32 to index
      %get3A_1278 = arith.constant 32 : index
      %get3A_1279 = tpu.vector_load %arg14[%get3A_1277, %get3A_1278] {strides = array<i32>} : memref<512x64xf32, #tpu.memory_space<vmem>>, vector<16xf32>,
      %mul3A_1280 = arith.mulf %get3A_1271, %get3A_1279 : vector<16xf32>
      %add3A_1281 = arith.addf %add3A_1268, %mul3A_1280 : vector<16xf32>
      %get3A_1282 = arith.index_cast %add3A_1238 : i32 to index
      %get3A_1283 = arith.constant 48 : index
      %get3A_1284 = tpu.vector_load %arg12[%get3A_1282, %get3A_1283] {strides = array<i32>} : memref<512x64xf32, #tpu.memory_space<vmem>>, vector<16xf32>,
      %get3A_1285 = arith.index_cast %add3A_1238 : i32 to index
      %get3A_1286 = arith.constant 48 : index
      %get3A_1287 = tpu.vector_load %arg13[%get3A_1285, %get3A_1286] {strides = array<i32>} : memref<512x64xf32, #tpu.memory_space<vmem>>, vector<16xf32>,
      %mul3A_1288 = arith.mulf %get3A_1284, %get3A_1287 : vector<16xf32>
      %add3A_1289 = arith.addf %add3A_1276, %mul3A_1288 : vector<16xf32>
      %get3A_1290 = arith.index_cast %add3A_1238 : i32 to index
      %get3A_1291 = arith.constant 48 : index
      %get3A_1292 = tpu.vector_load %arg14[%get3A_1290, %get3A_1291] {strides = array<i32>} : memref<512x64xf32, #tpu.memory_space<vmem>>, vector<16xf32>,
      %mul3A_1293 = arith.mulf %get3A_1284, %get3A_1292 : vector<16xf32>
      %add3A_1294 = arith.addf %add3A_1281, %mul3A_1293 : vector<16xf32>
      %eq3A_1295 = arith.constant 13 : i32
      %eq3A_1296 = vector.broadcast %eq3A_1295 : i32 to vector<16xi32>
      %eq3A_1297 = arith.cmpi eq, %iota3A, %eq3A_1296 : vector<16xi32>
      %reduce_sum3A_1298 = arith.constant true
      %reduce_sum3A_1299 = vector.broadcast %reduce_sum3A_1298 : i1 to vector<16xi1>
      %reduce_sum3A_1300 = tpu.scan <sum>, %add3A_1289 masked %reduce_sum3A_1299 : vector<16xf32>, vector<16xi1> -> vector<16xf32>
      %reduce_sum3A_1301 = vector.extract %reduce_sum3A_1300[15] : f32 from vector<16xf32>
      %broadcast_in_dim3A_1302 = vector.broadcast %reduce_sum3A_1301 : f32 to vector<16xf32>
      %select_n3A_1303 = arith.select %eq3A_1297, %broadcast_in_dim3A_1302, %select_n3A_1227 : vector<16xi1>, vector<16xf32>
      %eq3A_1304 = arith.constant 13 : i32
      %eq3A_1305 = vector.broadcast %eq3A_1304 : i32 to vector<16xi32>
      %eq3A_1306 = arith.cmpi eq, %iota3A, %eq3A_1305 : vector<16xi32>
      %reduce_sum3A_1307 = arith.constant true
      %reduce_sum3A_1308 = vector.broadcast %reduce_sum3A_1307 : i1 to vector<16xi1>
      %reduce_sum3A_1309 = tpu.scan <sum>, %add3A_1294 masked %reduce_sum3A_1308 : vector<16xf32>, vector<16xi1> -> vector<16xf32>
      %reduce_sum3A_1310 = vector.extract %reduce_sum3A_1309[15] : f32 from vector<16xf32>
      %broadcast_in_dim3A_1311 = vector.broadcast %reduce_sum3A_1310 : f32 to vector<16xf32>
      %select_n3A_1312 = arith.select %eq3A_1306, %broadcast_in_dim3A_1311, %select_n3A_1236 : vector<16xi1>, vector<16xf32>
      %add3A_1313 = arith.constant 14 : i32
      %add3A_1314 = arith.addi %add3A_249, %add3A_1313 : i32
      %broadcast_in_dim3A_1315 = arith.constant 0.000000e+00 : f32
      %broadcast_in_dim3A_1316 = vector.broadcast %broadcast_in_dim3A_1315 : f32 to vector<16xf32>
      %broadcast_in_dim3A_1317 = arith.constant 0.000000e+00 : f32
      %broadcast_in_dim3A_1318 = vector.broadcast %broadcast_in_dim3A_1317 : f32 to vector<16xf32>
      %get3A_1319 = arith.index_cast %add3A_1314 : i32 to index
      %get3A_1320 = arith.constant 0 : index
      %get3A_1321 = tpu.vector_load %arg12[%get3A_1319, %get3A_1320] {strides = array<i32>} : memref<512x64xf32, #tpu.memory_space<vmem>>, vector<16xf32>,
      %get3A_1322 = arith.index_cast %add3A_1314 : i32 to index
      %get3A_1323 = arith.constant 0 : index
      %get3A_1324 = tpu.vector_load %arg13[%get3A_1322, %get3A_1323] {strides = array<i32>} : memref<512x64xf32, #tpu.memory_space<vmem>>, vector<16xf32>,
      %mul3A_1325 = arith.mulf %get3A_1321, %get3A_1324 : vector<16xf32>
      %add3A_1326 = arith.addf %broadcast_in_dim3A_1316, %mul3A_1325 : vector<16xf32>
      %get3A_1327 = arith.index_cast %add3A_1314 : i32 to index
      %get3A_1328 = arith.constant 0 : index
      %get3A_1329 = tpu.vector_load %arg14[%get3A_1327, %get3A_1328] {strides = array<i32>} : memref<512x64xf32, #tpu.memory_space<vmem>>, vector<16xf32>,
      %mul3A_1330 = arith.mulf %get3A_1321, %get3A_1329 : vector<16xf32>
      %add3A_1331 = arith.addf %broadcast_in_dim3A_1318, %mul3A_1330 : vector<16xf32>
      %get3A_1332 = arith.index_cast %add3A_1314 : i32 to index
      %get3A_1333 = arith.constant 16 : index
      %get3A_1334 = tpu.vector_load %arg12[%get3A_1332, %get3A_1333] {strides = array<i32>} : memref<512x64xf32, #tpu.memory_space<vmem>>, vector<16xf32>,
      %get3A_1335 = arith.index_cast %add3A_1314 : i32 to index
      %get3A_1336 = arith.constant 16 : index
      %get3A_1337 = tpu.vector_load %arg13[%get3A_1335, %get3A_1336] {strides = array<i32>} : memref<512x64xf32, #tpu.memory_space<vmem>>, vector<16xf32>,
      %mul3A_1338 = arith.mulf %get3A_1334, %get3A_1337 : vector<16xf32>
      %add3A_1339 = arith.addf %add3A_1326, %mul3A_1338 : vector<16xf32>
      %get3A_1340 = arith.index_cast %add3A_1314 : i32 to index
      %get3A_1341 = arith.constant 16 : index
      %get3A_1342 = tpu.vector_load %arg14[%get3A_1340, %get3A_1341] {strides = array<i32>} : memref<512x64xf32, #tpu.memory_space<vmem>>, vector<16xf32>,
      %mul3A_1343 = arith.mulf %get3A_1334, %get3A_1342 : vector<16xf32>
      %add3A_1344 = arith.addf %add3A_1331, %mul3A_1343 : vector<16xf32>
      %get3A_1345 = arith.index_cast %add3A_1314 : i32 to index
      %get3A_1346 = arith.constant 32 : index
      %get3A_1347 = tpu.vector_load %arg12[%get3A_1345, %get3A_1346] {strides = array<i32>} : memref<512x64xf32, #tpu.memory_space<vmem>>, vector<16xf32>,
      %get3A_1348 = arith.index_cast %add3A_1314 : i32 to index
      %get3A_1349 = arith.constant 32 : index
      %get3A_1350 = tpu.vector_load %arg13[%get3A_1348, %get3A_1349] {strides = array<i32>} : memref<512x64xf32, #tpu.memory_space<vmem>>, vector<16xf32>,
      %mul3A_1351 = arith.mulf %get3A_1347, %get3A_1350 : vector<16xf32>
      %add3A_1352 = arith.addf %add3A_1339, %mul3A_1351 : vector<16xf32>
      %get3A_1353 = arith.index_cast %add3A_1314 : i32 to index
      %get3A_1354 = arith.constant 32 : index
      %get3A_1355 = tpu.vector_load %arg14[%get3A_1353, %get3A_1354] {strides = array<i32>} : memref<512x64xf32, #tpu.memory_space<vmem>>, vector<16xf32>,
      %mul3A_1356 = arith.mulf %get3A_1347, %get3A_1355 : vector<16xf32>
      %add3A_1357 = arith.addf %add3A_1344, %mul3A_1356 : vector<16xf32>
      %get3A_1358 = arith.index_cast %add3A_1314 : i32 to index
      %get3A_1359 = arith.constant 48 : index
      %get3A_1360 = tpu.vector_load %arg12[%get3A_1358, %get3A_1359] {strides = array<i32>} : memref<512x64xf32, #tpu.memory_space<vmem>>, vector<16xf32>,
      %get3A_1361 = arith.index_cast %add3A_1314 : i32 to index
      %get3A_1362 = arith.constant 48 : index
      %get3A_1363 = tpu.vector_load %arg13[%get3A_1361, %get3A_1362] {strides = array<i32>} : memref<512x64xf32, #tpu.memory_space<vmem>>, vector<16xf32>,
      %mul3A_1364 = arith.mulf %get3A_1360, %get3A_1363 : vector<16xf32>
      %add3A_1365 = arith.addf %add3A_1352, %mul3A_1364 : vector<16xf32>
      %get3A_1366 = arith.index_cast %add3A_1314 : i32 to index
      %get3A_1367 = arith.constant 48 : index
      %get3A_1368 = tpu.vector_load %arg14[%get3A_1366, %get3A_1367] {strides = array<i32>} : memref<512x64xf32, #tpu.memory_space<vmem>>, vector<16xf32>,
      %mul3A_1369 = arith.mulf %get3A_1360, %get3A_1368 : vector<16xf32>
      %add3A_1370 = arith.addf %add3A_1357, %mul3A_1369 : vector<16xf32>
      %eq3A_1371 = arith.constant 14 : i32
      %eq3A_1372 = vector.broadcast %eq3A_1371 : i32 to vector<16xi32>
      %eq3A_1373 = arith.cmpi eq, %iota3A, %eq3A_1372 : vector<16xi32>
      %reduce_sum3A_1374 = arith.constant true
      %reduce_sum3A_1375 = vector.broadcast %reduce_sum3A_1374 : i1 to vector<16xi1>
      %reduce_sum3A_1376 = tpu.scan <sum>, %add3A_1365 masked %reduce_sum3A_1375 : vector<16xf32>, vector<16xi1> -> vector<16xf32>
      %reduce_sum3A_1377 = vector.extract %reduce_sum3A_1376[15] : f32 from vector<16xf32>
      %broadcast_in_dim3A_1378 = vector.broadcast %reduce_sum3A_1377 : f32 to vector<16xf32>
      %select_n3A_1379 = arith.select %eq3A_1373, %broadcast_in_dim3A_1378, %select_n3A_1303 : vector<16xi1>, vector<16xf32>
      %eq3A_1380 = arith.constant 14 : i32
      %eq3A_1381 = vector.broadcast %eq3A_1380 : i32 to vector<16xi32>
      %eq3A_1382 = arith.cmpi eq, %iota3A, %eq3A_1381 : vector<16xi32>
      %reduce_sum3A_1383 = arith.constant true
      %reduce_sum3A_1384 = vector.broadcast %reduce_sum3A_1383 : i1 to vector<16xi1>
      %reduce_sum3A_1385 = tpu.scan <sum>, %add3A_1370 masked %reduce_sum3A_1384 : vector<16xf32>, vector<16xi1> -> vector<16xf32>
      %reduce_sum3A_1386 = vector.extract %reduce_sum3A_1385[15] : f32 from vector<16xf32>
      %broadcast_in_dim3A_1387 = vector.broadcast %reduce_sum3A_1386 : f32 to vector<16xf32>
      %select_n3A_1388 = arith.select %eq3A_1382, %broadcast_in_dim3A_1387, %select_n3A_1312 : vector<16xi1>, vector<16xf32>
      %add3A_1389 = arith.constant 15 : i32
      %add3A_1390 = arith.addi %add3A_249, %add3A_1389 : i32
      %broadcast_in_dim3A_1391 = arith.constant 0.000000e+00 : f32
      %broadcast_in_dim3A_1392 = vector.broadcast %broadcast_in_dim3A_1391 : f32 to vector<16xf32>
      %broadcast_in_dim3A_1393 = arith.constant 0.000000e+00 : f32
      %broadcast_in_dim3A_1394 = vector.broadcast %broadcast_in_dim3A_1393 : f32 to vector<16xf32>
      %get3A_1395 = arith.index_cast %add3A_1390 : i32 to index
      %get3A_1396 = arith.constant 0 : index
      %get3A_1397 = tpu.vector_load %arg12[%get3A_1395, %get3A_1396] {strides = array<i32>} : memref<512x64xf32, #tpu.memory_space<vmem>>, vector<16xf32>,
      %get3A_1398 = arith.index_cast %add3A_1390 : i32 to index
      %get3A_1399 = arith.constant 0 : index
      %get3A_1400 = tpu.vector_load %arg13[%get3A_1398, %get3A_1399] {strides = array<i32>} : memref<512x64xf32, #tpu.memory_space<vmem>>, vector<16xf32>,
      %mul3A_1401 = arith.mulf %get3A_1397, %get3A_1400 : vector<16xf32>
      %add3A_1402 = arith.addf %broadcast_in_dim3A_1392, %mul3A_1401 : vector<16xf32>
      %get3A_1403 = arith.index_cast %add3A_1390 : i32 to index
      %get3A_1404 = arith.constant 0 : index
      %get3A_1405 = tpu.vector_load %arg14[%get3A_1403, %get3A_1404] {strides = array<i32>} : memref<512x64xf32, #tpu.memory_space<vmem>>, vector<16xf32>,
      %mul3A_1406 = arith.mulf %get3A_1397, %get3A_1405 : vector<16xf32>
      %add3A_1407 = arith.addf %broadcast_in_dim3A_1394, %mul3A_1406 : vector<16xf32>
      %get3A_1408 = arith.index_cast %add3A_1390 : i32 to index
      %get3A_1409 = arith.constant 16 : index
      %get3A_1410 = tpu.vector_load %arg12[%get3A_1408, %get3A_1409] {strides = array<i32>} : memref<512x64xf32, #tpu.memory_space<vmem>>, vector<16xf32>,
      %get3A_1411 = arith.index_cast %add3A_1390 : i32 to index
      %get3A_1412 = arith.constant 16 : index
      %get3A_1413 = tpu.vector_load %arg13[%get3A_1411, %get3A_1412] {strides = array<i32>} : memref<512x64xf32, #tpu.memory_space<vmem>>, vector<16xf32>,
      %mul3A_1414 = arith.mulf %get3A_1410, %get3A_1413 : vector<16xf32>
      %add3A_1415 = arith.addf %add3A_1402, %mul3A_1414 : vector<16xf32>
      %get3A_1416 = arith.index_cast %add3A_1390 : i32 to index
      %get3A_1417 = arith.constant 16 : index
      %get3A_1418 = tpu.vector_load %arg14[%get3A_1416, %get3A_1417] {strides = array<i32>} : memref<512x64xf32, #tpu.memory_space<vmem>>, vector<16xf32>,
      %mul3A_1419 = arith.mulf %get3A_1410, %get3A_1418 : vector<16xf32>
      %add3A_1420 = arith.addf %add3A_1407, %mul3A_1419 : vector<16xf32>
      %get3A_1421 = arith.index_cast %add3A_1390 : i32 to index
      %get3A_1422 = arith.constant 32 : index
      %get3A_1423 = tpu.vector_load %arg12[%get3A_1421, %get3A_1422] {strides = array<i32>} : memref<512x64xf32, #tpu.memory_space<vmem>>, vector<16xf32>,
      %get3A_1424 = arith.index_cast %add3A_1390 : i32 to index
      %get3A_1425 = arith.constant 32 : index
      %get3A_1426 = tpu.vector_load %arg13[%get3A_1424, %get3A_1425] {strides = array<i32>} : memref<512x64xf32, #tpu.memory_space<vmem>>, vector<16xf32>,
      %mul3A_1427 = arith.mulf %get3A_1423, %get3A_1426 : vector<16xf32>
      %add3A_1428 = arith.addf %add3A_1415, %mul3A_1427 : vector<16xf32>
      %get3A_1429 = arith.index_cast %add3A_1390 : i32 to index
      %get3A_1430 = arith.constant 32 : index
      %get3A_1431 = tpu.vector_load %arg14[%get3A_1429, %get3A_1430] {strides = array<i32>} : memref<512x64xf32, #tpu.memory_space<vmem>>, vector<16xf32>,
      %mul3A_1432 = arith.mulf %get3A_1423, %get3A_1431 : vector<16xf32>
      %add3A_1433 = arith.addf %add3A_1420, %mul3A_1432 : vector<16xf32>
      %get3A_1434 = arith.index_cast %add3A_1390 : i32 to index
      %get3A_1435 = arith.constant 48 : index
      %get3A_1436 = tpu.vector_load %arg12[%get3A_1434, %get3A_1435] {strides = array<i32>} : memref<512x64xf32, #tpu.memory_space<vmem>>, vector<16xf32>,
      %get3A_1437 = arith.index_cast %add3A_1390 : i32 to index
      %get3A_1438 = arith.constant 48 : index
      %get3A_1439 = tpu.vector_load %arg13[%get3A_1437, %get3A_1438] {strides = array<i32>} : memref<512x64xf32, #tpu.memory_space<vmem>>, vector<16xf32>,
      %mul3A_1440 = arith.mulf %get3A_1436, %get3A_1439 : vector<16xf32>
      %add3A_1441 = arith.addf %add3A_1428, %mul3A_1440 : vector<16xf32>
      %get3A_1442 = arith.index_cast %add3A_1390 : i32 to index
      %get3A_1443 = arith.constant 48 : index
      %get3A_1444 = tpu.vector_load %arg14[%get3A_1442, %get3A_1443] {strides = array<i32>} : memref<512x64xf32, #tpu.memory_space<vmem>>, vector<16xf32>,
      %mul3A_1445 = arith.mulf %get3A_1436, %get3A_1444 : vector<16xf32>
      %add3A_1446 = arith.addf %add3A_1433, %mul3A_1445 : vector<16xf32>
      %eq3A_1447 = arith.constant 15 : i32
      %eq3A_1448 = vector.broadcast %eq3A_1447 : i32 to vector<16xi32>
      %eq3A_1449 = arith.cmpi eq, %iota3A, %eq3A_1448 : vector<16xi32>
      %reduce_sum3A_1450 = arith.constant true
      %reduce_sum3A_1451 = vector.broadcast %reduce_sum3A_1450 : i1 to vector<16xi1>
      %reduce_sum3A_1452 = tpu.scan <sum>, %add3A_1441 masked %reduce_sum3A_1451 : vector<16xf32>, vector<16xi1> -> vector<16xf32>
      %reduce_sum3A_1453 = vector.extract %reduce_sum3A_1452[15] : f32 from vector<16xf32>
      %broadcast_in_dim3A_1454 = vector.broadcast %reduce_sum3A_1453 : f32 to vector<16xf32>
      %select_n3A_1455 = arith.select %eq3A_1449, %broadcast_in_dim3A_1454, %select_n3A_1379 : vector<16xi1>, vector<16xf32>
      %eq3A_1456 = arith.constant 15 : i32
      %eq3A_1457 = vector.broadcast %eq3A_1456 : i32 to vector<16xi32>
      %eq3A_1458 = arith.cmpi eq, %iota3A, %eq3A_1457 : vector<16xi32>
      %reduce_sum3A_1459 = arith.constant true
      %reduce_sum3A_1460 = vector.broadcast %reduce_sum3A_1459 : i1 to vector<16xi1>
      %reduce_sum3A_1461 = tpu.scan <sum>, %add3A_1446 masked %reduce_sum3A_1460 : vector<16xf32>, vector<16xi1> -> vector<16xf32>
      %reduce_sum3A_1462 = vector.extract %reduce_sum3A_1461[15] : f32 from vector<16xf32>
      %broadcast_in_dim3A_1463 = vector.broadcast %reduce_sum3A_1462 : f32 to vector<16xf32>
      %select_n3A_1464 = arith.select %eq3A_1458, %broadcast_in_dim3A_1463, %select_n3A_1388 : vector<16xi1>, vector<16xf32>
      %swap3A = arith.index_cast %add3A_249 : i32 to index
      %swap3A_1465 = tpu.vector_load %arg15[%swap3A] {strides = array<i32>} : memref<512xf32, #tpu.memory_space<vmem>>, vector<16xf32>,
      tpu.vector_store %arg15[%swap3A], %select_n3A_1455 {strides = array<i32>} : memref<512xf32, #tpu.memory_space<vmem>>, vector<16xf32>,
      %swap3A_1466 = arith.index_cast %add3A_249 : i32 to index
      %swap3A_1467 = tpu.vector_load %arg16[%swap3A_1466] {strides = array<i32>} : memref<512xf32, #tpu.memory_space<vmem>>, vector<16xf32>,
      tpu.vector_store %arg16[%swap3A_1466], %select_n3A_1464 {strides = array<i32>} : memref<512xf32, #tpu.memory_space<vmem>>, vector<16xf32>,
    }
    %scan3A_244 = arith.constant 32 : i32
    "tpu.region"() ({
      %run_scoped3A = tpu.sem_alloc : memref<!tpu.dma_semaphore, #tpu.memory_space<semaphore_mem>>
      %dma_start3A_245 = tpu.memref_slice %arg7[%mul3A_2] : memref<16384xf32, #tpu.memory_space<hbm>> -> memref<512xf32, #tpu.memory_space<hbm>>
      %dma_start3A_246 = tpu.memref_slice %arg7[%mul3A_2] : memref<16384xf32, #tpu.memory_space<hbm>> -> memref<512xf32, #tpu.memory_space<hbm>>
      tpu.enqueue_dma source(%arg15 : memref<512xf32, #tpu.memory_space<vmem>>) target(%dma_start3A_246 : memref<512xf32, #tpu.memory_space<hbm>>) target_semaphore(%run_scoped3A : memref<!tpu.dma_semaphore, #tpu.memory_space<semaphore_mem>>)
      %dma_wait3A_247 = tpu.memref_slice %arg7[%mul3A_2] : memref<16384xf32, #tpu.memory_space<hbm>> -> memref<512xf32, #tpu.memory_space<hbm>>
      %dma_wait3A_248 = tpu.memref_slice %arg7[%mul3A_2] : memref<16384xf32, #tpu.memory_space<hbm>> -> memref<512xf32, #tpu.memory_space<hbm>>
      tpu.wait_dma2 semaphore(%run_scoped3A : memref<!tpu.dma_semaphore, #tpu.memory_space<semaphore_mem>>) src(%arg15 : memref<512xf32, #tpu.memory_space<vmem>>) dst(%dma_wait3A_248 : memref<512xf32, #tpu.memory_space<hbm>>)
      tpu.yield
    }) : () -> ()
    "tpu.region"() ({
      %run_scoped3A = tpu.sem_alloc : memref<!tpu.dma_semaphore, #tpu.memory_space<semaphore_mem>>
      %dma_start3A_245 = tpu.memref_slice %arg8[%mul3A_2] : memref<16384xf32, #tpu.memory_space<hbm>> -> memref<512xf32, #tpu.memory_space<hbm>>
      %dma_start3A_246 = tpu.memref_slice %arg8[%mul3A_2] : memref<16384xf32, #tpu.memory_space<hbm>> -> memref<512xf32, #tpu.memory_space<hbm>>
      tpu.enqueue_dma source(%arg16 : memref<512xf32, #tpu.memory_space<vmem>>) target(%dma_start3A_246 : memref<512xf32, #tpu.memory_space<hbm>>) target_semaphore(%run_scoped3A : memref<!tpu.dma_semaphore, #tpu.memory_space<semaphore_mem>>)
      %dma_wait3A_247 = tpu.memref_slice %arg8[%mul3A_2] : memref<16384xf32, #tpu.memory_space<hbm>> -> memref<512xf32, #tpu.memory_space<hbm>>
      %dma_wait3A_248 = tpu.memref_slice %arg8[%mul3A_2] : memref<16384xf32, #tpu.memory_space<hbm>> -> memref<512xf32, #tpu.memory_space<hbm>>
      tpu.wait_dma2 semaphore(%run_scoped3A : memref<!tpu.dma_semaphore, #tpu.memory_space<semaphore_mem>>) src(%arg16 : memref<512xf32, #tpu.memory_space<vmem>>) dst(%dma_wait3A_248 : memref<512xf32, #tpu.memory_space<hbm>>)
      tpu.yield
    }) : () -> ()
    return
  }
}

</mosaic_0001>

<sc_bundles>
// kernel: kernel.3.cloned.1.call-start
scs
__scs_entry_jumppad:
0x0: {  	(pc) =	sbr.rel $0x88, $3  }
0x1: {  	(tag) =	ssettag $0x0;
	lr =	simm.s32 $0x1  }
0x2: {  	[smem:$0x3F9C] =	sst lr;
	_ =	strace $0xD0000000  }
0x3: {  	_ = 	snop  }
0x4: {  	_ = 	snop  }
0x5: {  	_ = 	snop  }
0x6: {  	_ = 	snop  }
0x7: {  	_ = 	snop  }
__scs_overlays_trampoline_lowered:
0x8: {  	[smem:$0x3FAB] =	sst s0  }
0x9: {  	[smem:$0x3FAC] =	sst s1  }
0xa: {  	[smem:$0x3FAD] =	sst s2  }
0xb: {  	[smem:$0x3FAE] =	sst s3  }
0xc: {  	[smem:$0x3FAF] =	sst s4  }
0xd: {  	[smem:$0x3FB0] =	sst s5  }
0xe: {  	[smem:$0x3FB1] =	sst s6  }
0xf: {  	[smem:$0x3FB2] =	sst s7  }
0x10: {  	[smem:$0x3FB3] =	sst s8  }
0x11: {  	[smem:$0x3FB4] =	sst s9;
	s0 =	simm.s32 @!p0 $0x0  }
0x12: {  	s1 =	sld [smem:$0x3F9A];
	s0 =	simm.s32 @p0 $0x1  }
0x13: {  	[smem:$0x3FB5] =	sst s0;
	s0 =	simm.s32 @!p1 $0x0  }
0x14: {  	s2 =	sld [smem:$0x3F99];
	s0 =	simm.s32 @p1 $0x1  }
0x15: {  	[smem:$0x3FB6] =	sst s0;
	s0 =	simm.s32 @!p2 $0x0  }
0x16: {  	s3 =	sld [smem:$0x3FDB];
	s0 =	simm.s32 @p2 $0x1  }
0x17: {  	s4 =	simm.s32 $0x1BF5;
	[smem:$0x3FB8] =	sst s0  }
0x18: {  	s0 =	sld [smem:$0x3F9B];
	_ =	swait.ge [sflag:s4], $0x0  }
0x19: {  	s7 =	sld [smem:$0x3F9C]  }
0x1a: {  	s8 =	sadd.s32 $0xFFFFE003, lr  }
0x1b: {  	s9 =	sadd.s32 $0xFFFFFEF7, lr;
	s5 =	simm.s32 $0xFFFFFFFF;
	p2 =	slt.u32 s8, $0xFFFFF086  }
0x1c: {  	p1 =	slt.u32 s9, $0xF7A;
	s5 =	simm.s32 @!p2 $0x0  }
0x1d: {  	s5 =	simm.s32 @p1 $0x1;
	p0 =	seq.s32 s7, s2  }
0x1e: {  	s7 =	smul.u32 @!p0 $0xF7A, s2;
	p2 =	seq.s32 @!p0 s5, $0x0  }
0x1f: {  	s9 =	smul.u32 $0xF7A, s1;
	s8 =	simm.s32 @!p0 $0x1BF5;
	p2 =	por !p2, p0  }
0x20: {  	[sflag:s8] =	ssyncset.s32 @!p0 $0xFFFFF086;
	s6 =	sadd.s32 @!p0 s3, s7;
	s7 =	simm.s32 @!p0 $0x108  }
0x21: {  	s3 =	sadd.s32 s3, s9;
	s6 =	sadd.s32 @!p0 $0x88, s6;
	s7 =	simm.s32 @p2 $0x1082  }
0x22: {  	[simem:s7], [sflag:s8] =	dma.local @!p0 [hbm:s6], $0xF7A  }
0x23: {  	s9 =	sor.u32 $0xD0000000, s2;
	s6 =	simm.s32 $0x108;
	_ =	swait.ge @!p0 [sflag:s8], $0x0  }
0x24: {  	s3 =	sadd.s32 $0x88, s3;
	s6 =	simm.s32 @!p1 $0x1082;
	[sflag:s4] =	ssyncset.s32 $0xFFFFF086  }
0x25: {  	[simem:s6], [sflag:s4] =	dma.local [hbm:s3], $0xF7A  }
0x26: {  	[smem:$0x3F9C] =	sst s1;
	(tag) =	ssettag s2;
	_ =	strace s9  }
0x27: {  	s1 =	sld [smem:$0x3FAC]  }
0x28: {  	s2 =	sld [smem:$0x3FAD]  }
0x29: {  	s4 =	sld [smem:$0x3FAF]  }
0x2a: {  	p0 =	seq.s32 s5, $0x0;
	s5 =	sld [smem:$0x3FB0]  }
0x2b: {  	s6 =	sld [smem:$0x3FB1]  }
0x2c: {  	s7 =	sld [smem:$0x3FB2]  }
0x2d: {  	s3 =	simm.s32 $0x108;
	s8 =	sld [smem:$0x3FB3]  }
0x2e: {  	s3 =	simm.s32 @!p0 $0x1082;
	s9 =	sld [smem:$0x3FB4]  }
0x2f: {  	lr =	sadd.s32 s0, s3;
	s0 =	sld [smem:$0x3FAB]  }
0x30: {  	s3 =	sld [smem:$0x3FAE]  }
0x31: {  	[smem:$0x3FB7] =	sst s10  }
0x32: {  	s10 =	sld [smem:$0x3FB5];
	_ =	sdelay $0x3  }
0x33: {  	p0 =	seq.s32 s10, $0x1;
	s10 =	sld [smem:$0x3FB7];
	_ =	sdelay $0x3  }
0x34: {  	[smem:$0x3FB7] =	sst s10  }
0x35: {  	s10 =	sld [smem:$0x3FB6];
	_ =	sdelay $0x3  }
0x36: {  	p1 =	seq.s32 s10, $0x1;
	s10 =	sld [smem:$0x3FB7];
	_ =	sdelay $0x3  }
0x37: {  	[smem:$0x3FB7] =	sst s10  }
0x38: {  	s10 =	sld [smem:$0x3FB8]  }
0x39: {  	_ = 	snop;
	(pc) =	sbr.ind lr, $3  }
0x3a: {  	_ = 	snop  }
0x3b: {  	_ = 	snop  }
0x3c: {  	p2 =	seq.s32 s10, $0x1;
	s10 =	sld [smem:$0x3FB7]  }
0x3d: {  	_ =	shalt  }
0x3e: {  	_ =	shalt  }
0x3f: {  	_ =	shalt  }
0x40: {  	_ =	shalt  }
0x41: {  	_ =	shalt  }
0x42: {  	_ =	shalt  }
0x43: {  	_ =	shalt  }
0x44: {  	_ =	shalt  }
0x45: {  	_ =	shalt  }
0x46: {  	_ =	shalt  }
0x47: {  	_ =	shalt  }
0x48: {  	_ =	shalt  }
0x49: {  	_ =	shalt  }
0x4a: {  	_ =	shalt  }
0x4b: {  	_ =	shalt  }
0x4c: {  	_ =	shalt  }
0x4d: {  	_ =	shalt  }
0x4e: {  	_ =	shalt  }
0x4f: {  	_ =	shalt  }
0x50: {  	_ =	shalt  }
0x51: {  	_ =	shalt  }
0x52: {  	_ =	shalt  }
0x53: {  	_ =	shalt  }
0x54: {  	_ =	shalt  }
0x55: {  	_ =	shalt  }
0x56: {  	_ =	shalt  }
0x57: {  	_ =	shalt  }
0x58: {  	_ =	shalt  }
0x59: {  	_ =	shalt  }
0x5a: {  	_ =	shalt  }
0x5b: {  	_ =	shalt  }
0x5c: {  	_ =	shalt  }
0x5d: {  	_ =	shalt  }
0x5e: {  	_ =	shalt  }
0x5f: {  	_ =	shalt  }
0x60: {  	_ =	shalt  }
0x61: {  	_ =	shalt  }
0x62: {  	_ =	shalt  }
0x63: {  	_ =	shalt  }
0x64: {  	_ =	shalt  }
0x65: {  	_ =	shalt  }
0x66: {  	_ =	shalt  }
0x67: {  	_ =	shalt  }
0x68: {  	_ =	shalt  }
0x69: {  	_ =	shalt  }
0x6a: {  	_ =	shalt  }
0x6b: {  	_ =	shalt  }
0x6c: {  	_ =	shalt  }
0x6d: {  	_ =	shalt  }
0x6e: {  	_ =	shalt  }
0x6f: {  	_ =	shalt  }
0x70: {  	_ =	shalt  }
0x71: {  	_ =	shalt  }
0x72: {  	_ =	shalt  }
0x73: {  	_ =	shalt  }
0x74: {  	_ =	shalt  }
0x75: {  	_ =	shalt  }
0x76: {  	_ =	shalt  }
0x77: {  	_ =	shalt  }
0x78: {  	_ =	shalt  }
0x79: {  	_ =	shalt  }
0x7a: {  	_ =	shalt  }
0x7b: {  	_ =	shalt  }
0x7c: {  	_ =	shalt  }
0x7d: {  	_ =	shalt  }
0x7e: {  	_ =	shalt  }
0x7f: {  	_ =	shalt  }
0x80: {  	_ =	shalt  }
0x81: {  	_ =	shalt  }
0x82: {  	_ =	shalt  }
0x83: {  	_ =	shalt  }
0x84: {  	_ =	shalt  }
0x85: {  	_ =	shalt  }
0x86: {  	_ =	shalt  }
0x87: {  	_ =	shalt  }
.Lfunc_end0:
.L_simem_size_0:
called_computation_lowered:
.L_overlay_start_0:
0x88: {  	s2 =	sld [smem:$0x3FD9]  }
0x89: {  	s3 =	sld [smem:$0x3FFE];
	_ =	sdelay $0x1  }
0x8a: {  	s1 =	srdreg.scid  }
0x8b: {  	s0 =	sand.u32 $0x1, s1  }
0x8c: {  	s14 =	sshll.u32 s0, $0xA;
	s2 =	sadd.s32 s3, s2  }
0x8d: {  	s2 =	sadd.s32 s2, s14  }
0x8e: {  	[smem:$0x3FC3] =	sst s2  }
0x8f: {  	_ = 	snop  }
0x90: {  	s2 =	sld [smem:$0x3FD0]  }
0x91: {  	s15 =	sld [smem:$0x3FC7]  }
0x92: {  	s4 =	sld [smem:$0x3FC6]  }
0x93: {  	s6 =	simm.s32 $0xA;
	s7 =	simm.s32 $0x10;
	s5 =	sld [smem:$0x3FC5]  }
0x94: {  	[smem:s7], [sflag:s6] =	dma.local [hbm:s2], $0x1  }
0x95: {  	_ =	swait.eq [sflag:s6], $0x1  }
0x96: {  	[sflag:s6] =	ssyncset.done $0x0  }
0x97: {  	s16 =	sld [smem:$0x10];
	[sflag:s6] =	ssyncadd.s32 $0xFFFFFFFF  }
0x98: {  	s17 =	sld [smem:$0x11];
	(tm) =	ssettm $0x1  }
0x99: {  	s18 =	sld [smem:$0x3FFB];
	_ =	sdelay $0x3  }
0x9a: {  	_ =	strace s18  }
0x9b: {  	s7 =	sld [smem:$0x3FFC];
	_ =	sdelay $0x3  }
0x9c: {  	_ =	strace s7  }
0x9d: {  	s7 =	sld [smem:$0x3FFD];
	_ =	sdelay $0x3  }
0x9e: {  	_ =	strace s7  }
0x9f: {  	_ =	strace $0x8FFFFFFF  }
0xa0: {  	s19 =	sld [smem:$0x3FDB];
	_ =	sdelay $0x1  }
0xa1: {  	s8 =	simm.s32 $_scs_section_size  }
0xa2: {  	s9 =	simm.s32 $_size__tile_overlayer_lowered;
	s10 =	simm.s32 $_tile_overlayer_lowered  }
0xa3: {  	s22 =	simm.s32 $0x1BFF;
	s21 =	sshll.u32 s10, $0x1;
	s7 =	sadd.s32 s8, s19  }
0xa4: {  	s11 =	simm.s32 $0x0;
	s20 =	sshll.u32 s9, $0x1;
	s9 =	sadd.s32 s21, s7  }
0xa5: {  	[timem:s11], [sflag:s22] =	dma.local [hbm:s9], s20  }
0xa6: {  	_ =	swait.ge [sflag:s22], s20  }
0xa7: {  	s8 =	ssub.s32 $0x0, s20;
	[sflag:s22] =	ssyncset.done $0x0  }
0xa8: {  	[sflag:s22] =	ssyncadd.s32 s8;
	_ =	sdelay $0x1  }
0xa9: {  	s23 =	simm.s32 $0x1B8B  }
0xaa: {  	_ =	swait.ge [sflag:s23], $0x1  }
0xab: {  	[sflag:s23] =	ssyncset.done $0x0  }
0xac: {  	s25 =	simm.s32 $0x1B8E;
	s24 =	sld [smem:$0x3FFE];
	[sflag:s23] =	ssyncadd.s32 $0xFFFFFFFF  }
0xad: {  	s26 =	simm.s32 $execute0_lowered;
	[smem:$0x3FD2] =	sst s25  }
0xae: {  	s9 =	sshll.u32 s26, $0x1;
	_ =	strace $0x80000046;
	[dreg:$0x1] =	wrdreg $0xFFFFFFFF  }
0xaf: {  	s28 =	simm.s32 $_size_execute0_lowered;
	s7 =	sadd.s32 s7, s9;
	[dreg:$0x0] =	wrdreg $0x0  }
0xb0: {  	s9 =	sshll.u32 s28, $0x1;
	[dreg:$0x2] =	wrdreg s7  }
0xb1: {  	[dreg:$0x3] =	wrdreg s9  }
0xb2: {  	[dreg:$0x4] =	wrdreg $0xC0  }
0xb3: {  	_ =	task [dreg:s11], $0x5FFFF  }
0xb4: {  	[dreg:$0x1] =	wrdreg $0xFFFFFFFF  }
0xb5: {  	[dreg:$0x0] =	wrdreg $0x60  }
0xb6: {  	[dreg:$0x2] =	wrdreg s24  }
0xb7: {  	[dreg:$0x3] =	wrdreg s15  }
0xb8: {  	[dreg:$0x4] =	wrdreg s4  }
0xb9: {  	[dreg:$0x5] =	wrdreg s5  }
0xba: {  	[dreg:$0x6] =	wrdreg s16  }
0xbb: {  	[dreg:$0x7] =	wrdreg s17  }
0xbc: {  	[dreg:$0x8] =	wrdreg $0x9  }
0xbd: {  	_ =	task.clear_ibuf [dreg:s11], $0x9FFFF;
	_ =	strace $0x90000046  }
0xbe: {  	s29 =	simm.s32 $0x9;
	_ =	strace $0x80000048  }
0xbf: {  	_ =	swait.ge [sflag:s29], $0x1  }
0xc0: {  	[sflag:s29] =	ssyncadd.s32 $0xFFFFFFFF  }
0xc1: {  	_ =	strace $0x90000048  }
0xc2: {  	_ =	sfence  }
0xc3: {  	s30 =	sld [smem:$0x0];
	_ =	sdelay $0x2  }
0xc4: {  	s31 =	sshll.u32 s1, $0xD;
	s1 =	sshrl.u32 s1, $0x2  }
0xc5: {  	s3 =	sand.u32 $0x4000, s31;
	s1 =	sadd.s32 s1, s30  }
0xc6: {  	s0 =	sor.u32 s3, s0;
	s1 =	sshll.u32 s1, $0x11  }
0xc7: {  	s0 =	sor.u32 s1, s0  }
0xc8: {  	s0 =	sadd.s32 $0x8F2B, s0  }
0xc9: {  	[sflag:s0] =	ssyncadd.remote.s32 $0x1  }
0xca: {  	_ =	sfence.sel $0xFFFF  }
0xcb: {  	[dreg:$0x0] =	wrdreg $0xFFFFFFFF;
	(pc) =	sbr.abs _section_cstart, $3  }
0xcc: {  	[dreg:$0x1] =	wrdreg $0xFFFFFFFF  }
0xcd: {  	_ =	task.clear_ibuf [dreg:s11], $0x2FFFF;
	_ =	strace $0x9FFFFFFF  }
0xce: {  	(tm) =	ssettm $0x7FFFFFFF  }
0xcf: {  	_ =	shalt  }
tec
execute0_lowered:
.L_overlay_start_1:
0x0: {  	(tag) =	ssettag $0x1  }
0x1: {  	s0 =	rddreg [dreg:$0x0]  }
0x2: {  	s1 =	rddreg [dreg:$0x1]  }
0x3: {  	s6 =	rddreg [dreg:$0x2]  }
0x4: {  	s7 =	rddreg [dreg:$0x3]  }
0x5: {  	s8 =	rddreg [dreg:$0x4]  }
0x6: {  	s9 =	rddreg [dreg:$0x5];
	s2 =	simm.s32 $0x0;
	s3 =	srdreg.scid  }
0x7: {  	s4 =	stileid.u32;
	s12 =	simm.s32 $0x200;
	s13 =	simm.s32 $0x400  }
0x8: {  	s14 =	simm.s32 $0x80;
	s25 =	simm.s32 $0x300;
	s28 =	simm.s32 $0x500  }
0x9: {  	s29 =	simm.s32 $0x14600;
	s30 =	simm.s32 $0x180;
	s31 =	simm.s32 $0x6600  }
0xa: {  	s15 =	simm.s32 $0x580;
	s16 =	simm.s32 $0x16600;
	s17 =	simm.s32 $0x1  }
0xb: {  	s18 =	simm.s32 $0x18600;
	s19 =	simm.s32 $0x18800;
	s20 =	simm.s32 $0x0  }
0xc: {  	[smem:$0x7FF] =	sst s2;
	s3 =	sand.u32 $0x1, s3;
	s4 =	sshll.u32 s4, $0x7  }
0xd: {  	_ =	strace $0x80000047;
	s5 =	ssub.s32 $0x2, s3;
	s10 =	sshll.u32 s3, $0x6  }
0xe: {  	vm0 =	vmmov $0x1;
	vm1 =	vmmov $0x3;
	vm2 =	vmmov $0x7;
	s3 =	sadd.s32 $0xF42C00, s0;
	s11 =	sshrl.u32 s5, $0x1;
	s10 =	sor.u32 s10, s4  }
0xf: {  	vm3 =	vmmov $0xf;
	vm4 =	vmmov $0x1f;
	vm5 =	vmmov $0x3f;
	s4 =	sadd.s32 $0x16E3E00, s0;
	s0 =	simm.s32 $0x380;
	s26 =	ssub.s32 s5, s11  }
0x10: {  	vm6 =	vmmov $0x7f;
	vm7 =	vmmov $0xff;
	vm8 =	vmmov $0x1ff;
	s5 =	sadd.s32 s1, s10;
	s6 =	sadd.s32 s6, s10;
	s7 =	sadd.s32 s7, s10  }
0x11: {  	vm9 =	vmmov $0x3ff;
	vm10 =	vmmov $0x7ff;
	vm11 =	vmmov $0xfff;
	s8 =	sadd.s32 s8, s10;
	s9 =	sadd.s32 s9, s10;
	s11 =	simm.s32 $0x2  }
0x12: {  	vm12 =	vmmov $0x1fff;
	vm13 =	vmmov $0x3fff;
	vm14 =	vmmov $0x7fff;
	s1 =	simm.s32 $0xE600;
	s10 =	smax.u32 s26, $0x1;
	s26 =	simm.s32 $0xC600  }
.LBB2_1:
0x13: {  	[tilespmem:s2], [sflag:$0x2] =	stream.linear.gather [hbm4b:s5+s2], $0x200, $0x38;
	[tilespmem:$0x18A00] =	vst v63  }
0x14: {  	_ =	swait.ge [sflag:s11], $0x200  }
0x15: {  	[sflag:s11] =	ssyncset.done $0x0  }
0x16: {  	[sflag:s11] =	ssyncadd.s32 $0xFFFFFE00  }
0x17: {  	[tilespmem:s12], [sflag:$0x2] =	stream.linear.gather [hbm4b:s6+s2], $0x200, $0x38;
	[tilespmem:$0x18A00] =	vst v63  }
0x18: {  	_ =	swait.ge [sflag:s11], $0x200  }
0x19: {  	[sflag:s11] =	ssyncset.done $0x0  }
0x1a: {  	[sflag:s11] =	ssyncadd.s32 $0xFFFFFE00  }
0x1b: {  	[tilespmem:s13], [sflag:$0x2] =	stream.linear.gather [hbm4b:s7+s2], $0x200, $0x38;
	[tilespmem:$0x18A00] =	vst v63  }
0x1c: {  	_ =	swait.ge [sflag:s11], $0x200  }
0x1d: {  	[sflag:s11] =	ssyncset.done $0x0  }
0x1e: {  	s21 =	simm.s32 $0x600;
	[sflag:s11] =	ssyncadd.s32 $0xFFFFFE00  }
0x1f: {  	[tilespmem:s21], [sflag:$0x1] =	stream.indirect.gather [hbm4b:s3+s14], $0x40, s2, s14, $0xb8;
	[tilespmem:$0x18A00] =	vst v63  }
0x20: {  	s24 =	simm.s32 $0x8600  }
0x21: {  	[tilespmem:s24], [sflag:$0x1] =	stream.indirect.gather [hbm4b:s4+s14], $0x40, s12, s14, $0xb8;
	[tilespmem:$0x18A00] =	vst v63  }
0x22: {  	s22 =	simm.s32 $0x10600  }
0x23: {  	[tilespmem:s22], [sflag:$0x1] =	stream.indirect.gather [hbm4b:s4+s14], $0x40, s13, s14, $0xb8;
	[tilespmem:$0x18A00] =	vst v63  }
0x24: {  	s23 =	simm.s32 $0x2600  }
0x25: {  	[tilespmem:s23], [sflag:$0x1] =	stream.indirect.gather [hbm4b:s3+s14], $0x40, s14, s14, $0xb8;
	[tilespmem:$0x18A00] =	vst v63  }
0x26: {  	s24 =	simm.s32 $0x280;
	s22 =	simm.s32 $0xA600  }
0x27: {  	[tilespmem:s22], [sflag:$0x1] =	stream.indirect.gather [hbm4b:s4+s14], $0x40, s24, s14, $0xb8;
	[tilespmem:$0x18A00] =	vst v63  }
0x28: {  	s23 =	simm.s32 $0x480;
	s24 =	simm.s32 $0x12600  }
0x29: {  	[tilespmem:s24], [sflag:$0x1] =	stream.indirect.gather [hbm4b:s4+s14], $0x40, s23, s14, $0xb8;
	[tilespmem:$0x18A00] =	vst v63  }
0x2a: {  	s22 =	simm.s32 $0x100;
	s23 =	simm.s32 $0x4600  }
0x2b: {  	[tilespmem:s23], [sflag:$0x1] =	stream.indirect.gather [hbm4b:s3+s14], $0x40, s22, s14, $0xb8;
	[tilespmem:$0x18A00] =	vst v63  }
0x2c: {  	_ = 	snop  }
0x2d: {  	[tilespmem:s26], [sflag:$0x1] =	stream.indirect.gather [hbm4b:s4+s14], $0x40, s25, s14, $0xb8;
	[tilespmem:$0x18A00] =	vst v63  }
0x2e: {  	_ = 	snop  }
0x2f: {  	[tilespmem:s29], [sflag:$0x1] =	stream.indirect.gather [hbm4b:s4+s14], $0x40, s28, s14, $0xb8;
	[tilespmem:$0x18A00] =	vst v63  }
0x30: {  	_ = 	snop  }
0x31: {  	[tilespmem:s31], [sflag:$0x1] =	stream.indirect.gather [hbm4b:s3+s14], $0x40, s30, s14, $0xb8;
	[tilespmem:$0x18A00] =	vst v63  }
0x32: {  	_ = 	snop  }
0x33: {  	[tilespmem:s1], [sflag:$0x1] =	stream.indirect.gather [hbm4b:s4+s14], $0x40, s0, s14, $0xb8;
	[tilespmem:$0x18A00] =	vst v63  }
0x34: {  	_ = 	snop  }
0x35: {  	[tilespmem:s16], [sflag:$0x1] =	stream.indirect.gather [hbm4b:s4+s14], $0x40, s15, s14, $0xb8;
	[tilespmem:$0x18A00] =	vst v63  }
0x36: {  	_ =	swait.ge [sflag:s17], $0x2000  }
0x37: {  	[sflag:s17] =	ssyncset.done $0x0  }
0x38: {  	[sflag:s17] =	ssyncadd.s32 $0xFFFFE000  }
0x39: {  	_ =	swait.ge [sflag:s17], $0x2000  }
0x3a: {  	[sflag:s17] =	ssyncset.done $0x0  }
0x3b: {  	[sflag:s17] =	ssyncadd.s32 $0xFFFFE000  }
0x3c: {  	_ =	swait.ge [sflag:s17], $0x2000  }
0x3d: {  	[sflag:s17] =	ssyncset.done $0x0  }
0x3e: {  	[sflag:s17] =	ssyncadd.s32 $0xFFFFE000  }
0x3f: {  	_ =	swait.ge [sflag:s17], $0x2000  }
0x40: {  	[sflag:s17] =	ssyncset.done $0x0  }
0x41: {  	[sflag:s17] =	ssyncadd.s32 $0xFFFFE000  }
0x42: {  	_ =	swait.ge [sflag:s17], $0x2000  }
0x43: {  	[sflag:s17] =	ssyncset.done $0x0  }
0x44: {  	[sflag:s17] =	ssyncadd.s32 $0xFFFFE000  }
0x45: {  	_ =	swait.ge [sflag:s17], $0x2000  }
0x46: {  	[sflag:s17] =	ssyncset.done $0x0  }
0x47: {  	[sflag:s17] =	ssyncadd.s32 $0xFFFFE000  }
0x48: {  	_ =	swait.ge [sflag:s17], $0x2000  }
0x49: {  	[sflag:s17] =	ssyncset.done $0x0  }
0x4a: {  	[sflag:s17] =	ssyncadd.s32 $0xFFFFE000  }
0x4b: {  	_ =	swait.ge [sflag:s17], $0x2000  }
0x4c: {  	[sflag:s17] =	ssyncset.done $0x0  }
0x4d: {  	[sflag:s17] =	ssyncadd.s32 $0xFFFFE000  }
0x4e: {  	_ =	swait.ge [sflag:s17], $0x2000  }
0x4f: {  	[sflag:s17] =	ssyncset.done $0x0  }
0x50: {  	[sflag:s17] =	ssyncadd.s32 $0xFFFFE000  }
0x51: {  	_ =	swait.ge [sflag:s17], $0x2000  }
0x52: {  	[sflag:s17] =	ssyncset.done $0x0  }
0x53: {  	[sflag:s17] =	ssyncadd.s32 $0xFFFFE000  }
0x54: {  	_ =	swait.ge [sflag:s17], $0x2000  }
0x55: {  	[sflag:s17] =	ssyncset.done $0x0  }
0x56: {  	[sflag:s17] =	ssyncadd.s32 $0xFFFFE000  }
0x57: {  	_ =	swait.ge [sflag:s17], $0x2000  }
0x58: {  	[sflag:s17] =	ssyncset.done $0x0  }
0x59: {  	s24 =	simm.s32 $0x0;
	[sflag:s17] =	ssyncadd.s32 $0xFFFFE000  }
0x5a: {  	v1 =	vld [tilespmem:s24+$0x109D0];
	_ =	sdelay $0x4  }
0x5b: {  	[tilespmem:$0x1FAB0] =	vst v1;
	v1 =	vld [tilespmem:s24+$0x10970];
	_ =	sdelay $0x4  }
0x5c: {  	[tilespmem:$0x1FB10] =	vst v1;
	v1 =	vld [tilespmem:s24+$0x109C0];
	_ =	sdelay $0x4  }
0x5d: {  	[tilespmem:$0x1FB40] =	vst v1;
	v1 =	vld [tilespmem:s24+$0x10960];
	_ =	sdelay $0x4  }
0x5e: {  	[tilespmem:$0x1FBB0] =	vst v1;
	v1 =	vld [tilespmem:s24+$0x10950];
	_ =	sdelay $0x4  }
0x5f: {  	[tilespmem:$0x1FBE0] =	vst v1;
	v1 =	vld [tilespmem:s24+$0x108B0];
	_ =	sdelay $0x4  }
0x60: {  	[tilespmem:$0x1FC30] =	vst v1;
	v1 =	vld [tilespmem:s24+$0x10940];
	_ =	sdelay $0x4  }
0x61: {  	[tilespmem:$0x1FC10] =	vst v1;
	v1 =	vld [tilespmem:s24+$0x8830];
	_ =	sdelay $0x4  }
0x62: {  	[tilespmem:$0x1F8D0] =	vst v1;
	v1 =	vld [tilespmem:s24+$0x10820];
	_ =	sdelay $0x4  }
0x63: {  	[tilespmem:$0x1F8E0] =	vst v1;
	v1 =	vld [tilespmem:s24+$0x10880];
	_ =	sdelay $0x4  }
0x64: {  	[tilespmem:$0x1FC00] =	vst v1;
	v1 =	vld [tilespmem:s24+$0x87F0];
	_ =	sdelay $0x4  }
0x65: {  	[tilespmem:$0x1F930] =	vst v1;
	v1 =	vld [tilespmem:s24+$0x8820];
	_ =	sdelay $0x4  }
0x66: {  	[tilespmem:$0x1F8B0] =	vst v1;
	v1 =	vld [tilespmem:s24+$0x107B0];
	_ =	sdelay $0x4  }
0x67: {  	[tilespmem:$0x1F990] =	vst v1;
	v1 =	vld [tilespmem:s24+$0x87B0];
	_ =	sdelay $0x4  }
0x68: {  	[tilespmem:$0x1F980] =	vst v1;
	v1 =	vld [tilespmem:s24+$0x87E0];
	_ =	sdelay $0x4  }
0x69: {  	[tilespmem:$0x1F900] =	vst v1;
	v1 =	vld [tilespmem:s24+$0x10770];
	_ =	sdelay $0x4  }
0x6a: {  	[tilespmem:$0x1F9F0] =	vst v1;
	v1 =	vld [tilespmem:s24+$0x107A0];
	_ =	sdelay $0x4  }
0x6b: {  	[tilespmem:$0x1F950] =	vst v1;
	v1 =	vld [tilespmem:s24+$0x8770];
	_ =	sdelay $0x4  }
0x6c: {  	[tilespmem:$0x1F9D0] =	vst v1;
	v1 =	vld [tilespmem:s24+$0x87A0];
	_ =	sdelay $0x4  }
0x6d: {  	[tilespmem:$0x1F940] =	vst v1;
	v1 =	vld [tilespmem:s24+$0x10760];
	_ =	sdelay $0x4  }
0x6e: {  	[tilespmem:$0x1F9C0] =	vst v1;
	v1 =	vld [tilespmem:s24+$0x10790];
	_ =	sdelay $0x4  }
0x6f: {  	[tilespmem:$0x1F920] =	vst v1;
	v1 =	vld [tilespmem:s24+$0x107C0]  }
0x70: {  	v0 =	vld [tilespmem:s24+$0x109F0]  }
0x71: {  	v63 =	vld [tilespmem:s24+$0x89F0]  }
0x72: {  	v27 =	vld [tilespmem:s24+$0x89E0]  }
0x73: {  	v45 =	vld [tilespmem:s24+$0x109B0]  }
0x74: {  	[tilespmem:$0x1FBD0] =	vst v1;
	v1 =	vld [tilespmem:s24+$0x8730]  }
0x75: {  	v30 =	vld [tilespmem:s24+$0x89B0]  }
0x76: {  	v21 =	vld [tilespmem:s24+$0x89D0]  }
0x77: {  	v35 =	vld [tilespmem:s24+$0x109A0]  }
0x78: {  	v42 =	vld [tilespmem:s24+$0x8970]  }
0x79: {  	[tilespmem:$0x1FA10] =	vst v1;
	v1 =	vld [tilespmem:s24+$0x8760]  }
0x7a: {  	v24 =	vld [tilespmem:s24+$0x89A0]  }
0x7b: {  	v61 =	vld [tilespmem:s24+$0x89C0]  }
0x7c: {  	v55 =	vld [tilespmem:s24+$0x10930]  }
0x7d: {  	v17 =	vld [tilespmem:s24+$0x10990]  }
0x7e: {  	[tilespmem:$0x1F9B0] =	vst v1;
	v1 =	vld [tilespmem:s24+$0x8790]  }
0x7f: {  	v50 =	vld [tilespmem:s24+$0x9F0]  }
0x80: {  	v47 =	vld [tilespmem:s24+$0x8930]  }
0x81: {  	v40 =	vld [tilespmem:s24+$0x8960]  }
0x82: {  	v12 =	vld [tilespmem:s24+$0x8990]  }
0x83: {  	[tilespmem:$0x1F910] =	vst v1;
	v1 =	vld [tilespmem:s24+$0x106F0]  }
0x84: {  	v44 =	vld [tilespmem:s24+$0x10920]  }
0x85: {  	v15 =	vld [tilespmem:s24+$0x10980]  }
0x86: {  	v57 =	vld [tilespmem:s24+$0x88F0]  }
0x87: {  	v34 =	vld [tilespmem:s24+$0x8920]  }
0x88: {  	[tilespmem:$0x1FAA0] =	vst v1;
	v1 =	vld [tilespmem:s24+$0x10750]  }
0x89: {  	v20 =	vld [tilespmem:s24+$0x8950]  }
0x8a: {  	v8 =	vld [tilespmem:s24+$0x8980]  }
0x8b: {  	v54 =	vld [tilespmem:s24+$0x108E0]  }
0x8c: {  	v31 =	vld [tilespmem:s24+$0x10910]  }
0x8d: {  	[tilespmem:$0x1F9A0] =	vst v1;
	v1 =	vld [tilespmem:s24+$0x86F0]  }
0x8e: {  	v11 =	vld [tilespmem:s24+$0x9E0]  }
0x8f: {  	v43 =	vld [tilespmem:s24+$0x88E0]  }
0x90: {  	v26 =	vld [tilespmem:s24+$0x8910]  }
0x91: {  	v14 =	vld [tilespmem:s24+$0x8940]  }
0x92: {  	[tilespmem:$0x1FA60] =	vst v1;
	v1 =	vld [tilespmem:s24+$0x8720]  }
0x93: {  	v39 =	vld [tilespmem:s24+$0x108D0]  }
0x94: {  	v25 =	vld [tilespmem:s24+$0x10900]  }
0x95: {  	v59 =	vld [tilespmem:s24+$0x88A0]  }
0x96: {  	v33 =	vld [tilespmem:s24+$0x88D0]  }
0x97: {  	[tilespmem:$0x1FA00] =	vst v1;
	v1 =	vld [tilespmem:s24+$0x8750]  }
0x98: {  	v19 =	vld [tilespmem:s24+$0x8900]  }
0x99: {  	v29 =	vld [tilespmem:s24+$0x108C0]  }
0x9a: {  	v18 =	vld [tilespmem:s24+$0x9B0]  }
0x9b: {  	v52 =	vld [tilespmem:s24+$0x8860]  }
0x9c: {  	[tilespmem:$0x1F960] =	vst v1;
	v1 =	vld [tilespmem:s24+$0x106B0]  }
0x9d: {  	v41 =	vld [tilespmem:s24+$0x8890]  }
0x9e: {  	v23 =	vld [tilespmem:s24+$0x88C0]  }
0x9f: {  	v51 =	vld [tilespmem:s24+$0x10850]  }
0xa0: {  	[tilespmem:$0x1FA20] =	vst v0;
	v0 =	vld [tilespmem:s24+$0x109E0]  }
0xa1: {  	[tilespmem:$0x1FB30] =	vst v1;
	v1 =	vld [tilespmem:s24+$0x106E0]  }
0xa2: {  	v37 =	vld [tilespmem:s24+$0x8850]  }
0xa3: {  	v32 =	vld [tilespmem:s24+$0x8880]  }
0xa4: {  	v62 =	vld [tilespmem:s24+$0x10810]  }
0xa5: {  	[tilespmem:$0x1FA80] =	vst v0;
	v0 =	vld [tilespmem:s24+$0x108F0]  }
0xa6: {  	[tilespmem:$0x1FA70] =	vst v1;
	v1 =	vld [tilespmem:s24+$0x10740]  }
0xa7: {  	v38 =	vld [tilespmem:s24+$0x10840]  }
0xa8: {  	v13 =	vld [tilespmem:s24+$0x970]  }
0xa9: {  	v6 =	vld [tilespmem:s24+$0x9A0]  }
0xaa: {  	[tilespmem:$0x1F870] =	vst v0;
	v0 =	vld [tilespmem:s24+$0x88B0]  }
0xab: {  	[tilespmem:$0x1F970] =	vst v1;
	v1 =	vld [tilespmem:s24+$0x86B0]  }
0xac: {  	v7 =	vld [tilespmem:s24+$0x9C0]  }
0xad: {  	v49 =	vld [tilespmem:s24+$0x8810]  }
0xae: {  	v28 =	vld [tilespmem:s24+$0x8840]  }
0xaf: {  	[tilespmem:$0x1F880] =	vst v0;
	v0 =	vld [tilespmem:s24+$0x10870]  }
0xb0: {  	[tilespmem:$0x1FAF0] =	vst v1;
	v1 =	vld [tilespmem:s24+$0x86E0]  }
0xb1: {  	v48 =	vld [tilespmem:s24+$0x10800]  }
0xb2: {  	v60 =	vld [tilespmem:s24+$0x87D0]  }
0xb3: {  	v36 =	vld [tilespmem:s24+$0x8800]  }
0xb4: {  	[tilespmem:$0x1F8C0] =	vst v0;
	v0 =	vld [tilespmem:s24+$0x8870]  }
0xb5: {  	[tilespmem:$0x1FA40] =	vst v1;
	v1 =	vld [tilespmem:s24+$0x8710]  }
0xb6: {  	v16 =	vld [tilespmem:s24+$0x930]  }
0xb7: {  	v9 =	vld [tilespmem:s24+$0x960]  }
0xb8: {  	v4 =	vld [tilespmem:s24+$0x990]  }
0xb9: {  	[tilespmem:$0x1F890] =	vst v0;
	v0 =	vld [tilespmem:s24+$0x10830]  }
0xba: {  	[tilespmem:$0x1F9E0] =	vst v1;
	v1 =	vld [tilespmem:s24+$0x10630]  }
0xbb: {  	v46 =	vld [tilespmem:s24+$0x87C0]  }
0xbc: {  	v58 =	vld [tilespmem:s24+$0x10780]  }
0xbd: {  	v53 =	vld [tilespmem:s24+$0x8780]  }
0xbe: {  	[tilespmem:$0x1F8F0] =	vst v0;
	v0 =	vld [tilespmem:s24+$0x10860]  }
0xbf: {  	[tilespmem:$0x1FB80] =	vst v1;
	v1 =	vld [tilespmem:s24+$0x106A0]  }
0xc0: {  	v22 =	vld [tilespmem:s24+$0x8F0]  }
0xc1: {  	v5 =	vld [tilespmem:s24+$0x10700]  }
0xc2: {  	v2 =	vld [tilespmem:s24+$0x980]  }
0xc3: {  	[tilespmem:$0x1F8A0] =	vst v0;
	v0 =	vld [tilespmem:s24+$0x9D0]  }
0xc4: {  	[tilespmem:$0x1FB00] =	vst v1;
	v1 =	vld [tilespmem:s24+$0x106D0]  }
0xc5: {  	v10 =	vld [tilespmem:s24+$0x920]  }
0xc6: {  	[tilespmem:$0x1FBA0] =	vst v5;
	v5 =	vld [tilespmem:s24+$0x8630]  }
0xc7: {  	[tilespmem:$0x1FB50] =	vst v7;
	v61 =	vmul.f32 v61, v7;
	v7 =	vld [tilespmem:s24+$0x8670]  }
0xc8: {  	v8 =	vmul.f32 v8, v2;
	[tilespmem:$0x1FAC0] =	vst v0;
	v21 =	vmul.f32 v21, v0;
	v0 =	vld [tilespmem:s24+$0x86A0]  }
0xc9: {  	[tilespmem:$0x1FA50] =	vst v1;
	v1 =	vld [tilespmem:s24+$0x940]  }
0xca: {  	v3 =	vld [tilespmem:s24+$0x950];
	[tilespmem:$0x1FA90] =	vst v11;
	v12 =	vmul.f32 v12, v4;
	v8 =	vadd.f32 $0.0e+00, v8  }
0xcb: {  	v56 =	vld [tilespmem:s24+$0x8740];
	v2 =	vmul.f32 v15, v2;
	v61 =	vadd.f32 $0.0e+00, v61;
	[tilespmem:$0x1FB60] =	vst v5  }
0xcc: {  	v4 =	vmul.f32 v17, v4;
	v8 =	vadd.f32 v12, v8;
	v12 =	vmul.f32 v24, v6;
	v5 =	vld [tilespmem:s24+$0x900];
	[tilespmem:$0x1FB90] =	vst v7  }
0xcd: {  	v17 =	vmul.f32 v30, v18;
	v7 =	vld [tilespmem:s24+$0x910];
	v61 =	vadd.f32 v21, v61;
	[tilespmem:$0x1FAD0] =	vst v0;
	v0 =	vmul.f32 v27, v11  }
0xce: {  	v8 =	vadd.f32 v12, v8;
	[tilespmem:$0x1FC20] =	vst v1;
	v11 =	vmul.f32 v14, v1;
	v1 =	vadd.f32 $0.0e+00, v2;
	v2 =	vld [tilespmem:s24+$0x10620]  }
0xcf: {  	v30 =	vld [tilespmem:s24+$0x8B0];
	v12 =	vmul.f32 v63, v50;
	v0 =	vadd.f32 v0, v61  }
0xd0: {  	v63 =	vadd.f32 v17, v8;
	v8 =	vld [tilespmem:s24+$0x8E0]  }
0xd1: {  	[tilespmem:$0x1FA30] =	vst v50;
	v15 =	vmul.f32 v20, v3;
	v17 =	vld [tilespmem:s24+$0x106C0];
	v50 =	vadd.f32 v12, v0  }
0xd2: {  	v14 =	vld [tilespmem:s24+$0x8C0];
	v11 =	vadd.f32 $0.0e+00, v11;
	v0 =	vadd.f32 v4, v1;
	v1 =	vmul.f32 v19, v5  }
0xd3: {  	v12 =	vmul.f32 v26, v7;
	v4 =	vmul.f32 v35, v6;
	[tilespmem:$0x1FB70] =	vst v2;
	v2 =	vld [tilespmem:s24+$0x10690]  }
0xd4: {  	v61 =	vld [tilespmem:s24+$0x8D0];
	v6 =	vadd.f32 v15, v11;
	v11 =	vmul.f32 v40, v9;
	v1 =	vadd.f32 $0.0e+00, v1  }
0xd5: {  	[tilespmem:$0x1FBF0] =	vst v3;
	v3 =	vmul.f32 v31, v7;
	v21 =	vld [tilespmem:s24+$0x8700];
	v0 =	vadd.f32 v4, v0;
	v4 =	vmul.f32 v45, v18  }
0xd6: {  	[tilespmem:$0x1FBC0] =	vst v9;
	v27 =	vld [tilespmem:s24+$0x86D0];
	v9 =	vmul.f32 v42, v13;
	v6 =	vadd.f32 v11, v6;
	v1 =	vadd.f32 v12, v1  }
0xd7: {  	v7 =	vld [tilespmem:s24+$0x860];
	v12 =	vmul.f32 v34, v10;
	v11 =	vadd.f32 v4, v0;
	v0 =	vmul.f32 v23, v14  }
0xd8: {  	v15 =	vld [tilespmem:s24+$0x880];
	v4 =	vmul.f32 v47, v16;
	v40 =	vadd.f32 v9, v6;
	[tilespmem:$0x1FAE0] =	vst v2;
	v2 =	vmul.f32 v25, v5  }
0xd9: {  	[tilespmem:$0x1FB20] =	vst v13;
	v13 =	vld [tilespmem:s24+$0x890];
	v1 =	vadd.f32 v12, v1;
	v0 =	vadd.f32 $0.0e+00, v0;
	v9 =	vmul.f32 v33, v61  }
0xda: {  	v42 =	vld [tilespmem:s24+$0x8A0];
	v2 =	vadd.f32 $0.0e+00, v2  }
0xdb: {  	v23 =	vld [tilespmem:s24+$0x820];
	v5 =	vadd.f32 v4, v1;
	v0 =	vadd.f32 v9, v0;
	v1 =	vmul.f32 v43, v8  }
0xdc: {  	v6 =	vld [tilespmem:s24+$0x840];
	v2 =	vadd.f32 v3, v2;
	v3 =	vmul.f32 v44, v10  }
0xdd: {  	v14 =	vmul.f32 v29, v14;
	v12 =	vld [tilespmem:s24+$0x850];
	v9 =	vmul.f32 v39, v61;
	v0 =	vadd.f32 v1, v0  }
0xde: {  	v61 =	vmovc v15;
	v1 =	vmul.f32 v32, v15;
	v15 =	vld [tilespmem:s24+$0x800];
	v2 =	vadd.f32 v3, v2;
	v3 =	vmul.f32 v55, v16  }
0xdf: {  	v10 =	vld [tilespmem:$0x1F870]  }
0xe0: {  	v55 =	vld [tilespmem:s24+$0x8620];
	v4 =	vadd.f32 v3, v2;
	v2 =	vadd.f32 $0.0e+00, v14  }
0xe1: {  	v16 =	vld [tilespmem:s24+$0x8660];
	v14 =	vmul.f32 v57, v22  }
0xe2: {  	v3 =	vld [tilespmem:s24+$0x870];
	v2 =	vadd.f32 v9, v2;
	v9 =	vmul.f32 v54, v8  }
0xe3: {  	v8 =	vadd.f32 v14, v0;
	v14 =	vld [tilespmem:s24+$0x810]  }
0xe4: {  	v9 =	vadd.f32 v9, v2;
	v2 =	vld [tilespmem:s24+$0x8690]  }
0xe5: {  	v19 =	vmul.f32 v28, v6;
	v24 =	vld [tilespmem:s24+$0x830]  }
0xe6: {  	v0 =	vadd.f32 $0.0e+00, v1;
	v1 =	vmul.f32 v41, v13;
	v54 =	vmov v13;
	v13 =	vld [tilespmem:$0x1F890]  }
0xe7: {  	v20 =	vmul.f32 v37, v12;
	v19 =	vadd.f32 $0.0e+00, v19;
	_ =	sdelay $0x1  }
0xe8: {  	v19 =	vadd.f32 v20, v19;
	v20 =	vmul.f32 v59, v42;
	v0 =	vadd.f32 v1, v0;
	_ =	sdelay $0x1  }
0xe9: {  	v0 =	vadd.f32 v20, v0;
	v20 =	vmul.f32 v13, v3;
	v13 =	vld [tilespmem:$0x1F8A0];
	_ =	sdelay $0x1  }
0xea: {  	v6 =	vmul.f32 v38, v6;
	v10 =	vmul.f32 v10, v22;
	_ =	sdelay $0x1  }
0xeb: {  	v6 =	vadd.f32 $0.0e+00, v6;
	v1 =	vadd.f32 v10, v9;
	v9 =	vmul.f32 v51, v12  }
0xec: {  	v22 =	vmul.f32 v52, v7;
	v7 =	vmul.f32 v13, v7;
	v13 =	vld [tilespmem:$0x1F8C0]  }
0xed: {  	v6 =	vadd.f32 v9, v6;
	v9 =	vld [tilespmem:$0x1F880];
	_ =	sdelay $0x1  }
0xee: {  	v12 =	vmul.f32 v36, v15  }
0xef: {  	v10 =	vadd.f32 v22, v19;
	v25 =	vmul.f32 v49, v14  }
0xf0: {  	v22 =	vadd.f32 $0.0e+00, v12;
	v6 =	vadd.f32 v7, v6;
	v3 =	vmul.f32 v13, v3  }
0xf1: {  	v9 =	vmul.f32 v9, v30  }
0xf2: {  	v7 =	vadd.f32 v25, v22;
	v22 =	vadd.f32 v3, v6;
	v6 =	vld [tilespmem:$0x1F8E0]  }
0xf3: {  	v12 =	vadd.f32 v9, v0;
	v0 =	vadd.f32 v20, v10;
	v9 =	vmul.f32 v48, v15;
	v10 =	vld [tilespmem:$0x1F8B0]  }
0xf4: {  	v39 =	vld [tilespmem:s24+$0x7C0]  }
0xf5: {  	v14 =	vmul.f32 v62, v14;
	v9 =	vadd.f32 $0.0e+00, v9;
	v13 =	vld [tilespmem:$0x1F8D0]  }
0xf6: {  	v26 =	vld [tilespmem:s24+$0x780]  }
0xf7: {  	v36 =	vld [tilespmem:s24+$0x7D0];
	v3 =	vadd.f32 v14, v9;
	v6 =	vmul.f32 v6, v23  }
0xf8: {  	v35 =	vld [tilespmem:s24+$0x7E0];
	v10 =	vmul.f32 v10, v23  }
0xf9: {  	v3 =	vadd.f32 v6, v3;
	v6 =	vld [tilespmem:$0x1F8F0]  }
0xfa: {  	v7 =	vadd.f32 v10, v7;
	v10 =	vmul.f32 v46, v39;
	v15 =	vmul.f32 v13, v24;
	v13 =	vld [tilespmem:$0x1F900];
	_ =	sdelay $0x1  }
0xfb: {  	v9 =	vmul.f32 v60, v36;
	v15 =	vadd.f32 v15, v7;
	v7 =	vadd.f32 $0.0e+00, v10;
	_ =	sdelay $0x1  }
0xfc: {  	v20 =	vld [tilespmem:s24+$0x790];
	v7 =	vadd.f32 v9, v7;
	v9 =	vmul.f32 v58, v26;
	v6 =	vmul.f32 v6, v24  }
0xfd: {  	v24 =	vmul.f32 v53, v26;
	v26 =	vmul.f32 v13, v35;
	v13 =	vld [tilespmem:$0x1F920]  }
0xfe: {  	v38 =	vmov v30;
	v30 =	vadd.f32 v6, v3;
	v6 =	vld [tilespmem:$0x1F910];
	_ =	sdelay $0x4  }
0xff: {  	v9 =	vadd.f32 $0.0e+00, v9;
	v6 =	vmul.f32 v6, v20;
	v20 =	vmul.f32 v13, v20  }
0x100: {  	v25 =	vld [tilespmem:s24+$0x7A0]  }
0x101: {  	v20 =	vadd.f32 v20, v9;
	v9 =	vld [tilespmem:$0x1F940]  }
0x102: {  	v10 =	vld [tilespmem:s24+$0x740]  }
0x103: {  	v13 =	vld [tilespmem:$0x1F970]  }
0x104: {  	v34 =	vld [tilespmem:s24+$0x7F0]  }
0x105: {  	v23 =	vld [tilespmem:s24+$0x7B0];
	v3 =	vadd.f32 $0.0e+00, v24  }
0x106: {  	v48 =	vmul.f32 v9, v25;
	v9 =	vld [tilespmem:$0x1F950]  }
0x107: {  	v3 =	vadd.f32 v6, v3;
	v6 =	vld [tilespmem:$0x1F930]  }
0x108: {  	v49 =	vmul.f32 v13, v10;
	v13 =	vld [tilespmem:$0x1F980];
	_ =	sdelay $0x2  }
0x109: {  	v25 =	vmul.f32 v9, v25  }
0x10a: {  	v28 =	vld [tilespmem:s24+$0x750];
	v7 =	vadd.f32 v26, v7;
	v6 =	vmul.f32 v6, v34  }
0x10b: {  	v20 =	vadd.f32 v25, v20;
	v25 =	vmul.f32 v13, v23;
	v13 =	vld [tilespmem:$0x1F990]  }
0x10c: {  	v37 =	vadd.f32 v6, v7;
	v7 =	vld [tilespmem:$0x1F960];
	_ =	sdelay $0x2  }
0x10d: {  	v62 =	vld [tilespmem:s24+$0x770];
	v31 =	vmul.f32 v56, v10  }
0x10e: {  	v23 =	vmul.f32 v13, v23;
	v13 =	vld [tilespmem:$0x1F9D0]  }
0x10f: {  	v6 =	vadd.f32 $0.0e+00, v31;
	v7 =	vmul.f32 v7, v28;
	_ =	sdelay $0x1  }
0x110: {  	v7 =	vadd.f32 v7, v6;
	v6 =	vld [tilespmem:$0x1F9A0]  }
0x111: {  	v10 =	vld [tilespmem:s24+$0x710]  }
0x112: {  	v3 =	vadd.f32 v48, v3;
	v53 =	vmul.f32 v13, v62;
	v13 =	vld [tilespmem:$0x1F9E0]  }
0x113: {  	v26 =	vld [tilespmem:s24+$0x760]  }
0x114: {  	v25 =	vadd.f32 v25, v3;
	v3 =	vld [tilespmem:$0x1F9C0]  }
0x115: {  	v28 =	vmul.f32 v6, v28;
	v6 =	vld [tilespmem:$0x1F9B0];
	_ =	sdelay $0x1  }
0x116: {  	v56 =	vmul.f32 v13, v10;
	v13 =	vld [tilespmem:$0x1F9F0]  }
0x117: {  	v33 =	vadd.f32 $0.0e+00, v49;
	v9 =	vld [tilespmem:s24+$0x700];
	_ =	sdelay $0x1  }
0x118: {  	v28 =	vadd.f32 v28, v33;
	v52 =	vmul.f32 v6, v26;
	v26 =	vmul.f32 v3, v26  }
0x119: {  	v6 =	vld [tilespmem:s24+$0x720]  }
0x11a: {  	v26 =	vadd.f32 v26, v28;
	v28 =	vmul.f32 v13, v62;
	v13 =	vld [tilespmem:$0x1FA00]  }
0x11b: {  	v21 =	vmul.f32 v21, v9;
	_ =	sdelay $0x1  }
0x11c: {  	v21 =	vadd.f32 $0.0e+00, v21;
	v7 =	vadd.f32 v52, v7;
	_ =	sdelay $0x1  }
0x11d: {  	v33 =	vadd.f32 v53, v7;
	v7 =	vadd.f32 v56, v21;
	v21 =	vmul.f32 v13, v6  }
0x11e: {  	v3 =	vld [tilespmem:s24+$0x730]  }
0x11f: {  	v21 =	vadd.f32 v21, v7;
	v7 =	vld [tilespmem:$0x1FA10]  }
0x120: {  	v57 =	vld [tilespmem:s24+$0x6E0]  }
0x121: {  	v59 =	vld [tilespmem:s24+$0x680]  }
0x122: {  	v19 =	vld [tilespmem:s24+$0x86C0]  }
0x123: {  	v13 =	vld [tilespmem:$0x1FA30]  }
0x124: {  	v62 =	vmul.f32 v7, v3;
	v7 =	vld [tilespmem:$0x1FA20]  }
0x125: {  	v51 =	vld [tilespmem:s24+$0x6C0]  }
0x126: {  	(xrf2) =	vadd.scan.msk.f32 $0xffff, v50;
	v29 =	vld [tilespmem:s24+$0x6A0]  }
0x127: {  	(xrf2) =	vadd.scan.msk.f32 $0xffff, v63;
	v20 =	vadd.f32 v23, v20;
	v23 =	vld [tilespmem:s24+$0x6D0]  }
0x128: {  	v50 =	vld [tilespmem:s24+$0x600];
	(xrf2) =	vadd.scan.msk.f32 $0xffff, v11  }
0x129: {  	(xrf2) =	vadd.scan.msk.f32 $0xffff, v40;
	v7 =	vmul.f32 v7, v13;
	v13 =	vld [tilespmem:$0x1FA40]  }
0x12a: {  	v11 =	vld [tilespmem:$0x1FA70];
	(xrf2) =	vadd.scan.msk.f32 $0xffff, v5;
	v19 =	vmul.f32 v19, v51  }
0x12b: {  	(xrf2) =	vadd.scan.msk.f32 $0xffff, v4;
	v4 =	vld [tilespmem:$0x1FAB0]  }
0x12c: {  	(xrf2) =	vadd.scan.msk.f32 $0xffff, v8;
	v8 =	vld [tilespmem:$0x1FAE0];
	v19 =	vadd.f32 $0.0e+00, v19;
	v26 =	vadd.f32 v28, v26;
	v28 =	vmul.f32 v27, v23  }
0x12d: {  	v18 =	vmul.f32 v17, v51;
	v17 =	vld [tilespmem:$0x1FAA0]  }
0x12e: {  	v19 =	vadd.f32 v28, v19;
	v28 =	vmul.f32 v13, v57;
	v13 =	vld [tilespmem:$0x1FA50]  }
0x12f: {  	(xrf2) =	vadd.scan.msk.f32 $0xffff, v1;
	v1 =	vld [tilespmem:$0x1FAF0]  }
0x130: {  	v60 =	vld [tilespmem:s24+$0x8610]  }
0x131: {  	v31 =	vld [tilespmem:s24+$0x8680]  }
0x132: {  	v58 =	vld [tilespmem:s24+$0x6F0]  }
0x133: {  	v18 =	vadd.f32 $0.0e+00, v18;
	v24 =	vld [tilespmem:s24+$0x10680];
	v23 =	vmul.f32 v13, v23  }
0x134: {  	v48 =	vld [tilespmem:s24+$0x690]  }
0x135: {  	v13 =	vld [tilespmem:$0x1FA60];
	v18 =	vadd.f32 v23, v18;
	v23 =	vmul.f32 v11, v57  }
0x136: {  	v27 =	vmul.f32 v31, v59;
	v31 =	vld [tilespmem:s24+$0x6B0]  }
0x137: {  	v18 =	vadd.f32 v23, v18;
	v23 =	vmul.f32 v17, v58;
	v17 =	vld [tilespmem:$0x1FAC0]  }
0x138: {  	v5 =	vmul.f32 v24, v59;
	v24 =	vld [tilespmem:s24+$0x610]  }
0x139: {  	v11 =	vld [tilespmem:$0x1FA80]  }
0x13a: {  	v19 =	vadd.f32 v28, v19;
	v28 =	vmul.f32 v13, v58;
	v13 =	vld [tilespmem:$0x1FA90]  }
0x13b: {  	v51 =	vmul.f32 v1, v31;
	v1 =	vld [tilespmem:$0x1FB00]  }
0x13c: {  	v5 =	vadd.f32 $0.0e+00, v5;
	v8 =	vmul.f32 v8, v48;
	v4 =	vmul.f32 v4, v17;
	v17 =	vld [tilespmem:$0x1FAD0]  }
0x13d: {  	v49 =	vld [tilespmem:s24+$0x8600]  }
0x13e: {  	v2 =	vmul.f32 v2, v48;
	v5 =	vadd.f32 v8, v5;
	v8 =	vld [tilespmem:$0x1FB20];
	v18 =	vadd.f32 v23, v18  }
0x13f: {  	v23 =	vld [tilespmem:s24+$0x620];
	v13 =	vmul.f32 v11, v13;
	v11 =	vadd.f32 v28, v19;
	v19 =	vadd.f32 $0.0e+00, v27  }
0x140: {  	v27 =	vld [tilespmem:s24+$0x10600]  }
0x141: {  	v2 =	vadd.f32 v2, v19;
	v19 =	vmul.f32 v17, v29;
	v29 =	vmul.f32 v1, v29;
	v1 =	vld [tilespmem:$0x1FB10]  }
0x142: {  	v17 =	vld [tilespmem:$0x1FB30]  }
0x143: {  	v2 =	vadd.f32 v19, v2;
	v19 =	vmul.f32 v49, v50  }
0x144: {  	(xrf2) =	vadd.scan.msk.f32 $0xffff, v12  }
0x145: {  	(xrf2) =	vadd.scan.msk.f32 $0xffff, v0;
	v5 =	vadd.f32 v29, v5;
	v0 =	vadd.f32 $0.0e+00, v19;
	v19 =	vmul.f32 v60, v24  }
0x146: {  	v12 =	vld [tilespmem:s24+$0x640];
	v32 =	vadd.f32 v51, v2;
	v2 =	vmul.f32 v27, v50;
	v1 =	vmul.f32 v1, v8;
	v8, _, _ =	vpop (xrf2);
	(xrf2) =	vadd.scan.msk.f32 $0xffff, v22  }
0x147: {  	v14 =	vld [tilespmem:s24+$0x10610];
	v27 =	vmul.f32 v17, v31;
	v29, _, _ =	vpop (xrf2);
	(xrf2) =	vadd.scan.msk.f32 $0xffff, v15;
	v15 =	vadd.f32 v19, v0;
	v19 =	vmul.f32 v55, v23  }
0x148: {  	v52 =	vld [tilespmem:s24+$0x630]  }
0x149: {  	v27 =	vadd.f32 v27, v5;
	v5 =	vadd.f32 v19, v15;
	v15 =	vld [tilespmem:$0x1FB60]  }
0x14a: {  	v53 =	vld [tilespmem:s24+$0x8650]  }
0x14b: {  	v58 =	vld [tilespmem:s24+$0x10660]  }
0x14c: {  	v14 =	vmul.f32 v14, v24;
	v17 =	vld [tilespmem:$0x1FB50];
	v2 =	vadd.f32 $0.0e+00, v2  }
0x14d: {  	v0 =	vld [tilespmem:$0x1FB40]  }
0x14e: {  	v14 =	vadd.f32 v14, v2;
	v2 =	vld [tilespmem:$0x1FB70];
	v15 =	vmul.f32 v15, v52  }
0x14f: {  	v28 =	vld [tilespmem:s24+$0x8640]  }
0x150: {  	v15 =	vadd.f32 v15, v5;
	v5 =	vld [tilespmem:$0x1FB80]  }
0x151: {  	v24 =	vld [tilespmem:s24+$0x660]  }
0x152: {  	v22 =	vld [tilespmem:s24+$0x650];
	v56 =	vmul.f32 v0, v17;
	v0, _, _ =	vpop (xrf2);
	(xrf2) =	vadd.scan.msk.f32 $0xffff, v30  }
0x153: {  	v31 =	vld [tilespmem:s24+$0x10640];
	v30, _, _ =	vpop (xrf2);
	(xrf2) =	vadd.scan.msk.f32 $0xffff, v37;
	v23 =	vmul.f32 v2, v23  }
0x154: {  	v17 =	vld [tilespmem:$0x1FBA0];
	v57, _, _ =	vpop (xrf2);
	(xrf2) =	vadd.scan.msk.f32 $0xffff, v25  }
0x155: {  	v19 =	vmul.f32 v28, v12;
	v28 =	vld [tilespmem:s24+$0x10650];
	v2, _, _ =	vpop (xrf2);
	(xrf2) =	vadd.scan.msk.f32 $0xffff, v20;
	v14 =	vadd.f32 v23, v14;
	v23 =	vmul.f32 v5, v52  }
0x156: {  	v21 =	vadd.f32 v62, v21;
	v59, _, _ =	vpop (xrf2);
	(xrf2) =	vadd.scan.msk.f32 $0xffff, v33  }
0x157: {  	v5, _, _ =	vpop (xrf2);
	(xrf2) =	vadd.scan.msk.f32 $0xffff, v26  }
0x158: {  	v19 =	vadd.f32 $0.0e+00, v19;
	v12 =	vmul.f32 v31, v12;
	v31 =	vld [tilespmem:s24+$0x10710];
	v20 =	vmul.f32 v53, v22;
	v26, _, _ =	vpop (xrf2);
	(xrf2) =	vadd.scan.msk.f32 $0xffff, v21  }
0x159: {  	v16 =	vmul.f32 v16, v24;
	v9 =	vmul.f32 v17, v9;
	v17 =	vld [tilespmem:$0x1FBC0];
	v14 =	vadd.f32 v23, v14;
	(xrf2) =	vadd.scan.msk.f32 $0xffff, v11;
	v23, _, _ =	vpop (xrf2)  }
0x15a: {  	v19 =	vadd.f32 v20, v19;
	v21 =	vmul.f32 v28, v22;
	v28, _, _ =	vpop (xrf2);
	(xrf2) =	vadd.scan.msk.f32 $0xffff, v18;
	v18 =	vmul.f32 v58, v24;
	v24 =	vld [tilespmem:$0x1FBB0]  }
0x15b: {  	v25 =	vld [tilespmem:s24+$0x670]  }
0x15c: {  	v11 =	vadd.f32 v16, v19;
	v16 =	vld [tilespmem:$0x1FB90];
	_ =	sdelay $0x1  }
0x15d: {  	v20 =	vld [tilespmem:s24+$0x10670]  }
0x15e: {  	v24 =	vmul.f32 v24, v17;
	v17 =	vld [tilespmem:$0x1FBD0]  }
0x15f: {  	v12 =	vadd.f32 $0.0e+00, v12;
	v22 =	vld [tilespmem:s24+$0x10720];
	v60, _, _ =	vpop (xrf2);
	(xrf2) =	vadd.scan.msk.f32 $0xffff, v32  }
0x160: {  	v10 =	vmul.f32 v31, v10;
	v19 =	vld [tilespmem:s24+$0x107D0];
	v16 =	vmul.f32 v16, v25;
	v31, _, _ =	vpop (xrf2);
	(xrf2) =	vadd.scan.msk.f32 $0xffff, v27  }
0x161: {  	v12 =	vadd.f32 v21, v12;
	v27, _, _ =	vpop (xrf2);
	(xrf2) =	vadd.scan.msk.f32 $0xffff, v15;
	v15 =	vld [tilespmem:$0x1FBE0]  }
0x162: {  	v11 =	vadd.f32 v16, v11;
	v16 =	vld [tilespmem:s24+$0x107E0]  }
0x163: {  	v12 =	vadd.f32 v18, v12;
	v18 =	vmul.f32 v20, v25;
	v20 =	vmul.f32 v17, v39;
	v17 =	vld [tilespmem:$0x1FBF0]  }
0x164: {  	v6 =	vmul.f32 v22, v6  }
0x165: {  	v22, _, _ =	vpop (xrf2);
	(xrf2) =	vadd.scan.msk.f32 $0xffff, v14;
	v12 =	vadd.f32 v18, v12;
	v18 =	vmul.f32 v19, v36;
	v14 =	vadd.f32 $0.0e+00, v20  }
0x166: {  	v9 =	vadd.f32 $0.0e+00, v9  }
0x167: {  	v21 =	vld [tilespmem:s24+$0x10730];
	v16 =	vmul.f32 v16, v35;
	v14 =	vadd.f32 v18, v14  }
0x168: {  	v9 =	vadd.f32 v10, v9;
	v15 =	vmul.f32 v15, v17;
	v17 =	vld [tilespmem:$0x1FC20]  }
0x169: {  	v14 =	vadd.f32 v16, v14;
	v16 =	vld [tilespmem:$0x1FC10]  }
0x16a: {  	v6 =	vadd.f32 v6, v9;
	v9 =	vld [tilespmem:$0x1FC00]  }
0x16b: {  	v10 =	vld [tilespmem:s24+$0x107F0]  }
0x16c: {  	v25 =	vld [tilespmem:s24+$0x10890]  }
0x16d: {  	v3 =	vmul.f32 v21, v3;
	v19 =	vld [tilespmem:s24+$0x108A0]  }
0x16e: {  	v20, _, _ =	vpop (xrf2);
	(xrf2) =	vadd.scan.msk.f32 $0xffff, v11;
	v16 =	vmul.f32 v16, v17;
	v17 =	vld [tilespmem:$0x1FC30]  }
0x16f: {  	v3 =	vadd.f32 v3, v6;
	v9 =	vmul.f32 v9, v61;
	v11, _, _ =	vpop (xrf2);
	(xrf2) =	vadd.scan.msk.f32 $0xffff, v12  }
0x170: {  	v10 =	vmul.f32 v10, v34;
	v12, _, _ =	vpop (xrf2)  }
0x171: {  	v6 =	vadd.f32 $0.0e+00, v9;
	v9 =	vmul.f32 v25, v54;
	v21, _, _ =	vpop (xrf2)  }
0x172: {  	v25, _, _ =	vpop (xrf2);
	v10 =	vadd.f32 v10, v14  }
0x173: {  	v6 =	vadd.f32 v9, v6;
	v9 =	vmul.f32 v19, v42;
	(xrf2) =	vadd.scan.msk.f32 $0xffff, v3;
	v3, _, _ =	vpop (xrf2);
	v17 =	vmul.f32 v17, v38  }
0x174: {  	v41 =	vadd.f32 $0.0e+00, v56;
	v19, _, _ =	vpop (xrf2);
	v14 =	vadd.f32 $0.0e+00, v16  }
0x175: {  	v6 =	vadd.f32 v9, v6;
	v16 =	vbroadcast v30, $0xF;
	v30, _, _ =	vpop (xrf2)  }
0x176: {  	v4 =	vadd.f32 v4, v41;
	(xrf2) =	vadd.scan.msk.f32 $0xffff, v10;
	v10, _, _ =	vpop (xrf2);
	v14 =	vadd.f32 v15, v14  }
0x177: {  	v26 =	vbroadcast v26, $0xF;
	v23 =	vbroadcast v23, $0xF;
	v6 =	vadd.f32 v17, v6;
	v17, _, _ =	vpop (xrf2)  }
0x178: {  	v22 =	vbroadcast v22, $0xF;
	v18 =	vbroadcast v29, $0xF;
	v14 =	vadd.f32 v24, v14;
	v24, _, _ =	vpop (xrf2)  }
0x179: {  	v4 =	vadd.f32 v13, v4;
	v9 =	vbroadcast v59, $0xF;
	v29 =	vbroadcast v57, $0xF;
	v13, _, _ =	vpop (xrf2)  }
0x17a: {  	v21 =	vbroadcast v21, $0xF;
	v13 =	vbroadcast v13, $0xF  }
0x17b: {  	v4 =	vadd.f32 v7, v4;
	(xrf2) =	vadd.scan.msk.f32 $0xffff, v6;
	v6 =	vbroadcast v10, $0xF;
	v10 =	vbroadcast v24, $0xF  }
0x17c: {  	v19 =	vbroadcast v19, $0xF;
	v1 =	vadd.f32 v1, v14;
	v14 =	vbroadcast v17, $0xF  }
0x17d: {  	v7 =	vbroadcast v30, $0xF;
	v6 =	vsel vm0, v6, v10;
	v10 =	vbroadcast v25, $0xF  }
0x17e: {  	v3 =	vbroadcast v3, $0xF;
	(xrf2) =	vadd.scan.msk.f32 $0xffff, v1;
	v1 =	vsel vm0, v14, v13;
	v6 =	vsel vm1, v6, v19;
	v13, _, _ =	vpop (xrf2)  }
0x17f: {  	v1 =	vsel vm1, v1, v7;
	v6 =	vsel vm2, v6, v10;
	v7 =	vbroadcast v13, $0xF  }
0x180: {  	v11 =	vbroadcast v11, $0xF;
	v1 =	vsel vm2, v1, v3;
	v3 =	vsel vm3, v6, v21  }
0x181: {  	v6 =	vbroadcast v12, $0xF;
	v1 =	vsel vm3, v1, v7;
	v7 =	vbroadcast v20, $0xF  }
0x182: {  	v15 =	vbroadcast v27, $0xF;
	v27 =	vbroadcast v60, $0xF;
	v3 =	vsel vm4, v3, v11;
	v10, _, _ =	vpop (xrf2)  }
0x183: {  	(xrf2) =	vadd.scan.msk.f32 $0xffff, v4;
	v3 =	vsel vm5, v3, v22;
	v4 =	vbroadcast v10, $0xF;
	v1 =	vsel vm4, v1, v6  }
0x184: {  	v3 =	vsel vm6, v3, v15;
	v6 =	vbroadcast v31, $0xF;
	v1 =	vsel vm5, v1, v7  }
0x185: {  	v3 =	vsel vm7, v3, v27;
	v1 =	vsel vm6, v1, v4;
	v4 =	vbroadcast v28, $0xF;
	v7, _, _ =	vpop (xrf2)  }
0x186: {  	v3 =	vsel vm8, v3, v23;
	v1 =	vsel vm7, v1, v6;
	v6 =	vbroadcast v7, $0xF  }
0x187: {  	v3 =	vsel vm9, v3, v26;
	v1 =	vsel vm8, v1, v4;
	v4 =	vbroadcast v5, $0xF  }
0x188: {  	v2 =	vbroadcast v2, $0xF;
	v3 =	vsel vm10, v3, v9;
	v1 =	vsel vm9, v1, v6  }
0x189: {  	v3 =	vsel vm11, v3, v29;
	v1 =	vsel vm10, v1, v4  }
0x18a: {  	v5, _, _ =	vpop (xrf2);
	v1 =	vsel vm11, v1, v2;
	v2 =	vsel vm12, v3, v16  }
0x18b: {  	v4 =	vbroadcast v5, $0xF;
	v2 =	vsel vm13, v2, v18  }
0x18c: {  	v0 =	vbroadcast v0, $0xF  }
0x18d: {  	v1 =	vsel vm12, v1, v4  }
0x18e: {  	v0 =	vsel vm13, v1, v0;
	v1 =	vsel vm14, v2, v8;
	v2, _, _ =	vpop (xrf2)  }
0x18f: {  	[tilespmem:s18+$0x0] =	vst v1;
	v0 =	vsel vm14, v0, v2  }
0x190: {  	s21 =	simm.s32 $0x400;
	[tilespmem:s19+$0x0] =	vst v0  }
0x191: {  	v0 =	vld [tilespmem:s21+$0x109F0];
	_ =	sdelay $0x4  }
0x192: {  	[tilespmem:$0x1FF10] =	vst v0;
	v0 =	vld [tilespmem:s21+$0x109E0];
	_ =	sdelay $0x4  }
0x193: {  	[tilespmem:$0x1FF60] =	vst v0;
	v0 =	vld [tilespmem:s21+$0x109D0];
	_ =	sdelay $0x4  }
0x194: {  	[tilespmem:$0x1FFA0] =	vst v0;
	v0 =	vld [tilespmem:s21+$0x10970];
	_ =	sdelay $0x4  }
0x195: {  	[tilespmem:$0x1FFE0] =	vst v0;
	v0 =	vld [tilespmem:s21+$0x109C0];
	_ =	sdelay $0x4  }
0x196: {  	[tilespmem:$0x1FC40] =	vst v0;
	v0 =	vld [tilespmem:s21+$0x10960];
	_ =	sdelay $0x4  }
0x197: {  	[tilespmem:$0x1FC50] =	vst v0;
	v0 =	vld [tilespmem:s21+$0x108F0];
	_ =	sdelay $0x4  }
0x198: {  	[tilespmem:$0x1FD40] =	vst v0;
	v0 =	vld [tilespmem:s21+$0x10950];
	_ =	sdelay $0x4  }
0x199: {  	[tilespmem:$0x1FC60] =	vst v0;
	v0 =	vld [tilespmem:s21+$0x108B0];
	_ =	sdelay $0x4  }
0x19a: {  	[tilespmem:$0x1FC70] =	vst v0;
	v0 =	vld [tilespmem:s21+$0x10940];
	_ =	sdelay $0x4  }
0x19b: {  	[tilespmem:$0x1FC80] =	vst v0;
	v0 =	vld [tilespmem:s21+$0x88B0];
	_ =	sdelay $0x4  }
0x19c: {  	[tilespmem:$0x1FD50] =	vst v0;
	v0 =	vld [tilespmem:s21+$0x10870];
	_ =	sdelay $0x4  }
0x19d: {  	[tilespmem:$0x1FD90] =	vst v0;
	v0 =	vld [tilespmem:s21+$0x8870];
	_ =	sdelay $0x4  }
0x19e: {  	[tilespmem:$0x1FD60] =	vst v0;
	v0 =	vld [tilespmem:s21+$0x10830];
	_ =	sdelay $0x4  }
0x19f: {  	[tilespmem:$0x1FDC0] =	vst v0;
	v0 =	vld [tilespmem:s21+$0x10860];
	_ =	sdelay $0x4  }
0x1a0: {  	[tilespmem:$0x1FD70] =	vst v0;
	v0 =	vld [tilespmem:s21+$0x8830];
	_ =	sdelay $0x4  }
0x1a1: {  	[tilespmem:$0x1FDA0] =	vst v0;
	v0 =	vld [tilespmem:s21+$0x10820];
	_ =	sdelay $0x4  }
0x1a2: {  	[tilespmem:$0x1FDB0] =	vst v0;
	v0 =	vld [tilespmem:s21+$0x10880];
	_ =	sdelay $0x4  }
0x1a3: {  	[tilespmem:$0x1FC90] =	vst v0;
	v0 =	vld [tilespmem:s21+$0x87F0];
	_ =	sdelay $0x4  }
0x1a4: {  	[tilespmem:$0x1FE00] =	vst v0;
	v0 =	vld [tilespmem:s21+$0x8820];
	_ =	sdelay $0x4  }
0x1a5: {  	[tilespmem:$0x1FD80] =	vst v0;
	v0 =	vld [tilespmem:s21+$0x107B0];
	_ =	sdelay $0x4  }
0x1a6: {  	[tilespmem:$0x1FE60] =	vst v0;
	v0 =	vld [tilespmem:s21+$0x87B0];
	_ =	sdelay $0x4  }
0x1a7: {  	[tilespmem:$0x1FE50] =	vst v0;
	v0 =	vld [tilespmem:s21+$0x87E0];
	_ =	sdelay $0x4  }
0x1a8: {  	[tilespmem:$0x1FDD0] =	vst v0;
	v0 =	vld [tilespmem:s21+$0x10770];
	_ =	sdelay $0x4  }
0x1a9: {  	[tilespmem:$0x1FEC0] =	vst v0;
	v0 =	vld [tilespmem:s21+$0x107A0];
	_ =	sdelay $0x4  }
0x1aa: {  	[tilespmem:$0x1FE20] =	vst v0;
	v0 =	vld [tilespmem:s21+$0x8770];
	_ =	sdelay $0x4  }
0x1ab: {  	[tilespmem:$0x1FEA0] =	vst v0;
	v0 =	vld [tilespmem:s21+$0x87A0];
	_ =	sdelay $0x4  }
0x1ac: {  	[tilespmem:$0x1FE10] =	vst v0;
	v0 =	vld [tilespmem:s21+$0x10760];
	_ =	sdelay $0x4  }
0x1ad: {  	[tilespmem:$0x1FE90] =	vst v0;
	v0 =	vld [tilespmem:s21+$0x10790];
	_ =	sdelay $0x4  }
0x1ae: {  	[tilespmem:$0x1FDF0] =	vst v0;
	v0 =	vld [tilespmem:s21+$0x107C0];
	_ =	sdelay $0x4  }
0x1af: {  	[tilespmem:$0x1FCA0] =	vst v0;
	v0 =	vld [tilespmem:s21+$0x8730];
	_ =	sdelay $0x4  }
0x1b0: {  	[tilespmem:$0x1FF00] =	vst v0;
	v0 =	vld [tilespmem:s21+$0x8760];
	_ =	sdelay $0x4  }
0x1b1: {  	[tilespmem:$0x1FE80] =	vst v0;
	v0 =	vld [tilespmem:s21+$0x8790];
	_ =	sdelay $0x4  }
0x1b2: {  	[tilespmem:$0x1FDE0] =	vst v0;
	v0 =	vld [tilespmem:s21+$0x106F0];
	_ =	sdelay $0x4  }
0x1b3: {  	[tilespmem:$0x1FF90] =	vst v0;
	v0 =	vld [tilespmem:s21+$0x10750];
	_ =	sdelay $0x1  }
0x1b4: {  	v31 =	vld [tilespmem:s21+$0x89F0]  }
0x1b5: {  	v21 =	vld [tilespmem:s21+$0x89E0]  }
0x1b6: {  	v43 =	vld [tilespmem:s21+$0x109B0]  }
0x1b7: {  	[tilespmem:$0x1FE70] =	vst v0;
	v0 =	vld [tilespmem:s21+$0x86F0]  }
0x1b8: {  	v45 =	vld [tilespmem:s21+$0x89B0]  }
0x1b9: {  	v54 =	vld [tilespmem:s21+$0x89D0]  }
0x1ba: {  	v33 =	vld [tilespmem:s21+$0x109A0]  }
0x1bb: {  	v37 =	vld [tilespmem:s21+$0x8970]  }
0x1bc: {  	[tilespmem:$0x1FF50] =	vst v0;
	v0 =	vld [tilespmem:s21+$0x8720]  }
0x1bd: {  	v24 =	vld [tilespmem:s21+$0x89A0]  }
0x1be: {  	v10 =	vld [tilespmem:s21+$0x89C0]  }
0x1bf: {  	v52 =	vld [tilespmem:s21+$0x10930]  }
0x1c0: {  	v17 =	vld [tilespmem:s21+$0x10990]  }
0x1c1: {  	[tilespmem:$0x1FEE0] =	vst v0;
	v0 =	vld [tilespmem:s21+$0x8750]  }
0x1c2: {  	v20 =	vld [tilespmem:s21+$0x9F0]  }
0x1c3: {  	v46 =	vld [tilespmem:s21+$0x8930]  }
0x1c4: {  	v50 =	vld [tilespmem:s21+$0x8960]  }
0x1c5: {  	v13 =	vld [tilespmem:s21+$0x8990]  }
0x1c6: {  	[tilespmem:$0x1FE30] =	vst v0;
	v0 =	vld [tilespmem:s21+$0x106B0]  }
0x1c7: {  	v42 =	vld [tilespmem:s21+$0x10920]  }
0x1c8: {  	v14 =	vld [tilespmem:s21+$0x10980]  }
0x1c9: {  	v53 =	vld [tilespmem:s21+$0x88F0]  }
0x1ca: {  	v32 =	vld [tilespmem:s21+$0x8920]  }
0x1cb: {  	[tilespmem:$0x1FFF0] =	vst v0;
	v0 =	vld [tilespmem:s21+$0x106E0]  }
0x1cc: {  	v15 =	vld [tilespmem:s21+$0x8950]  }
0x1cd: {  	v8 =	vld [tilespmem:s21+$0x8980]  }
0x1ce: {  	v60 =	vld [tilespmem:s21+$0x108E0]  }
0x1cf: {  	v28 =	vld [tilespmem:s21+$0x10910]  }
0x1d0: {  	[tilespmem:$0x1FF40] =	vst v0;
	v0 =	vld [tilespmem:s21+$0x10740]  }
0x1d1: {  	v9 =	vld [tilespmem:s21+$0x9E0]  }
0x1d2: {  	v41 =	vld [tilespmem:s21+$0x88E0]  }
0x1d3: {  	v23 =	vld [tilespmem:s21+$0x8910]  }
0x1d4: {  	v11 =	vld [tilespmem:s21+$0x8940]  }
0x1d5: {  	[tilespmem:$0x1FE40] =	vst v0;
	v0 =	vld [tilespmem:s21+$0x86B0]  }
0x1d6: {  	v39 =	vld [tilespmem:s21+$0x108D0]  }
0x1d7: {  	v25 =	vld [tilespmem:s21+$0x10900]  }
0x1d8: {  	v59 =	vld [tilespmem:s21+$0x88A0]  }
0x1d9: {  	v30 =	vld [tilespmem:s21+$0x88D0]  }
0x1da: {  	[tilespmem:$0x1FFD0] =	vst v0;
	v0 =	vld [tilespmem:s21+$0x86E0]  }
0x1db: {  	v12 =	vld [tilespmem:s21+$0x8900]  }
0x1dc: {  	v27 =	vld [tilespmem:s21+$0x108C0]  }
0x1dd: {  	v18 =	vld [tilespmem:s21+$0x9B0]  }
0x1de: {  	v5 =	vld [tilespmem:s21+$0x9D0]  }
0x1df: {  	[tilespmem:$0x1FF20] =	vst v0;
	v0 =	vld [tilespmem:s21+$0x8710]  }
0x1e0: {  	v51 =	vld [tilespmem:s21+$0x8860]  }
0x1e1: {  	v40 =	vld [tilespmem:s21+$0x8890]  }
0x1e2: {  	v22 =	vld [tilespmem:s21+$0x88C0]  }
0x1e3: {  	v49 =	vld [tilespmem:s21+$0x10850]  }
0x1e4: {  	[tilespmem:$0x1FEB0] =	vst v0;
	v0 =	vld [tilespmem:s21+$0x10630]  }
0x1e5: {  	v36 =	vld [tilespmem:s21+$0x8850]  }
0x1e6: {  	v29 =	vld [tilespmem:s21+$0x8880]  }
0x1e7: {  	v7 =	vld [tilespmem:s21+$0x9A0]  }
0x1e8: {  	v4 =	vld [tilespmem:s21+$0x10700]  }
0x1e9: {  	[tilespmem:$0x1FCB0] =	vst v0;
	v0 =	vld [tilespmem:s21+$0x106A0]  }
0x1ea: {  	v2 =	vld [tilespmem:s21+$0x9C0]  }
0x1eb: {  	v3 =	vld [tilespmem:s21+$0x990]  }
0x1ec: {  	v1 =	vld [tilespmem:s21+$0x980]  }
0x1ed: {  	[tilespmem:$0x1FCC0] =	vst v4;
	v4 =	vld [tilespmem:s21+$0x8630]  }
0x1ee: {  	[tilespmem:$0x1FFC0] =	vst v0;
	v0 =	vld [tilespmem:s21+$0x106D0]  }
0x1ef: {  	v62 =	vld [tilespmem:s21+$0x960]  }
0x1f0: {  	v19 =	vld [tilespmem:s21+$0x8F0];
	v10 =	vmul.f32 v10, v2  }
0x1f1: {  	[tilespmem:$0x1FFB0] =	vst v5;
	v8 =	vmul.f32 v8, v1;
	v54 =	vmul.f32 v54, v5;
	v5 =	vld [tilespmem:s21+$0x86A0]  }
0x1f2: {  	[tilespmem:$0x1FCD0] =	vst v4;
	v4 =	vld [tilespmem:s21+$0x8670]  }
0x1f3: {  	v13 =	vmul.f32 v13, v3;
	v10 =	vadd.f32 $0.0e+00, v10;
	v8 =	vadd.f32 $0.0e+00, v8;
	[tilespmem:$0x1FF30] =	vst v0;
	v0 =	vld [tilespmem:s21+$0x940]  }
0x1f4: {  	v63 =	vld [tilespmem:s21+$0x950];
	v21 =	vmul.f32 v21, v9  }
0x1f5: {  	[tilespmem:$0x1FCE0] =	vst v2;
	v2 =	vld [tilespmem:s21+$0x900];
	v10 =	vadd.f32 v54, v10;
	v8 =	vadd.f32 v13, v8;
	v13 =	vmul.f32 v24, v7  }
0x1f6: {  	v1 =	vmul.f32 v14, v1;
	v3 =	vmul.f32 v17, v3;
	[tilespmem:$0x1FF80] =	vst v5;
	v5 =	vld [tilespmem:s21+$0x86D0]  }
0x1f7: {  	v10 =	vadd.f32 v21, v10;
	v8 =	vadd.f32 v13, v8;
	v13 =	vmul.f32 v31, v20;
	[tilespmem:$0x1FCF0] =	vst v4;
	v4 =	vld [tilespmem:s21+$0x910]  }
0x1f8: {  	v17 =	vmul.f32 v45, v18;
	[tilespmem:$0x1FD00] =	vst v0;
	v11 =	vmul.f32 v11, v0;
	v0 =	vadd.f32 $0.0e+00, v1;
	v1 =	vld [tilespmem:s21+$0x10620]  }
0x1f9: {  	[tilespmem:$0x1FF70] =	vst v9;
	v10 =	vadd.f32 v13, v10;
	v9 =	vld [tilespmem:$0x1FD40]  }
0x1fa: {  	v6 =	vld [tilespmem:s21+$0x920];
	v15 =	vmul.f32 v15, v63;
	v8 =	vadd.f32 v17, v8;
	v11 =	vadd.f32 $0.0e+00, v11  }
0x1fb: {  	v14 =	vld [tilespmem:s21+$0x8C0];
	v17 =	vmul.f32 v50, v62;
	v0 =	vadd.f32 v3, v0;
	v3 =	vmul.f32 v12, v2  }
0x1fc: {  	v16 =	vld [tilespmem:s21+$0x970];
	[tilespmem:$0x1FEF0] =	vst v5;
	v5 =	vmul.f32 v33, v7;
	v7 =	vmul.f32 v43, v18;
	v11 =	vadd.f32 v15, v11  }
0x1fd: {  	v21 =	vld [tilespmem:s21+$0x8D0];
	v3 =	vadd.f32 $0.0e+00, v3;
	v15 =	vmul.f32 v23, v4;
	[tilespmem:$0x1FD10] =	vst v1;
	v1 =	vmul.f32 v25, v2  }
0x1fe: {  	v38 =	vld [tilespmem:s21+$0x930];
	v9 =	vmul.f32 v9, v19;
	v0 =	vadd.f32 v5, v0;
	v11 =	vadd.f32 v17, v11  }
0x1ff: {  	v55 =	vld [tilespmem:s21+$0x10810];
	v2 =	vmul.f32 v28, v4;
	v3 =	vadd.f32 v15, v3;
	v1 =	vadd.f32 $0.0e+00, v1  }
0x200: {  	v26 =	vld [tilespmem:s21+$0x8840];
	v17 =	vmul.f32 v32, v6;
	v7 =	vadd.f32 v7, v0;
	v0 =	vmul.f32 v22, v14  }
0x201: {  	v12 =	vld [tilespmem:s21+$0x8E0];
	v5 =	vmul.f32 v37, v16;
	v1 =	vadd.f32 v2, v1;
	v2 =	vmul.f32 v42, v6  }
0x202: {  	v15 =	vmovc v16;
	v16 =	vld [tilespmem:s21+$0x840];
	v3 =	vadd.f32 v17, v3;
	v0 =	vadd.f32 $0.0e+00, v0;
	v17 =	vmul.f32 v30, v21  }
0x203: {  	v35 =	vld [tilespmem:s21+$0x10840];
	v14 =	vmul.f32 v27, v14;
	v1 =	vadd.f32 v2, v1;
	v2 =	vmul.f32 v52, v38  }
0x204: {  	v18 =	vld [tilespmem:s21+$0x850];
	v4 =	vmul.f32 v46, v38;
	v11 =	vadd.f32 v5, v11;
	v0 =	vadd.f32 v17, v0  }
0x205: {  	v13 =	vld [tilespmem:s21+$0x880];
	v17 =	vmul.f32 v39, v21;
	v1 =	vadd.f32 v2, v1;
	v2 =	vadd.f32 $0.0e+00, v14  }
0x206: {  	v5 =	vld [tilespmem:s21+$0x860];
	v3 =	vadd.f32 v4, v3;
	v4 =	vmul.f32 v41, v12;
	v21 =	vmul.f32 v53, v19  }
0x207: {  	v12 =	vmul.f32 v60, v12;
	v19 =	vld [tilespmem:$0x1FD60];
	v2 =	vadd.f32 v17, v2;
	v17 =	vmul.f32 v26, v16  }
0x208: {  	v14 =	vld [tilespmem:s21+$0x870]  }
0x209: {  	v47 =	vld [tilespmem:s21+$0x8810];
	v2 =	vadd.f32 v12, v2;
	v12 =	vadd.f32 $0.0e+00, v17;
	v17 =	vmul.f32 v36, v18  }
0x20a: {  	[tilespmem:$0x1FD30] =	vst v62;
	v62 =	vld [tilespmem:s21+$0x890];
	v16 =	vmul.f32 v35, v16  }
0x20b: {  	[tilespmem:$0x1FD20] =	vst v63;
	v63 =	vld [tilespmem:s21+$0x8B0];
	v0 =	vadd.f32 v4, v0;
	v25 =	vmul.f32 v51, v5;
	v12 =	vadd.f32 v17, v12  }
0x20c: {  	v6 =	vld [tilespmem:s21+$0x8A0];
	v16 =	vadd.f32 $0.0e+00, v16;
	v2 =	vadd.f32 v9, v2;
	v9 =	vmul.f32 v49, v18  }
0x20d: {  	v4 =	vmul.f32 v29, v13;
	v12 =	vadd.f32 v25, v12;
	v25 =	vmul.f32 v19, v14;
	v19 =	vld [tilespmem:$0x1FD70]  }
0x20e: {  	v9 =	vadd.f32 v9, v16;
	v16 =	vld [tilespmem:$0x1FD50]  }
0x20f: {  	v48 =	vld [tilespmem:s21+$0x10800];
	v22 =	vmul.f32 v40, v62;
	v4 =	vadd.f32 $0.0e+00, v4  }
0x210: {  	v23 =	vld [tilespmem:s21+$0x800]  }
0x211: {  	v24 =	vld [tilespmem:s21+$0x810];
	v4 =	vadd.f32 v22, v4;
	v17 =	vmul.f32 v59, v6  }
0x212: {  	v5 =	vmul.f32 v19, v5;
	v19 =	vld [tilespmem:$0x1FD90]  }
0x213: {  	v4 =	vadd.f32 v17, v4;
	v16 =	vmul.f32 v16, v63;
	_ =	sdelay $0x1  }
0x214: {  	v34 =	vld [tilespmem:s21+$0x8800];
	v4 =	vadd.f32 v16, v4;
	v16 =	vmul.f32 v48, v23  }
0x215: {  	v27 =	vmul.f32 v47, v24;
	v24 =	vmul.f32 v55, v24  }
0x216: {  	v5 =	vadd.f32 v5, v9;
	v16 =	vadd.f32 $0.0e+00, v16;
	v14 =	vmul.f32 v19, v14  }
0x217: {  	v22 =	vld [tilespmem:s21+$0x820]  }
0x218: {  	v5 =	vadd.f32 v14, v5;
	v14 =	vadd.f32 v24, v16;
	v16 =	vld [tilespmem:$0x1FDB0]  }
0x219: {  	v56 =	vld [tilespmem:s21+$0x87D0];
	v17 =	vmul.f32 v34, v23  }
0x21a: {  	v44 =	vld [tilespmem:s21+$0x87C0]  }
0x21b: {  	v61 =	vld [tilespmem:s21+$0x8780];
	v17 =	vadd.f32 $0.0e+00, v17  }
0x21c: {  	v26 =	vld [tilespmem:s21+$0x830]  }
0x21d: {  	v9 =	vadd.f32 v27, v17;
	v17 =	vld [tilespmem:$0x1FD80];
	v16 =	vmul.f32 v16, v22  }
0x21e: {  	v19 =	vld [tilespmem:$0x1FDA0]  }
0x21f: {  	v14 =	vadd.f32 v16, v14;
	v16 =	vld [tilespmem:$0x1FDC0]  }
0x220: {  	v32 =	vld [tilespmem:s21+$0x7C0]  }
0x221: {  	v33 =	vld [tilespmem:s21+$0x7D0]  }
0x222: {  	v28 =	vld [tilespmem:s21+$0x780]  }
0x223: {  	v30 =	vld [tilespmem:s21+$0x7E0];
	v17 =	vmul.f32 v17, v22  }
0x224: {  	v12 =	vadd.f32 v25, v12;
	v25 =	vmul.f32 v19, v26;
	v19 =	vld [tilespmem:$0x1FDD0];
	v16 =	vmul.f32 v16, v26  }
0x225: {  	(xrf2) =	vadd.scan.msk.f32 $0xffff, v10;
	v23 =	vld [tilespmem:s21+$0x790];
	v9 =	vadd.f32 v17, v9;
	v17 =	vmul.f32 v44, v32  }
0x226: {  	(xrf2) =	vadd.scan.msk.f32 $0xffff, v8;
	v8 =	vadd.f32 v16, v14;
	v16 =	vld [tilespmem:$0x1FDE0]  }
0x227: {  	v24 =	vmul.f32 v56, v33;
	v17 =	vadd.f32 $0.0e+00, v17;
	_ =	sdelay $0x1  }
0x228: {  	v58 =	vld [tilespmem:s21+$0x10780];
	v10 =	vadd.f32 v24, v17;
	v24 =	vmul.f32 v19, v30;
	v26 =	vmul.f32 v61, v28;
	_ =	sdelay $0x1  }
0x229: {  	(xrf2) =	vadd.scan.msk.f32 $0xffff, v7;
	v7 =	vadd.f32 v24, v10;
	v10 =	vld [tilespmem:$0x1FDF0];
	v14 =	vadd.f32 $0.0e+00, v26;
	v16 =	vmul.f32 v16, v23  }
0x22a: {  	v31 =	vld [tilespmem:s21+$0x7F0]  }
0x22b: {  	(xrf2) =	vadd.scan.msk.f32 $0xffff, v11;
	v11 =	vadd.f32 v16, v14;
	v14 =	vld [tilespmem:$0x1FE00]  }
0x22c: {  	v57 =	vld [tilespmem:s21+$0x8740];
	v17 =	vmul.f32 v58, v28  }
0x22d: {  	v54 =	vld [tilespmem:s21+$0x8700]  }
0x22e: {  	v27 =	vld [tilespmem:s21+$0x7A0];
	v17 =	vadd.f32 $0.0e+00, v17;
	v10 =	vmul.f32 v10, v23  }
0x22f: {  	v9 =	vadd.f32 v25, v9;
	v25 =	vld [tilespmem:s21+$0x740]  }
0x230: {  	(xrf2) =	vadd.scan.msk.f32 $0xffff, v3;
	v3 =	vadd.f32 v10, v17;
	v10 =	vld [tilespmem:$0x1FE10];
	v14 =	vmul.f32 v14, v31  }
0x231: {  	v28 =	vld [tilespmem:s21+$0x750]  }
0x232: {  	v21 =	vadd.f32 v21, v0;
	(xrf2) =	vadd.scan.msk.f32 $0xffff, v1;
	v1 =	vadd.f32 v14, v7;
	v14 =	vld [tilespmem:$0x1FE30]  }
0x233: {  	v19 =	vld [tilespmem:$0x1FE80]  }
0x234: {  	(xrf2) =	vadd.scan.msk.f32 $0xffff, v21;
	v23 =	vld [tilespmem:s21+$0x760]  }
0x235: {  	(xrf2) =	vadd.scan.msk.f32 $0xffff, v2;
	v2 =	vld [tilespmem:$0x1FE50];
	v16 =	vmul.f32 v57, v25;
	v10 =	vmul.f32 v10, v27  }
0x236: {  	v22 =	vld [tilespmem:s21+$0x7B0]  }
0x237: {  	v10 =	vadd.f32 v10, v11;
	v11 =	vld [tilespmem:$0x1FE40];
	v7 =	vadd.f32 $0.0e+00, v16;
	v14 =	vmul.f32 v14, v28  }
0x238: {  	v17 =	vld [tilespmem:$0x1FE20]  }
0x239: {  	(xrf2) =	vadd.scan.msk.f32 $0xffff, v4;
	v4 =	vld [tilespmem:$0x1FE70];
	v21 =	vmul.f32 v19, v23;
	v7 =	vadd.f32 v14, v7  }
0x23a: {  	v55 =	vld [tilespmem:s21+$0x700];
	(xrf2) =	vadd.scan.msk.f32 $0xffff, v12  }
0x23b: {  	(xrf2) =	vadd.scan.msk.f32 $0xffff, v5;
	v5 =	vadd.f32 v21, v7;
	v7 =	vld [tilespmem:$0x1FE90]  }
0x23c: {  	v11 =	vmul.f32 v11, v25  }
0x23d: {  	v59, _, _ =	vpop (xrf2);
	(xrf2) =	vadd.scan.msk.f32 $0xffff, v9;
	v9 =	vld [tilespmem:$0x1FEA0];
	v2 =	vmul.f32 v2, v22;
	v17 =	vmul.f32 v17, v27  }
0x23e: {  	v24 =	vld [tilespmem:s21+$0x770];
	v4 =	vmul.f32 v4, v28;
	v11 =	vadd.f32 $0.0e+00, v11  }
0x23f: {  	v3 =	vadd.f32 v17, v3;
	v17 =	vld [tilespmem:$0x1FE60];
	v2 =	vadd.f32 v2, v10;
	v10 =	vmul.f32 v54, v55  }
0x240: {  	v57 =	vld [tilespmem:s21+$0x710];
	v4 =	vadd.f32 v4, v11;
	v7 =	vmul.f32 v7, v23  }
0x241: {  	v11 =	vadd.f32 $0.0e+00, v10;
	v10 =	vld [tilespmem:$0x1FEB0]  }
0x242: {  	v7 =	vadd.f32 v7, v4;
	v4 =	vld [tilespmem:$0x1FEC0];
	_ =	sdelay $0x1  }
0x243: {  	v17 =	vmul.f32 v17, v22  }
0x244: {  	v9 =	vmul.f32 v9, v24  }
0x245: {  	v56 =	vld [tilespmem:s21+$0x720];
	v3 =	vadd.f32 v17, v3;
	v17 =	vmul.f32 v10, v57;
	v10, _, _ =	vpop (xrf2);
	(xrf2) =	vadd.scan.msk.f32 $0xffff, v8  }
0x246: {  	v22 =	vmul.f32 v4, v24;
	v4, _, _ =	vpop (xrf2);
	(xrf2) =	vadd.scan.msk.f32 $0xffff, v1;
	v1 =	vadd.f32 v9, v5;
	v5 =	vld [tilespmem:$0x1FEE0];
	_ =	sdelay $0x2  }
0x247: {  	v50 =	vld [tilespmem:s21+$0x106C0]  }
0x248: {  	v18 =	vld [tilespmem:s21+$0x86C0]  }
0x249: {  	v58 =	vld [tilespmem:s21+$0x730];
	[tilespmem:$0x1FED0] =	vst v4;
	v4 =	vadd.f32 v17, v11;
	v11 =	vmul.f32 v5, v56  }
0x24a: {  	v14 =	vld [tilespmem:s21+$0x6C0]  }
0x24b: {  	v11 =	vadd.f32 v11, v4;
	v4 =	vld [tilespmem:$0x1FF00];
	_ =	sdelay $0x3  }
0x24c: {  	v18 =	vmul.f32 v18, v14;
	v8, _, _ =	vpop (xrf2);
	(xrf2) =	vadd.scan.msk.f32 $0xffff, v2  }
0x24d: {  	v9, _, _ =	vpop (xrf2);
	(xrf2) =	vadd.scan.msk.f32 $0xffff, v3;
	v3 =	vmul.f32 v50, v14;
	v14 =	vmul.f32 v4, v58;
	v4 =	vld [tilespmem:$0x1FF10];
	_ =	sdelay $0x1  }
0x24e: {  	v12 =	vld [tilespmem:s21+$0x6D0]  }
0x24f: {  	v5 =	vld [tilespmem:$0x1FEF0]  }
0x250: {  	v21 =	vld [tilespmem:s21+$0x6E0]  }
0x251: {  	v34 =	vmul.f32 v4, v20;
	v4 =	vld [tilespmem:$0x1FF20];
	_ =	sdelay $0x2  }
0x252: {  	v2 =	vadd.f32 v22, v7;
	v7 =	vadd.f32 $0.0e+00, v18;
	v18 =	vmul.f32 v5, v12;
	_ =	sdelay $0x1  }
0x253: {  	v54, _, _ =	vpop (xrf2);
	(xrf2) =	vadd.scan.msk.f32 $0xffff, v1;
	v1 =	vadd.f32 v18, v7;
	v7 =	vmul.f32 v4, v21;
	v4 =	vld [tilespmem:$0x1FF40];
	_ =	sdelay $0x1  }
0x254: {  	v42, _, _ =	vpop (xrf2);
	(xrf2) =	vadd.scan.msk.f32 $0xffff, v2;
	v2 =	vld [tilespmem:$0x1FF30];
	_ =	sdelay $0x1  }
0x255: {  	v17 =	vld [tilespmem:s21+$0x6F0]  }
0x256: {  	v1 =	vadd.f32 v7, v1;
	v7 =	vmul.f32 v4, v21;
	v4 =	vld [tilespmem:$0x1FF50];
	_ =	sdelay $0x1  }
0x257: {  	v26 =	vld [tilespmem:s21+$0x10680];
	v3 =	vadd.f32 $0.0e+00, v3;
	v2 =	vmul.f32 v2, v12  }
0x258: {  	v23 =	vld [tilespmem:s21+$0x680]  }
0x259: {  	v2 =	vadd.f32 v2, v3;
	v3 =	vld [tilespmem:$0x1FF60]  }
0x25a: {  	v11 =	vadd.f32 v14, v11;
	v14 =	vmul.f32 v4, v17;
	v4 =	vld [tilespmem:$0x1FF70];
	_ =	sdelay $0x3  }
0x25b: {  	v16 =	vld [tilespmem:s21+$0x8680]  }
0x25c: {  	v18 =	vld [tilespmem:s21+$0x6A0];
	v52 =	vmul.f32 v3, v4;
	v3 =	vmul.f32 v26, v23  }
0x25d: {  	v4 =	vld [tilespmem:$0x1FF80]  }
0x25e: {  	v21 =	vadd.f32 $0.0e+00, v3;
	v3 =	vld [tilespmem:$0x1FF90];
	_ =	sdelay $0x3  }
0x25f: {  	v12 =	vmul.f32 v16, v23;
	v16 =	vmul.f32 v4, v18;
	v4 =	vld [tilespmem:$0x1FFB0]  }
0x260: {  	v17 =	vmul.f32 v3, v17;
	v3 =	vld [tilespmem:$0x1FFA0]  }
0x261: {  	v45 =	vld [tilespmem:s21+$0x10690]  }
0x262: {  	v43 =	vld [tilespmem:s21+$0x8660]  }
0x263: {  	v37 =	vld [tilespmem:s21+$0x8620]  }
0x264: {  	v0 =	vld [tilespmem:s21+$0x8690]  }
0x265: {  	v3 =	vmul.f32 v3, v4;
	v4 =	vld [tilespmem:$0x1FFC0]  }
0x266: {  	v22 =	vld [tilespmem:s21+$0x690]  }
0x267: {  	v60 =	vld [tilespmem:s21+$0x10610]  }
0x268: {  	v61 =	vld [tilespmem:s21+$0x600]  }
0x269: {  	v28 =	vld [tilespmem:s21+$0x6B0]  }
0x26a: {  	v18 =	vmul.f32 v4, v18;
	v4 =	vld [tilespmem:$0x1FFD0]  }
0x26b: {  	v27 =	vld [tilespmem:s21+$0x8610];
	v0 =	vmul.f32 v0, v22;
	v12 =	vadd.f32 $0.0e+00, v12  }
0x26c: {  	v24 =	vld [tilespmem:s21+$0x8600];
	v25, _, _ =	vpop (xrf2)  }
0x26d: {  	v41, _, _ =	vpop (xrf2);
	v0 =	vadd.f32 v0, v12;
	v12 =	vld [tilespmem:s21+$0x8640];
	v2 =	vadd.f32 v7, v2;
	v7 =	vmul.f32 v45, v22  }
0x26e: {  	v44, _, _ =	vpop (xrf2);
	v1 =	vadd.f32 v14, v1;
	v14 =	vld [tilespmem:s21+$0x610]  }
0x26f: {  	v39, _, _ =	vpop (xrf2);
	v23 =	vld [tilespmem:s21+$0x10600];
	v22 =	vadd.f32 v7, v21;
	v0 =	vadd.f32 v16, v0;
	v21 =	vmul.f32 v4, v28  }
0x270: {  	v46, _, _ =	vpop (xrf2);
	v17 =	vadd.f32 v17, v2;
	v2 =	vld [tilespmem:$0x1FFE0]  }
0x271: {  	v45, _, _ =	vpop (xrf2);
	v21 =	vadd.f32 v21, v0;
	v0 =	vld [tilespmem:$0x1FFF0]  }
0x272: {  	(xrf2) =	vadd.scan.msk.f32 $0xffff, v11;
	v11 =	vld [tilespmem:s21+$0x640];
	v50, _, _ =	vpop (xrf2)  }
0x273: {  	v38, _, _ =	vpop (xrf2);
	v26 =	vmul.f32 v24, v61;
	v7 =	vld [tilespmem:s21+$0x630]  }
0x274: {  	v29, _, _ =	vpop (xrf2);
	(xrf2) =	vadd.scan.msk.f32 $0xffff, v1;
	v16 =	vld [tilespmem:s21+$0x620]  }
0x275: {  	v1, _, _ =	vpop (xrf2);
	v26 =	vadd.f32 $0.0e+00, v26;
	v27 =	vmul.f32 v27, v14;
	v24 =	vmul.f32 v23, v61;
	(xrf2) =	vadd.scan.msk.f32 $0xffff, v17;
	v17 =	vld [tilespmem:s21+$0x650]  }
0x276: {  	s23 =	simm.s32 $0x18600;
	s22 =	simm.s32 $0x18800;
	s24 =	simm.s32 $0x2000;
	v2 =	vmul.f32 v2, v15;
	v22 =	vadd.f32 v18, v22;
	v18 =	vld [tilespmem:s21+$0x8650];
	v23 =	vmul.f32 v0, v28;
	v0, _, _ =	vpop (xrf2)  }
.LBB2_2:
0x277: {  	v4 =	vld [tilespmem:$0x1FC40]  }
0x278: {  	v5 =	vld [tilespmem:$0x1FCE0];
	_ =	sdelay $0x4  }
0x279: {  	v53 =	vmul.f32 v4, v5;
	v4 =	vld [tilespmem:$0x1FCD0];
	_ =	sdelay $0x4  }
0x27a: {  	v5 =	vmul.f32 v4, v7;
	v4 =	vld [tilespmem:$0x1FD10];
	_ =	sdelay $0x4  }
0x27b: {  	v26 =	vadd.f32 v27, v26;
	v27 =	vmul.f32 v37, v16;
	v16 =	vmul.f32 v4, v16;
	v4 =	vld [tilespmem:$0x1FCB0];
	_ =	sdelay $0x2  }
0x27c: {  	(xrf2) =	vadd.scan.msk.f32 $0xffff, v21;
	v21 =	vadd.f32 $0.0e+00, v24;
	v24 =	vld [tilespmem:s21+$0x660]  }
0x27d: {  	v20 =	vld [tilespmem:s21+$0x670];
	v12 =	vmul.f32 v12, v11  }
0x27e: {  	v7 =	vmul.f32 v4, v7;
	v4 =	vld [tilespmem:$0x1FCF0]  }
0x27f: {  	v18 =	vmul.f32 v18, v17;
	v12 =	vadd.f32 $0.0e+00, v12;
	_ =	sdelay $0x1  }
0x280: {  	v12 =	vadd.f32 v18, v12;
	v18 =	vmul.f32 v43, v24;
	_ =	sdelay $0x1  }
0x281: {  	v12 =	vadd.f32 v18, v12;
	v18 =	vmul.f32 v4, v20;
	v4 =	vld [tilespmem:$0x1FCC0]  }
0x282: {  	v28 =	vld [tilespmem:s21+$0x10640];
	v22 =	vadd.f32 v23, v22;
	v26 =	vadd.f32 v27, v26  }
0x283: {  	v40 =	vld [tilespmem:s21+$0x10650];
	v14 =	vmul.f32 v60, v14  }
0x284: {  	v23, _, _ =	vpop (xrf2);
	(xrf2) =	vadd.scan.msk.f32 $0xffff, v22;
	v22 =	vadd.f32 v5, v26;
	v26 =	vld [tilespmem:s21+$0x10660]  }
0x285: {  	v14 =	vadd.f32 v14, v21;
	v5 =	vld [tilespmem:$0x1FD30]  }
0x286: {  	v15 =	vmul.f32 v4, v55;
	v4 =	vld [tilespmem:$0x1FC50]  }
0x287: {  	v11 =	vmul.f32 v28, v11;
	v14 =	vadd.f32 v16, v14;
	_ =	sdelay $0x1  }
0x288: {  	v11 =	vadd.f32 $0.0e+00, v11;
	v7 =	vadd.f32 v7, v14;
	v14 =	vmul.f32 v40, v17  }
0x289: {  	v28 =	vld [tilespmem:s21+$0x10670]  }
0x28a: {  	v11 =	vadd.f32 v14, v11;
	v14 =	vmul.f32 v26, v24;
	v26 =	vmul.f32 v4, v5;
	v4 =	vld [tilespmem:$0x1FCA0];
	_ =	sdelay $0x3  }
0x28b: {  	v5 =	vld [tilespmem:$0x1FD20]  }
0x28c: {  	v11 =	vadd.f32 v14, v11;
	v14 =	vmul.f32 v28, v20;
	v20 =	vmul.f32 v4, v32;
	v4 =	vld [tilespmem:$0x1FC60];
	_ =	sdelay $0x3  }
0x28d: {  	v16 =	vld [tilespmem:s21+$0x10710]  }
0x28e: {  	v21 =	vadd.f32 $0.0e+00, v53;
	v60 =	vmul.f32 v4, v5;
	v4 =	vld [tilespmem:$0x1FC90]  }
0x28f: {  	v17 =	vld [tilespmem:s21+$0x10720]  }
0x290: {  	v35 =	vld [tilespmem:s21+$0x107D0]  }
0x291: {  	v27, _, _ =	vpop (xrf2);
	v3 =	vadd.f32 v3, v21;
	(xrf2) =	vadd.scan.msk.f32 $0xffff, v22;
	v24 =	vld [tilespmem:s21+$0x10730]  }
0x292: {  	v21, _, _ =	vpop (xrf2);
	v16 =	vmul.f32 v16, v57;
	(xrf2) =	vadd.scan.msk.f32 $0xffff, v7;
	v7 =	vadd.f32 v18, v12;
	v18 =	vld [tilespmem:s21+$0x107E0];
	v12 =	vadd.f32 $0.0e+00, v15  }
0x293: {  	v5 =	vmul.f32 v4, v13;
	v4 =	vld [tilespmem:$0x1FC80]  }
0x294: {  	v12 =	vadd.f32 v16, v12;
	v16 =	vmul.f32 v17, v56;
	v13 =	vld [tilespmem:$0x1FD00]  }
0x295: {  	v28 =	vld [tilespmem:s21+$0x10890]  }
0x296: {  	v22, _, _ =	vpop (xrf2);
	(xrf2) =	vadd.scan.msk.f32 $0xffff, v7;
	v7 =	vadd.f32 v14, v11;
	v17 =	vld [tilespmem:s21+$0x107F0];
	v12 =	vadd.f32 v16, v12;
	v16 =	vmul.f32 v24, v58  }
0x297: {  	v14 =	vmul.f32 v35, v33;
	v11 =	vadd.f32 $0.0e+00, v20;
	v20 =	vld [tilespmem:s21+$0x108A0]  }
0x298: {  	v61, _, _ =	vpop (xrf2);
	(xrf2) =	vadd.scan.msk.f32 $0xffff, v7;
	v7 =	vadd.f32 v16, v12  }
0x299: {  	v11 =	vadd.f32 v14, v11;
	v14 =	vmul.f32 v18, v30;
	v16 =	vmul.f32 v4, v13;
	v4 =	vld [tilespmem:$0x1FC70]  }
0x29a: {  	v12 =	vmul.f32 v28, v62;
	v5 =	vadd.f32 $0.0e+00, v5  }
0x29b: {  	v17 =	vmul.f32 v17, v31;
	v11 =	vadd.f32 v14, v11  }
0x29c: {  	v15, _, _ =	vpop (xrf2);
	(xrf2) =	vadd.scan.msk.f32 $0xffff, v7;
	v5 =	vadd.f32 v12, v5;
	v12 =	vmul.f32 v20, v6  }
0x29d: {  	v7 =	vadd.f32 v17, v11;
	v11 =	vadd.f32 $0.0e+00, v16  }
0x29e: {  	v5 =	vadd.f32 v12, v5;
	v13 =	vmul.f32 v4, v63  }
0x29f: {  	v14, _, _ =	vpop (xrf2);
	(xrf2) =	vadd.scan.msk.f32 $0xffff, v7;
	v11 =	vadd.f32 v60, v11  }
0x2a0: {  	v5 =	vadd.f32 v13, v5;
	_ =	sdelay $0x1  }
0x2a1: {  	v0 =	vbroadcast v0, $0xF;
	v20 =	vbroadcast v22, $0xF;
	v4 =	vadd.f32 v26, v11;
	v13, _, _ =	vpop (xrf2);
	(xrf2) =	vadd.scan.msk.f32 $0xffff, v5  }
0x2a2: {  	v3 =	vadd.f32 v52, v3;
	v5 =	vbroadcast v15, $0xF;
	v13 =	vbroadcast v13, $0xF;
	v11, _, _ =	vpop (xrf2)  }
0x2a3: {  	v2 =	vadd.f32 v2, v4;
	v4 =	vbroadcast v14, $0xF;
	v11 =	vbroadcast v11, $0xF  }
0x2a4: {  	v22 =	vbroadcast v23, $0xF;
	v5 =	vsel vm0, v5, v13;
	v13 =	vbroadcast v61, $0xF  }
0x2a5: {  	v15 =	vbroadcast v27, $0xF;
	(xrf2) =	vadd.scan.msk.f32 $0xffff, v2;
	v14, _, _ =	vpop (xrf2);
	v2 =	vsel vm0, v4, v11;
	v4 =	vbroadcast v21, $0xF  }
0x2a6: {  	v5 =	vsel vm1, v5, v20;
	v2 =	vsel vm1, v2, v13;
	v13 =	vbroadcast v14, $0xF  }
0x2a7: {  	v3 =	vadd.f32 v34, v3;
	v5 =	vsel vm2, v5, v15;
	v2 =	vsel vm2, v2, v4  }
0x2a8: {  	v5 =	vsel vm3, v5, v22;
	v4 =	vbroadcast v29, $0xF;
	v11, _, _ =	vpop (xrf2);
	v2 =	vsel vm3, v2, v13  }
0x2a9: {  	v1 =	vbroadcast v1, $0xF;
	v0 =	vsel vm4, v2, v0;
	v2 =	vbroadcast v11, $0xF  }
0x2aa: {  	v19 =	vbroadcast v38, $0xF;
	(xrf2) =	vadd.scan.msk.f32 $0xffff, v3;
	v3 =	vbroadcast v45, $0xF;
	v0 =	vsel vm5, v0, v4  }
0x2ab: {  	v1 =	vsel vm4, v5, v1;
	v0 =	vsel vm6, v0, v2;
	v2 =	vbroadcast v39, $0xF;
	v5, _, _ =	vpop (xrf2)  }
0x2ac: {  	v18 =	vbroadcast v46, $0xF;
	v0 =	vsel vm7, v0, v3;
	v3 =	vbroadcast v5, $0xF  }
0x2ad: {  	v7 =	vbroadcast v50, $0xF;
	v0 =	vsel vm8, v0, v2;
	v2 =	vbroadcast v25, $0xF  }
0x2ae: {  	v1 =	vsel vm5, v1, v19;
	v0 =	vsel vm9, v0, v3;
	v3 =	vbroadcast v54, $0xF  }
0x2af: {  	v16 =	vbroadcast v44, $0xF;
	v1 =	vsel vm6, v1, v7;
	v0 =	vsel vm10, v0, v2  }
0x2b0: {  	v17 =	vbroadcast v41, $0xF;
	v1 =	vsel vm7, v1, v18;
	v0 =	vsel vm11, v0, v3;
	v3 =	vld [tilespmem:$0x1FED0]  }
0x2b1: {  	v12 =	vbroadcast v42, $0xF;
	v1 =	vsel vm8, v1, v16  }
0x2b2: {  	v9 =	vbroadcast v9, $0xF;
	v1 =	vsel vm9, v1, v17  }
0x2b3: {  	v8 =	vbroadcast v8, $0xF;
	v5, _, _ =	vpop (xrf2);
	v1 =	vsel vm10, v1, v12  }
0x2b4: {  	v10 =	vbroadcast v10, $0xF;
	v4 =	vbroadcast v5, $0xF;
	v1 =	vsel vm11, v1, v9  }
0x2b5: {  	v1 =	vsel vm12, v1, v8;
	v3 =	vbroadcast v3, $0xF  }
0x2b6: {  	v0 =	vsel vm12, v0, v4;
	v1 =	vsel vm13, v1, v10  }
0x2b7: {  	s23 =	sadd.s32 $0x10, s23;
	v2, _, _ =	vpop (xrf2);
	v1 =	vsel vm14, v1, v59;
	v0 =	vsel vm13, v0, v3  }
0x2b8: {  	s22 =	sadd.s32 $0x10, s22;
	[tilespmem:s23+$0x0] =	vst v1;
	v0 =	vsel vm14, v0, v2  }
0x2b9: {  	s21 =	sshra.s32 s24, $0x2;
	[tilespmem:s22+$0x0] =	vst v0  }
0x2ba: {  	v0 =	vld [tilespmem:s21+$0x109F0];
	_ =	sdelay $0x4  }
0x2bb: {  	[tilespmem:$0x1F790] =	vst v0;
	v0 =	vld [tilespmem:s21+$0x109E0];
	_ =	sdelay $0x4  }
0x2bc: {  	[tilespmem:$0x1F7E0] =	vst v0;
	v0 =	vld [tilespmem:s21+$0x109D0];
	_ =	sdelay $0x4  }
0x2bd: {  	[tilespmem:$0x1F810] =	vst v0;
	v0 =	vld [tilespmem:s21+$0x10970];
	_ =	sdelay $0x4  }
0x2be: {  	[tilespmem:$0x1F850] =	vst v0;
	v0 =	vld [tilespmem:s21+$0x109C0];
	_ =	sdelay $0x4  }
0x2bf: {  	[tilespmem:$0x1FC40] =	vst v0;
	v0 =	vld [tilespmem:s21+$0x10930];
	_ =	sdelay $0x4  }
0x2c0: {  	[tilespmem:$0x1F5F0] =	vst v0;
	v0 =	vld [tilespmem:s21+$0x10960];
	_ =	sdelay $0x4  }
0x2c1: {  	[tilespmem:$0x1FC50] =	vst v0;
	v0 =	vld [tilespmem:s21+$0x108F0];
	_ =	sdelay $0x4  }
0x2c2: {  	[tilespmem:$0x1F600] =	vst v0;
	v0 =	vld [tilespmem:s21+$0x10950];
	_ =	sdelay $0x4  }
0x2c3: {  	[tilespmem:$0x1FC60] =	vst v0;
	v0 =	vld [tilespmem:s21+$0x108B0];
	_ =	sdelay $0x4  }
0x2c4: {  	[tilespmem:$0x1FC70] =	vst v0;
	v0 =	vld [tilespmem:s21+$0x10940];
	_ =	sdelay $0x4  }
0x2c5: {  	[tilespmem:$0x1FC80] =	vst v0;
	v0 =	vld [tilespmem:s21+$0x88B0];
	_ =	sdelay $0x4  }
0x2c6: {  	[tilespmem:$0x1F610] =	vst v0;
	v0 =	vld [tilespmem:s21+$0x10870];
	_ =	sdelay $0x4  }
0x2c7: {  	[tilespmem:$0x1F640] =	vst v0;
	v0 =	vld [tilespmem:s21+$0x8870];
	_ =	sdelay $0x4  }
0x2c8: {  	[tilespmem:$0x1F620] =	vst v0;
	v0 =	vld [tilespmem:s21+$0x10830];
	_ =	sdelay $0x4  }
0x2c9: {  	[tilespmem:$0x1F680] =	vst v0;
	v0 =	vld [tilespmem:s21+$0x10860];
	_ =	sdelay $0x4  }
0x2ca: {  	[tilespmem:$0x1F630] =	vst v0;
	v0 =	vld [tilespmem:s21+$0x8830];
	_ =	sdelay $0x4  }
0x2cb: {  	[tilespmem:$0x1F660] =	vst v0;
	v0 =	vld [tilespmem:s21+$0x10820];
	_ =	sdelay $0x4  }
0x2cc: {  	[tilespmem:$0x1F670] =	vst v0;
	v0 =	vld [tilespmem:s21+$0x10880];
	_ =	sdelay $0x4  }
0x2cd: {  	[tilespmem:$0x1FC90] =	vst v0;
	v0 =	vld [tilespmem:s21+$0x87F0];
	_ =	sdelay $0x4  }
0x2ce: {  	[tilespmem:$0x1F6A0] =	vst v0;
	v0 =	vld [tilespmem:s21+$0x8820];
	_ =	sdelay $0x4  }
0x2cf: {  	[tilespmem:$0x1F650] =	vst v0;
	v0 =	vld [tilespmem:s21+$0x107B0];
	_ =	sdelay $0x4  }
0x2d0: {  	[tilespmem:$0x1F6F0] =	vst v0;
	v0 =	vld [tilespmem:s21+$0x87B0];
	_ =	sdelay $0x4  }
0x2d1: {  	[tilespmem:$0x1F6D0] =	vst v0;
	v0 =	vld [tilespmem:s21+$0x87E0];
	_ =	sdelay $0x4  }
0x2d2: {  	[tilespmem:$0x1F690] =	vst v0;
	v0 =	vld [tilespmem:s21+$0x10770];
	_ =	sdelay $0x4  }
0x2d3: {  	[tilespmem:$0x1F750] =	vst v0;
	v0 =	vld [tilespmem:s21+$0x107A0];
	_ =	sdelay $0x1  }
0x2d4: {  	v37 =	vld [tilespmem:s21+$0x89F0]  }
0x2d5: {  	v48 =	vld [tilespmem:s21+$0x89E0]  }
0x2d6: {  	v42 =	vld [tilespmem:s21+$0x109B0]  }
0x2d7: {  	[tilespmem:$0x1F6E0] =	vst v0;
	v0 =	vld [tilespmem:s21+$0x8770]  }
0x2d8: {  	v34 =	vld [tilespmem:s21+$0x89B0]  }
0x2d9: {  	v63 =	vld [tilespmem:s21+$0x89D0]  }
0x2da: {  	v33 =	vld [tilespmem:s21+$0x109A0]  }
0x2db: {  	v43 =	vld [tilespmem:s21+$0x8970]  }
0x2dc: {  	[tilespmem:$0x1F720] =	vst v0;
	v0 =	vld [tilespmem:s21+$0x87A0]  }
0x2dd: {  	v61 =	vld [tilespmem:s21+$0x89A0]  }
0x2de: {  	v12 =	vld [tilespmem:s21+$0x89C0]  }
0x2df: {  	v24 =	vld [tilespmem:s21+$0x10990]  }
0x2e0: {  	v14 =	vld [tilespmem:s21+$0x9F0]  }
0x2e1: {  	[tilespmem:$0x1F6B0] =	vst v0;
	v0 =	vld [tilespmem:s21+$0x10760]  }
0x2e2: {  	v45 =	vld [tilespmem:s21+$0x8930]  }
0x2e3: {  	v30 =	vld [tilespmem:s21+$0x8960]  }
0x2e4: {  	v13 =	vld [tilespmem:s21+$0x8990]  }
0x2e5: {  	v41 =	vld [tilespmem:s21+$0x10920]  }
0x2e6: {  	[tilespmem:$0x1F730] =	vst v0;
	v0 =	vld [tilespmem:s21+$0x10790]  }
0x2e7: {  	v10 =	vld [tilespmem:s21+$0x10980]  }
0x2e8: {  	v57 =	vld [tilespmem:s21+$0x88F0]  }
0x2e9: {  	v31 =	vld [tilespmem:s21+$0x8920]  }
0x2ea: {  	v23 =	vld [tilespmem:s21+$0x8950]  }
0x2eb: {  	[tilespmem:$0x1F6C0] =	vst v0;
	v0 =	vld [tilespmem:s21+$0x107C0]  }
0x2ec: {  	v7 =	vld [tilespmem:s21+$0x8980]  }
0x2ed: {  	v55 =	vld [tilespmem:s21+$0x108E0]  }
0x2ee: {  	v28 =	vld [tilespmem:s21+$0x10910]  }
0x2ef: {  	v8 =	vld [tilespmem:s21+$0x9E0]  }
0x2f0: {  	[tilespmem:$0x1FCA0] =	vst v0;
	v0 =	vld [tilespmem:s21+$0x8730]  }
0x2f1: {  	v38 =	vld [tilespmem:s21+$0x88E0]  }
0x2f2: {  	v62 =	vld [tilespmem:s21+$0x8910]  }
0x2f3: {  	v17 =	vld [tilespmem:s21+$0x8940]  }
0x2f4: {  	v35 =	vld [tilespmem:s21+$0x108D0]  }
0x2f5: {  	[tilespmem:$0x1F770] =	vst v0;
	v0 =	vld [tilespmem:s21+$0x8760]  }
0x2f6: {  	v20 =	vld [tilespmem:s21+$0x10900]  }
0x2f7: {  	v50 =	vld [tilespmem:s21+$0x88A0]  }
0x2f8: {  	v26 =	vld [tilespmem:s21+$0x88D0]  }
0x2f9: {  	v18 =	vld [tilespmem:s21+$0x8900]  }
0x2fa: {  	[tilespmem:$0x1F700] =	vst v0;
	v0 =	vld [tilespmem:s21+$0x106F0]  }
0x2fb: {  	v25 =	vld [tilespmem:s21+$0x108C0]  }
0x2fc: {  	v11 =	vld [tilespmem:s21+$0x9B0]  }
0x2fd: {  	v6 =	vld [tilespmem:s21+$0x9D0]  }
0x2fe: {  	v46 =	vld [tilespmem:s21+$0x8860]  }
0x2ff: {  	[tilespmem:$0x1F800] =	vst v0;
	v0 =	vld [tilespmem:s21+$0x10750]  }
0x300: {  	v54 =	vld [tilespmem:s21+$0x8890]  }
0x301: {  	v19 =	vld [tilespmem:s21+$0x88C0]  }
0x302: {  	v44 =	vld [tilespmem:s21+$0x10850]  }
0x303: {  	v3 =	vld [tilespmem:s21+$0x9C0]  }
0x304: {  	[tilespmem:$0x1F710] =	vst v0;
	v0 =	vld [tilespmem:s21+$0x86F0]  }
0x305: {  	v32 =	vld [tilespmem:s21+$0x8850]  }
0x306: {  	v22 =	vld [tilespmem:s21+$0x8880]  }
0x307: {  	v60 =	vld [tilespmem:s21+$0x10810]  }
0x308: {  	[tilespmem:$0x1FCE0] =	vst v3;
	v12 =	vmul.f32 v12, v3;
	v3 =	vld [tilespmem:s21+$0x10630]  }
0x309: {  	[tilespmem:$0x1F7C0] =	vst v0;
	v0 =	vld [tilespmem:s21+$0x8720]  }
0x30a: {  	v59 =	vld [tilespmem:s21+$0x10840]  }
0x30b: {  	v40 =	vld [tilespmem:s21+$0x970]  }
0x30c: {  	v9 =	vld [tilespmem:s21+$0x9A0]  }
0x30d: {  	[tilespmem:$0x1FCB0] =	vst v3;
	v3 =	vld [tilespmem:s21+$0x106A0]  }
0x30e: {  	[tilespmem:$0x1F760] =	vst v0;
	v0 =	vld [tilespmem:s21+$0x106B0]  }
0x30f: {  	v39 =	vld [tilespmem:s21+$0x8810]  }
0x310: {  	v21 =	vld [tilespmem:s21+$0x8840]  }
0x311: {  	v51 =	vld [tilespmem:s21+$0x10800]  }
0x312: {  	[tilespmem:$0x1F840] =	vst v3;
	v3 =	vld [tilespmem:s21+$0x106D0]  }
0x313: {  	[tilespmem:$0x1F860] =	vst v0;
	v0 =	vld [tilespmem:s21+$0x106E0]  }
0x314: {  	v52 =	vld [tilespmem:s21+$0x87D0]  }
0x315: {  	v27 =	vld [tilespmem:s21+$0x8800]  }
0x316: {  	v15 =	vld [tilespmem:s21+$0x930]  }
0x317: {  	[tilespmem:$0x1F7B0] =	vst v3;
	v3 =	vld [tilespmem:s21+$0x940]  }
0x318: {  	[tilespmem:$0x1F7D0] =	vst v0;
	v0 =	vld [tilespmem:s21+$0x980]  }
0x319: {  	v1 =	vld [tilespmem:s21+$0x990]  }
0x31a: {  	v5 =	vld [tilespmem:s21+$0x960]  }
0x31b: {  	v47 =	vld [tilespmem:s21+$0x8790]  }
0x31c: {  	v2 =	vld [tilespmem:s21+$0x950];
	v63 =	vmul.f32 v63, v6;
	v48 =	vmul.f32 v48, v8;
	v12 =	vadd.f32 $0.0e+00, v12  }
0x31d: {  	v29 =	vld [tilespmem:s21+$0x87C0];
	[tilespmem:$0x1F7F0] =	vst v8;
	v8 =	vmul.f32 v17, v3;
	v7 =	vmul.f32 v7, v0  }
0x31e: {  	v49 =	vld [tilespmem:s21+$0x10780];
	v13 =	vmul.f32 v13, v1;
	v12 =	vadd.f32 v63, v12;
	v0 =	vmul.f32 v10, v0  }
0x31f: {  	v4 =	vld [tilespmem:s21+$0x920];
	v1 =	vmul.f32 v24, v1;
	[tilespmem:$0x1FD00] =	vst v3;
	v3 =	vadd.f32 $0.0e+00, v8;
	v7 =	vadd.f32 $0.0e+00, v7  }
0x320: {  	v10 =	vadd.f32 v48, v12;
	v12 =	vmul.f32 v37, v14;
	v37 =	vld [tilespmem:s21+$0x900];
	v0 =	vadd.f32 $0.0e+00, v0  }
0x321: {  	v63 =	vld [tilespmem:s21+$0x10700];
	v8 =	vmul.f32 v23, v2;
	v7 =	vadd.f32 v13, v7;
	v13 =	vmul.f32 v61, v9  }
0x322: {  	v10 =	vadd.f32 v12, v10;
	v12 =	vld [tilespmem:s21+$0x910];
	v0 =	vadd.f32 v1, v0;
	v1 =	vmul.f32 v33, v9  }
0x323: {  	[tilespmem:$0x1FD20] =	vst v2;
	v2 =	vld [tilespmem:s21+$0x10620];
	v3 =	vadd.f32 v8, v3;
	v7 =	vadd.f32 v13, v7;
	v13 =	vmul.f32 v34, v11  }
0x324: {  	v16 =	vld [tilespmem:s21+$0x8F0];
	v8 =	vmul.f32 v30, v5;
	v0 =	vadd.f32 v1, v0;
	v1 =	vmul.f32 v42, v11  }
0x325: {  	[tilespmem:$0x1F820] =	vst v6;
	v6 =	vld [tilespmem:s21+$0x8C0];
	(xrf2) =	vadd.scan.msk.f32 $0xffff, v10;
	v9 =	vmul.f32 v18, v37;
	v7 =	vadd.f32 v13, v7  }
0x326: {  	[tilespmem:$0x1FCC0] =	vst v63;
	v63 =	vld [tilespmem:s21+$0x8630];
	v3 =	vadd.f32 v8, v3;
	v0 =	vadd.f32 v1, v0  }
0x327: {  	v8 =	vmul.f32 v43, v40;
	v10 =	vld [tilespmem:s21+$0x8D0];
	(xrf2) =	vadd.scan.msk.f32 $0xffff, v7;
	v7 =	vadd.f32 $0.0e+00, v9;
	v9 =	vmul.f32 v62, v12  }
0x328: {  	v36 =	vld [tilespmem:s21+$0x86B0];
	[tilespmem:$0x1FD10] =	vst v2;
	v2 =	vmul.f32 v41, v4;
	v13 =	vmul.f32 v20, v37;
	(xrf2) =	vadd.scan.msk.f32 $0xffff, v0  }
0x329: {  	v3 =	vadd.f32 v8, v3;
	v7 =	vadd.f32 v9, v7;
	v9 =	vmul.f32 v31, v4;
	v4 =	vld [tilespmem:$0x1F5F0]  }
0x32a: {  	[tilespmem:$0x1F7A0] =	vst v14;
	v8 =	vmul.f32 v19, v6;
	v14 =	vld [tilespmem:s21+$0x8E0];
	v17 =	vadd.f32 $0.0e+00, v13;
	v12 =	vmul.f32 v28, v12  }
0x32b: {  	[tilespmem:$0x1FCD0] =	vst v63;
	v13 =	vld [tilespmem:s21+$0x880];
	v7 =	vadd.f32 v9, v7;
	v9 =	vmul.f32 v45, v15  }
0x32c: {  	v63 =	vld [tilespmem:s21+$0x8670];
	v11 =	vadd.f32 v12, v17;
	(xrf2) =	vadd.scan.msk.f32 $0xffff, v3;
	v3 =	vadd.f32 $0.0e+00, v8;
	v8 =	vmul.f32 v26, v10  }
0x32d: {  	v62 =	vld [tilespmem:s21+$0x890];
	v7 =	vadd.f32 v9, v7;
	v9 =	vmul.f32 v25, v6  }
0x32e: {  	[tilespmem:$0x1FD30] =	vst v5;
	v2 =	vadd.f32 v2, v11;
	v11 =	vld [tilespmem:s21+$0x840];
	v3 =	vadd.f32 v8, v3;
	v5 =	vmul.f32 v4, v15  }
0x32f: {  	v18, _, _ =	vpop (xrf2);
	v8 =	vmul.f32 v38, v14;
	v6 =	vld [tilespmem:s21+$0x8A0];
	(xrf2) =	vadd.scan.msk.f32 $0xffff, v7;
	v7 =	vadd.f32 $0.0e+00, v9;
	v9 =	vmul.f32 v35, v10  }
0x330: {  	v12 =	vmul.f32 v22, v13;
	v2 =	vadd.f32 v5, v2;
	v5 =	vld [tilespmem:s21+$0x850]  }
0x331: {  	v58 =	vld [tilespmem:s21+$0x8750];
	v3 =	vadd.f32 v8, v3;
	v8 =	vmul.f32 v57, v16;
	v10, _, _ =	vpop (xrf2);
	v7 =	vadd.f32 v9, v7  }
0x332: {  	v9 =	vmul.f32 v55, v14;
	v14 =	vld [tilespmem:s21+$0x860];
	(xrf2) =	vadd.scan.msk.f32 $0xffff, v2;
	v2 =	vadd.f32 $0.0e+00, v12;
	v12 =	vmul.f32 v54, v62;
	v4, _, _ =	vpop (xrf2)  }
0x333: {  	v3 =	vadd.f32 v8, v3;
	v17 =	vmul.f32 v21, v11;
	[tilespmem:$0x1FED0] =	vst v4;
	v4 =	vld [tilespmem:$0x1F600]  }
0x334: {  	[tilespmem:$0x1F830] =	vst v36;
	v36 =	vld [tilespmem:s21+$0x86E0];
	v7 =	vadd.f32 v9, v7;
	v9 =	vmul.f32 v50, v6;
	v2 =	vadd.f32 v12, v2  }
0x335: {  	[tilespmem:$0x1FCF0] =	vst v63;
	v63 =	vld [tilespmem:s21+$0x8B0];
	(xrf2) =	vadd.scan.msk.f32 $0xffff, v3;
	v3 =	vadd.f32 $0.0e+00, v17;
	v12 =	vmul.f32 v32, v5  }
0x336: {  	v19 =	vadd.f32 v9, v2;
	v2 =	vld [tilespmem:$0x1F610]  }
0x337: {  	v15 =	vld [tilespmem:s21+$0x870];
	v3 =	vadd.f32 v12, v3;
	v12 =	vmul.f32 v46, v14  }
0x338: {  	v4 =	vmul.f32 v4, v16;
	v16 =	vld [tilespmem:s21+$0x800]  }
0x339: {  	v3 =	vadd.f32 v12, v3;
	v12 =	vld [tilespmem:$0x1F620]  }
0x33a: {  	v11 =	vmul.f32 v59, v11;
	v4 =	vadd.f32 v4, v7;
	v7 =	vld [tilespmem:s21+$0x810]  }
0x33b: {  	v53 =	vld [tilespmem:s21+$0x8780];
	v17 =	vmul.f32 v2, v63  }
0x33c: {  	v56 =	vld [tilespmem:s21+$0x10740];
	v11 =	vadd.f32 $0.0e+00, v11;
	v5 =	vmul.f32 v44, v5  }
0x33d: {  	[tilespmem:$0x1F780] =	vst v36;
	v36 =	vld [tilespmem:s21+$0x8710];
	v59 =	vmov v18;
	v17 =	vadd.f32 v17, v19;
	v18 =	vmul.f32 v27, v16  }
0x33e: {  	v8, _, _ =	vpop (xrf2);
	v5 =	vadd.f32 v5, v11;
	v11 =	vld [tilespmem:$0x1F630];
	(xrf2) =	vadd.scan.msk.f32 $0xffff, v4  }
0x33f: {  	v24 =	vld [tilespmem:s21+$0x86A0];
	v9, _, _ =	vpop (xrf2);
	v12 =	vmul.f32 v12, v15;
	(xrf2) =	vadd.scan.msk.f32 $0xffff, v17;
	v17 =	vadd.f32 $0.0e+00, v18;
	v18 =	vmul.f32 v39, v7  }
0x340: {  	v4 =	vld [tilespmem:s21+$0x820]  }
0x341: {  	v3 =	vadd.f32 v12, v3;
	v12 =	vmul.f32 v51, v16;
	v16 =	vadd.f32 v18, v17;
	v17 =	vld [tilespmem:$0x1F650]  }
0x342: {  	[tilespmem:$0x1F740] =	vst v36;
	v36 =	vld [tilespmem:s21+$0x8740]  }
0x343: {  	v23 =	vld [tilespmem:$0x1F7A0];
	v11 =	vmul.f32 v11, v14  }
0x344: {  	v30 =	vld [tilespmem:s21+$0x7E0]  }
0x345: {  	v5 =	vadd.f32 v11, v5;
	v11 =	vld [tilespmem:$0x1F640]  }
0x346: {  	v33 =	vld [tilespmem:s21+$0x7D0];
	v17 =	vmul.f32 v17, v4  }
0x347: {  	v19 =	vld [tilespmem:s21+$0x830]  }
0x348: {  	v16 =	vadd.f32 v17, v16;
	v17 =	vld [tilespmem:$0x1F660]  }
0x349: {  	v32 =	vld [tilespmem:s21+$0x7C0];
	v54, _, _ =	vpop (xrf2);
	v7 =	vmul.f32 v60, v7;
	(xrf2) =	vadd.scan.msk.f32 $0xffff, v3;
	v3 =	vadd.f32 $0.0e+00, v12  }
0x34a: {  	v11 =	vmul.f32 v11, v15;
	v15 =	vld [tilespmem:s21+$0x780]  }
0x34b: {  	v3 =	vadd.f32 v7, v3;
	v7 =	vld [tilespmem:$0x1F670]  }
0x34c: {  	v5 =	vadd.f32 v11, v5;
	v11 =	vld [tilespmem:s21+$0x790]  }
0x34d: {  	v43 =	vld [tilespmem:s21+$0x8660];
	v17 =	vmul.f32 v17, v19  }
0x34e: {  	v48 =	vld [tilespmem:s21+$0x86D0];
	v12 =	vmul.f32 v29, v32  }
0x34f: {  	v61 =	vld [tilespmem:s21+$0x8700];
	v16 =	vadd.f32 v17, v16;
	v17 =	vmul.f32 v53, v15  }
0x350: {  	v1 =	vld [tilespmem:s21+$0x10690];
	v42, _, _ =	vpop (xrf2);
	(xrf2) =	vadd.scan.msk.f32 $0xffff, v5;
	v4 =	vmul.f32 v7, v4;
	v7 =	vadd.f32 $0.0e+00, v12;
	v12 =	vmul.f32 v52, v33  }
0x351: {  	v25, _, _ =	vpop (xrf2);
	v5 =	vld [tilespmem:s21+$0x7A0];
	(xrf2) =	vadd.scan.msk.f32 $0xffff, v16;
	v16 =	vadd.f32 $0.0e+00, v17;
	v17 =	vmul.f32 v47, v11  }
0x352: {  	v7 =	vadd.f32 v12, v7;
	v12 =	vld [tilespmem:$0x1F690]  }
0x353: {  	v16 =	vadd.f32 v17, v16;
	v17 =	vld [tilespmem:$0x1F6B0]  }
0x354: {  	v37 =	vld [tilespmem:s21+$0x8620]  }
0x355: {  	v31 =	vld [tilespmem:s21+$0x7F0]  }
0x356: {  	v21 =	vld [tilespmem:$0x1F6C0]  }
0x357: {  	v3 =	vadd.f32 v4, v3;
	v4 =	vld [tilespmem:$0x1F680];
	v12 =	vmul.f32 v12, v30  }
0x358: {  	v18 =	vld [tilespmem:s21+$0x7B0];
	v17 =	vmul.f32 v17, v5  }
0x359: {  	v15 =	vmul.f32 v49, v15;
	v7 =	vadd.f32 v12, v7;
	v12 =	vld [tilespmem:$0x1F6A0]  }
0x35a: {  	v16 =	vadd.f32 v17, v16;
	v17 =	vld [tilespmem:$0x1F6D0]  }
0x35b: {  	v20 =	vld [tilespmem:s21+$0x10680];
	v15 =	vadd.f32 $0.0e+00, v15;
	v11 =	vmul.f32 v21, v11  }
0x35c: {  	v4 =	vmul.f32 v4, v19;
	v19 =	vld [tilespmem:s21+$0x740]  }
0x35d: {  	v11 =	vadd.f32 v11, v15;
	v15 =	vld [tilespmem:$0x1F6E0]  }
0x35e: {  	v3 =	vadd.f32 v4, v3;
	v4 =	vld [tilespmem:s21+$0x750];
	v12 =	vmul.f32 v12, v31  }
0x35f: {  	v0 =	vld [tilespmem:s21+$0x106C0];
	v17 =	vmul.f32 v17, v18  }
0x360: {  	v22 =	vld [tilespmem:$0x1F790];
	v7 =	vadd.f32 v12, v7  }
0x361: {  	v57 =	vld [tilespmem:s21+$0x710];
	v41, _, _ =	vpop (xrf2);
	(xrf2) =	vadd.scan.msk.f32 $0xffff, v3;
	v12 =	vmul.f32 v36, v19;
	v16 =	vadd.f32 v17, v16;
	v17 =	vmul.f32 v56, v19  }
0x362: {  	v55 =	vld [tilespmem:s21+$0x700];
	v44, _, _ =	vpop (xrf2);
	v5 =	vmul.f32 v15, v5;
	(xrf2) =	vadd.scan.msk.f32 $0xffff, v7  }
0x363: {  	v39, _, _ =	vpop (xrf2);
	v15 =	vmul.f32 v58, v4;
	v12 =	vadd.f32 $0.0e+00, v12;
	(xrf2) =	vadd.scan.msk.f32 $0xffff, v16;
	v16 =	vadd.f32 $0.0e+00, v17;
	v17 =	vld [tilespmem:$0x1F710]  }
0x364: {  	v3 =	vld [tilespmem:s21+$0x760]  }
0x365: {  	v12 =	vadd.f32 v15, v12;
	v15 =	vld [tilespmem:$0x1F700]  }
0x366: {  	v34 =	vmul.f32 v22, v23;
	v22 =	vld [tilespmem:s21+$0x6A0]  }
0x367: {  	v23 =	vld [tilespmem:s21+$0x6B0]  }
0x368: {  	v2 =	vld [tilespmem:s21+$0x8690];
	v4 =	vmul.f32 v17, v4  }
0x369: {  	v5 =	vadd.f32 v5, v11;
	v11 =	vld [tilespmem:$0x1F6F0]  }
0x36a: {  	v15 =	vmul.f32 v15, v3;
	v4 =	vadd.f32 v4, v16;
	v16 =	vld [tilespmem:$0x1F730]  }
0x36b: {  	v21 =	vld [tilespmem:s21+$0x770]  }
0x36c: {  	v12 =	vadd.f32 v15, v12;
	v15 =	vld [tilespmem:$0x1F720]  }
0x36d: {  	v14 =	vld [tilespmem:s21+$0x86C0];
	v17 =	vmul.f32 v61, v55  }
0x36e: {  	v11 =	vmul.f32 v11, v18;
	v18 =	vld [tilespmem:s21+$0x6C0]  }
0x36f: {  	v3 =	vmul.f32 v16, v3;
	v16 =	vadd.f32 $0.0e+00, v17;
	v17 =	vld [tilespmem:$0x1F740]  }
0x370: {  	v5 =	vadd.f32 v11, v5;
	v11 =	vld [tilespmem:s21+$0x6D0]  }
0x371: {  	v15 =	vmul.f32 v15, v21;
	v3 =	vadd.f32 v3, v4;
	v4 =	vld [tilespmem:$0x1F750]  }
0x372: {  	v60 =	vld [tilespmem:s21+$0x10610]  }
0x373: {  	v7 =	vld [tilespmem:s21+$0x8680];
	v14 =	vmul.f32 v14, v18;
	v12 =	vadd.f32 v15, v12  }
0x374: {  	v46, _, _ =	vpop (xrf2);
	v56 =	vld [tilespmem:s21+$0x720];
	(xrf2) =	vadd.scan.msk.f32 $0xffff, v5;
	v17 =	vmul.f32 v17, v57  }
0x375: {  	v45, _, _ =	vpop (xrf2);
	v19 =	vld [tilespmem:s21+$0x680];
	(xrf2) =	vadd.scan.msk.f32 $0xffff, v12;
	v12 =	vadd.f32 $0.0e+00, v14  }
0x376: {  	v14 =	vmul.f32 v48, v11;
	v4 =	vmul.f32 v4, v21;
	v16 =	vadd.f32 v17, v16;
	v17 =	vld [tilespmem:$0x1F760]  }
0x377: {  	v5 =	vld [tilespmem:s21+$0x6E0]  }
0x378: {  	v12 =	vadd.f32 v14, v12;
	v14 =	vld [tilespmem:$0x1F780];
	v3 =	vadd.f32 v4, v3  }
0x379: {  	v4 =	vld [tilespmem:s21+$0x690]  }
0x37a: {  	v50, _, _ =	vpop (xrf2);
	(xrf2) =	vadd.scan.msk.f32 $0xffff, v3;
	v3 =	vld [tilespmem:$0x1F7B0]  }
0x37b: {  	v58 =	vld [tilespmem:s21+$0x730];
	v17 =	vmul.f32 v17, v56  }
0x37c: {  	v0 =	vmul.f32 v0, v18;
	v18 =	vld [tilespmem:s21+$0x8600];
	v7 =	vmul.f32 v7, v19  }
0x37d: {  	v16 =	vadd.f32 v17, v16;
	v17 =	vld [tilespmem:$0x1F770]  }
0x37e: {  	v7 =	vadd.f32 $0.0e+00, v7;
	v15 =	vld [tilespmem:s21+$0x6F0];
	v14 =	vmul.f32 v14, v5;
	v2 =	vmul.f32 v2, v4  }
0x37f: {  	v0 =	vadd.f32 $0.0e+00, v0;
	v19 =	vmul.f32 v20, v19;
	v21 =	vld [tilespmem:s21+$0x8610];
	v3 =	vmul.f32 v3, v11  }
0x380: {  	v20 =	vmul.f32 v24, v22;
	v12 =	vadd.f32 v14, v12;
	v14 =	vld [tilespmem:$0x1F7C0];
	v2 =	vadd.f32 v2, v7  }
0x381: {  	v0 =	vadd.f32 v3, v0;
	v3 =	vld [tilespmem:$0x1F7D0]  }
0x382: {  	v20 =	vadd.f32 v20, v2;
	v2 =	vld [tilespmem:$0x1F830];
	v17 =	vmul.f32 v17, v58  }
0x383: {  	v7 =	vld [tilespmem:$0x1F820]  }
0x384: {  	v11 =	vadd.f32 v17, v16;
	v17 =	vld [tilespmem:s21+$0x600]  }
0x385: {  	v16 =	vld [tilespmem:$0x1F7F0]  }
0x386: {  	v3 =	vmul.f32 v3, v5;
	v5 =	vld [tilespmem:$0x1F7E0]  }
0x387: {  	v14 =	vmul.f32 v14, v15;
	v24 =	vmul.f32 v2, v23;
	v2 =	vld [tilespmem:$0x1F840]  }
0x388: {  	v0 =	vadd.f32 v3, v0;
	v3 =	vld [tilespmem:$0x1F800]  }
0x389: {  	v38, _, _ =	vpop (xrf2);
	(xrf2) =	vadd.scan.msk.f32 $0xffff, v11;
	v11 =	vadd.f32 v14, v12;
	v14 =	vld [tilespmem:s21+$0x610]  }
0x38a: {  	v19 =	vadd.f32 $0.0e+00, v19;
	v4 =	vmul.f32 v1, v4;
	v12 =	vld [tilespmem:s21+$0x8640]  }
0x38b: {  	v52 =	vmul.f32 v5, v16;
	v5 =	vld [tilespmem:s21+$0x10600]  }
0x38c: {  	v4 =	vadd.f32 v4, v19;
	v19 =	vmul.f32 v2, v22;
	v2 =	vld [tilespmem:$0x1F850]  }
0x38d: {  	v15 =	vmul.f32 v3, v15;
	v3 =	vld [tilespmem:$0x1F810]  }
0x38e: {  	p0 =	sne.s32 s24, $0x1F000;
	v22 =	vadd.f32 v19, v4;
	v4 =	vld [tilespmem:$0x1F860]  }
.Ltmp0:
0x38f: {  	v29, _, _ =	vpop (xrf2);
	(xrf2) =	vadd.scan.msk.f32 $0xffff, v11;
	v11 =	vld [tilespmem:s21+$0x640];
	(pc) =	sbr.rel @p0 .LBB2_2-.Ltmp0, $4  }
0x390: {  	v16 =	vld [tilespmem:s21+$0x620]  }
0x391: {  	v27 =	vmul.f32 v21, v14;
	v28 =	vadd.f32 v15, v0;
	v15 =	vmul.f32 v18, v17;
	v18 =	vld [tilespmem:s21+$0x8650]  }
0x392: {  	v1, _, _ =	vpop (xrf2);
	v21 =	vadd.f32 v24, v20;
	v2 =	vmul.f32 v2, v40;
	v24 =	vmul.f32 v5, v17;
	v17 =	vld [tilespmem:s21+$0x650]  }
0x393: {  	s24 =	sadd.s32 $0x1000, s24;
	v0, _, _ =	vpop (xrf2);
	(xrf2) =	vadd.scan.msk.f32 $0xffff, v28;
	v26 =	vadd.f32 $0.0e+00, v15;
	v3 =	vmul.f32 v3, v7;
	v7 =	vld [tilespmem:s21+$0x630];
	v23 =	vmul.f32 v4, v23  }
0x394: {  	v4 =	vld [tilespmem:s21+$0x10640]  }
0x395: {  	v15 =	vld [tilespmem:s21+$0x660]  }
0x396: {  	v61 =	vld [tilespmem:s21+$0x10650]  }
0x397: {  	v28 =	vld [tilespmem:s21+$0x10660]  }
0x398: {  	v35 =	vld [tilespmem:$0x1FCD0]  }
0x399: {  	v36 =	vld [tilespmem:s21+$0x10710]  }
0x39a: {  	v47 =	vld [tilespmem:s21+$0x10670]  }
0x39b: {  	v51 =	vld [tilespmem:s21+$0x10720]  }
0x39c: {  	v53 =	vld [tilespmem:$0x1FCC0]  }
0x39d: {  	v5 =	vmul.f32 v60, v14;
	v60 =	vadd.f32 $0.0e+00, v24;
	v24 =	vld [tilespmem:s21+$0x107E0]  }
0x39e: {  	v19 =	vadd.f32 v27, v26;
	v26 =	vld [tilespmem:$0x1FD10]  }
0x39f: {  	v27 =	vld [tilespmem:s21+$0x670]  }
0x3a0: {  	v20 =	vmul.f32 v37, v16;
	v37 =	vld [tilespmem:$0x1FCB0]  }
0x3a1: {  	v12 =	vmul.f32 v12, v11;
	v5 =	vadd.f32 v5, v60;
	v60 =	vld [tilespmem:$0x1FCF0]  }
0x3a2: {  	v22 =	vadd.f32 v23, v22;
	v23 =	vld [tilespmem:$0x1FCA0];
	v18 =	vmul.f32 v18, v17;
	v4 =	vmul.f32 v4, v11  }
0x3a3: {  	v12 =	vadd.f32 $0.0e+00, v12;
	v48 =	vmul.f32 v61, v17;
	v49 =	vmul.f32 v43, v15;
	v61 =	vld [tilespmem:s21+$0x10730]  }
0x3a4: {  	v19 =	vadd.f32 v20, v19;
	v11 =	vmul.f32 v36, v57;
	v36 =	vld [tilespmem:$0x1FC40];
	v14 =	vmul.f32 v26, v16  }
0x3a5: {  	(xrf2) =	vadd.scan.msk.f32 $0xffff, v21;
	v12 =	vadd.f32 v18, v12;
	v40 =	vmul.f32 v37, v7;
	v21 =	vmul.f32 v47, v27;
	v37 =	vld [tilespmem:$0x1FCE0]  }
0x3a6: {  	v18 =	vmul.f32 v60, v27;
	v27 =	vld [tilespmem:s21+$0x10890];
	v5 =	vadd.f32 v14, v5;
	v14 =	vmul.f32 v35, v7  }
0x3a7: {  	v4 =	vadd.f32 $0.0e+00, v4;
	v12 =	vadd.f32 v49, v12;
	v49 =	vld [tilespmem:$0x1FD00]  }
0x3a8: {  	v1 =	vbroadcast v1, $0xF;
	v35 =	vld [tilespmem:s21+$0x108A0];
	v14 =	vadd.f32 v14, v19;
	v19 =	vmul.f32 v53, v55  }
0x3a9: {  	v0 =	vbroadcast v0, $0xF;
	v15 =	vmul.f32 v28, v15;
	v4 =	vadd.f32 v48, v4;
	v55 =	vld [tilespmem:s21+$0x107D0]  }
0x3aa: {  	(xrf2) =	vadd.scan.msk.f32 $0xffff, v22;
	v43 =	vmul.f32 v24, v30;
	v5 =	vadd.f32 v40, v5;
	v40 =	vld [tilespmem:$0x1FC90];
	v22 =	vadd.f32 $0.0e+00, v19  }
0x3ab: {  	v7 =	vmul.f32 v51, v56;
	v48 =	vld [tilespmem:$0x1FC80];
	v4 =	vadd.f32 v15, v4;
	(xrf2) =	vadd.scan.msk.f32 $0xffff, v14;
	v14 =	vmul.f32 v23, v32  }
0x3ac: {  	v12 =	vadd.f32 v18, v12;
	v53 =	vld [tilespmem:$0x1FC60];
	v16 =	vmul.f32 v36, v37;
	v26 =	vadd.f32 v11, v22  }
0x3ad: {  	v37 =	vbroadcast v38, $0xF;
	v32 =	vld [tilespmem:s21+$0x107F0];
	v4 =	vadd.f32 v21, v4;
	v14 =	vadd.f32 $0.0e+00, v14  }
0x3ae: {  	(xrf2) =	vadd.scan.msk.f32 $0xffff, v5;
	v21 =	vld [tilespmem:$0x1FC70];
	v28 =	vmul.f32 v55, v33;
	v33 =	vmul.f32 v61, v58;
	v5 =	vadd.f32 v7, v26  }
0x3af: {  	v38 =	vbroadcast v50, $0xF;
	(xrf2) =	vadd.scan.msk.f32 $0xffff, v12;
	v13 =	vmul.f32 v40, v13;
	v55 =	vld [tilespmem:$0x1FD20]  }
0x3b0: {  	v11 =	vmul.f32 v27, v62;
	v62 =	vld [tilespmem:$0x1FD30];
	(xrf2) =	vadd.scan.msk.f32 $0xffff, v4;
	v12 =	vadd.f32 v28, v14;
	v5 =	vadd.f32 v33, v5  }
0x3b1: {  	v50 =	vbroadcast v41, $0xF;
	v16 =	vadd.f32 $0.0e+00, v16;
	v61 =	vld [tilespmem:$0x1FC50];
	v13 =	vadd.f32 $0.0e+00, v13  }
0x3b2: {  	v47, _, _ =	vpop (xrf2);
	v17 =	vmul.f32 v48, v49;
	v56 =	vmul.f32 v32, v31;
	v12 =	vadd.f32 v43, v12;
	(xrf2) =	vadd.scan.msk.f32 $0xffff, v5  }
0x3b3: {  	v51, _, _ =	vpop (xrf2);
	v48 =	vbroadcast v45, $0xF;
	v4 =	vmul.f32 v35, v6;
	v11 =	vadd.f32 v11, v13  }
0x3b4: {  	v57, _, _ =	vpop (xrf2);
	v60 =	vadd.f32 $0.0e+00, v17;
	v19 =	vmul.f32 v53, v55;
	v12 =	vadd.f32 v56, v12  }
0x3b5: {  	v49 =	vbroadcast v44, $0xF;
	v58, _, _ =	vpop (xrf2);
	v17 =	vmul.f32 v21, v63;
	v4 =	vadd.f32 v4, v11  }
0x3b6: {  	v3 =	vadd.f32 v3, v16;
	v20, _, _ =	vpop (xrf2);
	v15 =	vmul.f32 v61, v62;
	v22 =	vadd.f32 v19, v60;
	(xrf2) =	vadd.scan.msk.f32 $0xffff, v12  }
0x3b7: {  	v40 =	vbroadcast v29, $0xF;
	v6 =	vbroadcast v58, $0xF;
	v23, _, _ =	vpop (xrf2);
	v4 =	vadd.f32 v17, v4  }
0x3b8: {  	v7 =	vbroadcast v47, $0xF;
	v47 =	vbroadcast v46, $0xF;
	v24, _, _ =	vpop (xrf2);
	v11 =	vadd.f32 v15, v22  }
0x3b9: {  	v58 =	vbroadcast v54, $0xF;
	v3 =	vadd.f32 v52, v3;
	v32 =	vbroadcast v20, $0xF;
	v26, _, _ =	vpop (xrf2);
	(xrf2) =	vadd.scan.msk.f32 $0xffff, v4  }
0x3ba: {  	v13 =	vbroadcast v23, $0xF;
	v15 =	vbroadcast v26, $0xF;
	v27, _, _ =	vpop (xrf2);
	v2 =	vadd.f32 v2, v11  }
0x3bb: {  	v28 =	vbroadcast v24, $0xF;
	v30 =	vbroadcast v27, $0xF  }
0x3bc: {  	v33 =	vbroadcast v51, $0xF;
	v3 =	vadd.f32 v34, v3;
	v31 =	vsel vm0, v13, v15;
	v34, _, _ =	vpop (xrf2);
	(xrf2) =	vadd.scan.msk.f32 $0xffff, v2  }
0x3bd: {  	v5 =	vbroadcast v57, $0xF;
	v11 =	vsel vm0, v28, v30;
	v4 =	vsel vm1, v31, v6  }
0x3be: {  	v11 =	vsel vm1, v11, v32;
	v4 =	vsel vm2, v4, v33;
	v35 =	vbroadcast v34, $0xF  }
0x3bf: {  	v51 =	vbroadcast v39, $0xF;
	v36 =	vsel vm2, v11, v5;
	v4 =	vsel vm3, v4, v7  }
0x3c0: {  	v53 =	vbroadcast v42, $0xF;
	v1 =	vsel vm4, v4, v1;
	v2 =	vsel vm3, v36, v35;
	v43, _, _ =	vpop (xrf2);
	(xrf2) =	vadd.scan.msk.f32 $0xffff, v3  }
0x3c1: {  	v1 =	vsel vm5, v1, v37;
	v0 =	vsel vm4, v2, v0;
	v2 =	vbroadcast v43, $0xF  }
0x3c2: {  	v55 =	vbroadcast v25, $0xF;
	v1 =	vsel vm6, v1, v38;
	v0 =	vsel vm5, v0, v40  }
0x3c3: {  	v57 =	vbroadcast v8, $0xF;
	v62 =	vld [tilespmem:$0x1FED0];
	v1 =	vsel vm7, v1, v47;
	v52, _, _ =	vpop (xrf2);
	v0 =	vsel vm6, v0, v2  }
0x3c4: {  	v1 =	vsel vm8, v1, v49;
	v3 =	vbroadcast v52, $0xF;
	v0 =	vsel vm7, v0, v48  }
0x3c5: {  	v56 =	vbroadcast v9, $0xF;
	v1 =	vsel vm9, v1, v50;
	v0 =	vsel vm8, v0, v51  }
0x3c6: {  	v61 =	vbroadcast v10, $0xF;
	v1 =	vsel vm10, v1, v53;
	v0 =	vsel vm9, v0, v3;
	v60, _, _ =	vpop (xrf2)  }
0x3c7: {  	v1 =	vsel vm11, v1, v56;
	v0 =	vsel vm10, v0, v55;
	v4 =	vbroadcast v60, $0xF  }
0x3c8: {  	v1 =	vsel vm12, v1, v57;
	v3 =	vbroadcast v62, $0xF;
	v0 =	vsel vm11, v0, v58  }
0x3c9: {  	v1 =	vsel vm13, v1, v61;
	v0 =	vsel vm12, v0, v4  }
0x3ca: {  	s23 =	sadd.s32 $0x10, s23;
	v1 =	vsel vm14, v1, v59;
	v63, _, _ =	vpop (xrf2);
	v0 =	vsel vm13, v0, v3  }
0x3cb: {  	s24 =	sadd.s32 $0x10, s22;
	[tilespmem:s23+$0x0] =	vst v1;
	v0 =	vsel vm14, v0, v63  }
0x3cc: {  	[tilespmem:s24+$0x0] =	vst v0  }
0x3cd: {  	[hbm4b:s8+s2] =	stream.linear.scatter [tilespmem:s18], [sflag:$0x2], $0x200, $0x38;
	[tilespmem:$0x18A00] =	vst v63  }
0x3ce: {  	s20 =	sadd.s32 $0x1, s20;
	_ =	swait.ge [sflag:s11], $0x200  }
0x3cf: {  	p0 =	sne.s32 s20, s10;
	[sflag:s11] =	ssyncset.done $0x0  }
.Ltmp1:
0x3d0: {  	[sflag:s11] =	ssyncadd.s32 $0xFFFFFE00;
	(pc) =	sbr.rel @p0 .LBB2_1-.Ltmp1, $4  }
0x3d1: {  	[hbm4b:s9+s2] =	stream.linear.scatter [tilespmem:s19], [sflag:$0x2], $0x200, $0x38;
	[tilespmem:$0x18A00] =	vst v63  }
0x3d2: {  	_ =	swait.ge [sflag:s11], $0x200  }
0x3d3: {  	[sflag:s11] =	ssyncset.done $0x0  }
0x3d4: {  	[sflag:s11] =	ssyncadd.s32 $0xFFFFFE00  }
0x3d5: {  	_ =	sfence.sel $0x180000  }
0x3d6: {  	[bflag:$0x0] =	sbarrier.arrive $0xFFFF  }
0x3d7: {  	_ =	strace $0x90000047  }
0x3d8: {  	s0 =	stileid.u32;
	[bflag:$0x2] =	sbarrier.arrive $0xFFFF  }
0x3d9: {  	p0 =	sne.s32 s0, $0x0;
	s0 =	rddreg [dreg:$0x6]  }
0x3da: {  	s0 =	sadd.s32 @!p0 $0x100000, s0  }
0x3db: {  	[sflag:s0] =	ssyncadd.tile.s32 @!p0 $0x1;
	_ =	shalt  }
.Lfunc_end2:
_tile_overlayer_lowered:
.L_overlay_start_2:
0x3dc: {  	(tag) =	ssettag $0x2  }
0x3dd: {  	s0 =	rddreg [dreg:$0x0];
	s2 =	stileid.u32  }
0x3de: {  	s1 =	rddreg [dreg:$0x1];
	p0 =	sne.s32 s2, $0x0  }
0x3df: {  	s3 =	rddreg [dreg:$0x2];
	[bflag:$0x3] =	sbarrier.arrive $0xFFFF;
	s2 =	simm.s32 @!p0 $0x1C02  }
0x3e0: {  	[timem:s3], [sflag:s2] =	dma.local @!p0 [hbm:s0], s1  }
0x3e1: {  	s0 =	simm.s32 @!p0 $0x2  }
0x3e2: {  	_ =	swait.ge @!p0 [sflag:s0], s1  }
0x3e3: {  	s1 =	ssub.s32 @!p0 $0x0, s1;
	[sflag:s0] =	ssyncset.done @!p0 $0x0  }
0x3e4: {  	[sflag:s0] =	ssyncadd.s32 @!p0 s1  }
0x3e5: {  	[bflag:$0x3] =	sbarrier.arrive $0xFFFF  }
0x3e6: {  	_ =	shalt  }

</sc_bundles>
